<compile_context>
chip_gen: v7x
topology: tpu7x:2x2x1
jax: 0.10.2.dev20260603
libtpu: 0.0.44.dev20260713+nightly
codegen_flags: <defaults>
</compile_context>

<pallas_src>
import functools

import jax
import jax.numpy as jnp
from jax import lax
from jax.experimental import pallas as pl
from jax.experimental.pallas import tpu as pltpu
from jax.experimental.pallas import tpu_sc as plsc

N_REAL = 10000
NP = 10240
D = 256
DH = 128
E_REAL = 160000
EP = 163840
EPT = EP // 32
CHUNK = 128
NCHUNK = EPT // CHUNK
RPT = NP // 16
R_TC = 1024
GRID_TC = NP // R_TC

_mesh = plsc.VectorSubcoreMesh(core_axis_name="c", subcore_axis_name="s")



@functools.partial(
    pl.kernel,
    out_type=jax.ShapeDtypeStruct((2 * NP,), jnp.float32),
    mesh=_mesh,
    scratch_types=[
        pltpu.VMEM((CHUNK,), jnp.int32),
        pltpu.VMEM((CHUNK,), jnp.float32),
        pltpu.VMEM((RPT,), jnp.float32),
        pltpu.VMEM_SHARED((NP,), jnp.float32),
    ],
)
def _deg_kernel(dst_hbm, cnt_hbm, didx_v, ones_v, zero_v, deg_sh):
    c = lax.axis_index("c")
    s = lax.axis_index("s")
    rows = pl.ds(s * RPT, RPT)

    def fill(i, _):
        zero_v[pl.ds(i * 16, 16)] = jnp.zeros((16,), jnp.float32)
        return 0

    lax.fori_loop(0, RPT // 16, fill, 0)

    def fill1(i, _):
        ones_v[pl.ds(i * 16, 16)] = jnp.ones((16,), jnp.float32)
        return 0

    lax.fori_loop(0, CHUNK // 16, fill1, 0)

    pltpu.sync_copy(zero_v, deg_sh.at[rows])
    plsc.subcore_barrier()

    tile_base = (c * 16 + s) * EPT

    def chunk(k, _):
        pltpu.sync_copy(dst_hbm.at[pl.ds(tile_base + k * CHUNK, CHUNK)], didx_v)
        pltpu.sync_copy(ones_v, deg_sh.at[didx_v], add=True)
        return 0

    lax.fori_loop(0, NCHUNK, chunk, 0)
    plsc.subcore_barrier()
    pltpu.sync_copy(deg_sh.at[rows], cnt_hbm.at[pl.ds(c * NP + s * RPT, RPT)])


NTCH = EP // 16 // CHUNK
NPH = 2
CPP = NTCH // NPH
NB = 2
NGRP = CPP // NB


@functools.partial(
    pl.kernel,
    out_type=jax.ShapeDtypeStruct((2 * NP, DH), jnp.float32),
    mesh=_mesh,
    scratch_types=[
        pltpu.VMEM((CPP, CHUNK), jnp.int32),
        pltpu.VMEM((CPP, CHUNK), jnp.int32),
        [pltpu.VMEM((CHUNK, DH), jnp.float32)] * NB,
        [pltpu.SemaphoreType.DMA] * NB,
        pltpu.VMEM_SHARED((NP, DH), jnp.float32),
    ],
)
def _prop_kernel(y_hbm, src2_hbm, dst2_hbm, acc_hbm,
                 sidx_a, didx_a, rows_bufs, gsems, acc_sh):
    c = lax.axis_index("c")
    s = lax.axis_index("s")
    rows = pl.ds(s * RPT, RPT)
    half = c * NP

    pltpu.sync_copy(y_hbm.at[pl.ds(half + s * RPT, RPT)], acc_sh.at[rows])
    plsc.subcore_barrier()

    def gath(k, b):
        return pltpu.make_async_copy(y_hbm.at[sidx_a.at[k]], rows_bufs[b],
                                     gsems[b])

    for p in range(NPH):
        pltpu.sync_copy(
            src2_hbm.at[pl.ds((c * 16 + s) * NTCH + p * CPP, CPP)], sidx_a)
        pltpu.sync_copy(dst2_hbm.at[pl.ds(s * NTCH + p * CPP, CPP)], didx_a)

        gath(0, 0).start()

        def group(g, _):
            k0 = g * NB
            gath(k0 + 1, 1).start()
            gath(k0, 0).wait()
            pltpu.sync_copy(rows_bufs[0], acc_sh.at[didx_a.at[k0]], add=True)

            @pl.when(g < NGRP - 1)
            def _():
                gath(k0 + 2, 0).start()

            gath(k0 + 1, 1).wait()
            pltpu.sync_copy(rows_bufs[1], acc_sh.at[didx_a.at[k0 + 1]],
                            add=True)
            return 0

        lax.fori_loop(0, NGRP, group, 0)

    plsc.subcore_barrier()
    pltpu.sync_copy(acc_sh.at[rows], acc_hbm.at[pl.ds(half + s * RPT, RPT)])



def _k1_body(x_b, w_b, deg_b, ys_b, dinv_b):
    deg = deg_b[...]
    dinv = lax.rsqrt(deg[:, 0:1] + deg[:, 1:2] + 1.0)
    y = jnp.dot(x_b[...], w_b[...], preferred_element_type=jnp.float32) * dinv
    ys_b[0] = y[:, :DH]
    ys_b[1] = y[:, DH:]
    dinv_b[...] = dinv


def _mid_body(a_b, dinv_b, b_b, w_b, ys_b):
    dinv = dinv_b[...]
    acc = jnp.concatenate([a_b[0], a_b[1]], axis=1)
    h = jnp.maximum(acc * dinv + b_b[...], 0.0)
    y = jnp.dot(h, w_b[...], preferred_element_type=jnp.float32) * dinv
    ys_b[0] = y[:, :DH]
    ys_b[1] = y[:, DH:]


def _out_body(a_b, dinv_b, b_b, o_b):
    acc = jnp.concatenate([a_b[0], a_b[1]], axis=1)
    o_b[...] = acc * dinv_b[...] + b_b[...]


def _row_spec(cols):
    return pl.BlockSpec((R_TC, cols), lambda i: (i, 0))


def _stk_spec():
    return pl.BlockSpec((2, R_TC, DH), lambda i: (0, i, 0))


def _full_spec(rows, cols):
    return pl.BlockSpec((rows, cols), lambda i: (0, 0))


def _k1(xp, w1, deg_t):
    return pl.pallas_call(
        _k1_body,
        grid=(GRID_TC,),
        in_specs=[_row_spec(D), _full_spec(D, D), _row_spec(2)],
        out_specs=(_stk_spec(), _row_spec(1)),
        out_shape=(
            jax.ShapeDtypeStruct((2, NP, DH), jnp.float32),
            jax.ShapeDtypeStruct((NP, 1), jnp.float32),
        ),
    )(xp, w1, deg_t)


def _mid(a, dinv, b, w):
    return pl.pallas_call(
        _mid_body,
        grid=(GRID_TC,),
        in_specs=[_stk_spec(), _row_spec(1), _full_spec(1, D), _full_spec(D, D)],
        out_specs=_stk_spec(),
        out_shape=jax.ShapeDtypeStruct((2, NP, DH), jnp.float32),
    )(a, dinv, b, w)


def _out(a, dinv, b):
    return pl.pallas_call(
        _out_body,
        grid=(GRID_TC,),
        in_specs=[_stk_spec(), _row_spec(1), _full_spec(1, D)],
        out_specs=_row_spec(D),
        out_shape=jax.ShapeDtypeStruct((NP, D), jnp.float32),
    )(a, dinv, b)



def kernel(x, edge_index, W1, b1, W2, b2, W3, b3):
    src = edge_index[0].astype(jnp.int32)
    dst = edge_index[1].astype(jnp.int32)
    pad = EP - E_REAL
    srcp = jnp.concatenate([src, jnp.zeros((pad,), jnp.int32)])
    srcp = jnp.concatenate([srcp, srcp + NP])
    dstp = jnp.concatenate(
        [dst, N_REAL + (jnp.arange(pad, dtype=jnp.int32) % (NP - N_REAL))])
    xp = jnp.zeros((NP, D), jnp.float32).at[:N_REAL].set(x)

    cnt = _deg_kernel(dstp)
    deg_t = jnp.transpose(cnt.reshape(2, NP))

    src2 = srcp.reshape(2 * EP // CHUNK, CHUNK)
    dst2 = dstp.reshape(EP // CHUNK, CHUNK)
    ys, dinv = _k1(xp, W1, deg_t)
    acc = _prop_kernel(ys.reshape(2 * NP, DH), src2, dst2).reshape(2, NP, DH)
    ys = _mid(acc, dinv, b1.reshape(1, D), W2)
    acc = _prop_kernel(ys.reshape(2 * NP, DH), src2, dst2).reshape(2, NP, DH)
    ys = _mid(acc, dinv, b2.reshape(1, D), W3)
    acc = _prop_kernel(ys.reshape(2 * NP, DH), src2, dst2).reshape(2, NP, DH)
    out = _out(acc, dinv, b3.reshape(1, D))
    return out[:N_REAL]

# --- scband reference (transcript-rebuilt; emitter-appended) ---
"""Pipeline reference for scband-gnn-12000138625448 (READ-ONLY COPY).

The authoritative reference and input builder live on the scoring server;
editing this copy changes nothing except your own understanding.
"""

import jax, jax.numpy as jnp
import numpy as np

N_NODES = 10000
N_EDGES = 160000
D_IN = 256
D_HID = 256
D_OUT = 256


def setup_inputs(seed: int = 0) -> dict:
    key = jax.random.key(seed)
    ks = jax.random.split(key, 8)
    x = jax.random.normal(ks[0], (N_NODES, D_IN), dtype=jnp.float32)
    edge_index = jax.random.randint(ks[1], (2, N_EDGES), 0, N_NODES, dtype=jnp.int64)
    # GCN stack: layer_sizes = [256, 256, 256, 256] -> 3 GCNConv layers
    s1 = 1.0 / np.sqrt(D_IN)
    s2 = 1.0 / np.sqrt(D_HID)
    W1 = jax.random.uniform(ks[2], (D_IN, D_HID), jnp.float32, -s1, s1)
    b1 = jnp.zeros((D_HID,), jnp.float32)
    W2 = jax.random.uniform(ks[3], (D_HID, D_HID), jnp.float32, -s2, s2)
    b2 = jnp.zeros((D_HID,), jnp.float32)
    W3 = jax.random.uniform(ks[4], (D_HID, D_OUT), jnp.float32, -s2, s2)
    b3 = jnp.zeros((D_OUT,), jnp.float32)
    return {"x": x, "edge_index": edge_index, "W1": W1, "b1": b1, "W2": W2, "b2": b2, "W3": W3, "b3": b3}


def _gcn_conv(x, src, dst, norm, W, b):
    # x' = scatter_add(norm * (x W)[src] -> dst) + b
    xw = x @ W
    msg = xw[src] * norm[:, None]
    out = jnp.zeros((x.shape[0], W.shape[1]), dtype=x.dtype).at[dst].add(msg)
    return out + b


def reference(x, edge_index, W1, b1, W2, b2, W3, b3):
    n = x.shape[0]
    # add self-loops (GCNConv default)
    loop = jnp.arange(n, dtype=edge_index.dtype)
    src = jnp.concatenate([edge_index[0], loop])
    dst = jnp.concatenate([edge_index[1], loop])
    # symmetric normalization D^{-1/2} A_hat D^{-1/2}
    deg = jnp.zeros((n,), dtype=x.dtype).at[dst].add(1.0)
    dinv = jnp.where(deg > 0, jax.lax.rsqrt(deg), 0.0)
    norm = dinv[src] * dinv[dst]
    h = _gcn_conv(x, src, dst, norm, W1, b1)
    h = jax.nn.relu(h)
    h = _gcn_conv(h, src, dst, norm, W2, b2)
    h = jax.nn.relu(h)
    h = _gcn_conv(h, src, dst, norm, W3, b3)
    return h

if __name__ == "__main__":
    import jax
    _d = setup_inputs()
    print(jax.jit(kernel)(*tuple(_d.values())))

</pallas_src>

<mosaic_0001>
#map = affine_map<(d0, d1) -> (0, 0)>
module attributes {stable_mosaic.version = 14 : i64} {
  func.func @_prop_kernel(%arg0: i32, %arg1: i32, %arg2: memref<20480x128xf32, #tpu.memory_space<hbm>>, %arg3: memref<2560x128xi32, #tpu.memory_space<hbm>>, %arg4: memref<1280x128xi32, #tpu.memory_space<hbm>>, %arg5: memref<20480x128xf32, #tpu.memory_space<hbm>>, %arg6: memref<40x128xi32, #tpu.memory_space<vmem>>, %arg7: memref<40x128xi32, #tpu.memory_space<vmem>>, %arg8: memref<128x128xf32, #tpu.memory_space<vmem>>, %arg9: memref<128x128xf32, #tpu.memory_space<vmem>>, %arg10: memref<!tpu.dma_semaphore, #tpu.memory_space<semaphore_mem>>, %arg11: memref<!tpu.dma_semaphore, #tpu.memory_space<semaphore_mem>>, %arg12: memref<10240x128xf32, #tpu.memory_space<vmem_shared>>) attributes {dimension_semantics = [#tpu.dimension_semantics<core_parallel>, #tpu.dimension_semantics<subcore_parallel>], iteration_bounds = array<i64: 2, 16>, scalar_prefetch = 0 : i64, scratch_operands = 7 : i64, tpu.core_type = #tpu.core_type<sc_vector_subcore>, window_params = [{transform_indices = #map}, {transform_indices = #map}, {transform_indices = #map}, {transform_indices = #map}]} {
    %mul3A = arith.constant 640 : i32
    %mul3A_0 = arith.muli %arg1, %mul3A : i32
    %mul3A_1 = arith.constant 10240 : i32
    %mul3A_2 = arith.muli %arg0, %mul3A_1 : i32
    %mul3A_3 = arith.constant 640 : i32
    %mul3A_4 = arith.muli %arg1, %mul3A_3 : i32
    %add3A = arith.addi %mul3A_2, %mul3A_4 : i32
    "tpu.region"() ({
      %run_scoped3A = tpu.sem_alloc : memref<!tpu.dma_semaphore, #tpu.memory_space<semaphore_mem>>
      %dma_start3A_57 = arith.constant 0 : i32
      %dma_start3A_58 = tpu.memref_slice %arg12[%mul3A_0, %dma_start3A_57] : memref<10240x128xf32, #tpu.memory_space<vmem_shared>> -> memref<640x128xf32, #tpu.memory_space<vmem_shared>>
      %dma_start3A_59 = arith.constant 0 : i32
      %dma_start3A_60 = tpu.memref_slice %arg2[%add3A, %dma_start3A_59] : memref<20480x128xf32, #tpu.memory_space<hbm>> -> memref<640x128xf32, #tpu.memory_space<hbm>>
      tpu.enqueue_dma source(%dma_start3A_60 : memref<640x128xf32, #tpu.memory_space<hbm>>) target(%dma_start3A_58 : memref<640x128xf32, #tpu.memory_space<vmem_shared>>) target_semaphore(%run_scoped3A : memref<!tpu.dma_semaphore, #tpu.memory_space<semaphore_mem>>)
      %dma_wait3A = arith.constant 0 : i32
      %dma_wait3A_61 = tpu.memref_slice %arg12[%mul3A_0, %dma_wait3A] : memref<10240x128xf32, #tpu.memory_space<vmem_shared>> -> memref<640x128xf32, #tpu.memory_space<vmem_shared>>
      %dma_wait3A_62 = arith.constant 0 : i32
      %dma_wait3A_63 = tpu.memref_slice %arg2[%add3A, %dma_wait3A_62] : memref<20480x128xf32, #tpu.memory_space<hbm>> -> memref<640x128xf32, #tpu.memory_space<hbm>>
      tpu.wait_dma2 semaphore(%run_scoped3A : memref<!tpu.dma_semaphore, #tpu.memory_space<semaphore_mem>>) src(%dma_wait3A_63 : memref<640x128xf32, #tpu.memory_space<hbm>>) dst(%dma_wait3A_61 : memref<640x128xf32, #tpu.memory_space<vmem_shared>>)
      tpu.yield
    }) : () -> ()
    %barrier3A = arith.constant 0 : index
    tpu.barrier barrier_id(%barrier3A)
    %mul3A_5 = arith.constant 16 : i32
    %mul3A_6 = arith.muli %arg0, %mul3A_5 : i32
    %add3A_7 = arith.addi %mul3A_6, %arg1 : i32
    %mul3A_8 = arith.constant 80 : i32
    %mul3A_9 = arith.muli %add3A_7, %mul3A_8 : i32
    %add3A_10 = arith.constant 0 : i32
    %add3A_11 = arith.addi %mul3A_9, %add3A_10 : i32
    "tpu.region"() ({
      %run_scoped3A = tpu.sem_alloc : memref<!tpu.dma_semaphore, #tpu.memory_space<semaphore_mem>>
      %dma_start3A_57 = arith.constant 0 : i32
      %dma_start3A_58 = tpu.memref_slice %arg3[%add3A_11, %dma_start3A_57] : memref<2560x128xi32, #tpu.memory_space<hbm>> -> memref<40x128xi32, #tpu.memory_space<hbm>>
      %dma_start3A_59 = arith.constant 0 : i32
      %dma_start3A_60 = tpu.memref_slice %arg3[%add3A_11, %dma_start3A_59] : memref<2560x128xi32, #tpu.memory_space<hbm>> -> memref<40x128xi32, #tpu.memory_space<hbm>>
      tpu.enqueue_dma source(%dma_start3A_60 : memref<40x128xi32, #tpu.memory_space<hbm>>) target(%arg6 : memref<40x128xi32, #tpu.memory_space<vmem>>) target_semaphore(%run_scoped3A : memref<!tpu.dma_semaphore, #tpu.memory_space<semaphore_mem>>)
      %dma_wait3A = arith.constant 0 : i32
      %dma_wait3A_61 = tpu.memref_slice %arg3[%add3A_11, %dma_wait3A] : memref<2560x128xi32, #tpu.memory_space<hbm>> -> memref<40x128xi32, #tpu.memory_space<hbm>>
      %dma_wait3A_62 = arith.constant 0 : i32
      %dma_wait3A_63 = tpu.memref_slice %arg3[%add3A_11, %dma_wait3A_62] : memref<2560x128xi32, #tpu.memory_space<hbm>> -> memref<40x128xi32, #tpu.memory_space<hbm>>
      tpu.wait_dma2 semaphore(%run_scoped3A : memref<!tpu.dma_semaphore, #tpu.memory_space<semaphore_mem>>) src(%dma_wait3A_63 : memref<40x128xi32, #tpu.memory_space<hbm>>) dst(%arg6 : memref<40x128xi32, #tpu.memory_space<vmem>>)
      tpu.yield
    }) : () -> ()
    %mul3A_12 = arith.constant 80 : i32
    %mul3A_13 = arith.muli %arg1, %mul3A_12 : i32
    %add3A_14 = arith.constant 0 : i32
    %add3A_15 = arith.addi %mul3A_13, %add3A_14 : i32
    "tpu.region"() ({
      %run_scoped3A = tpu.sem_alloc : memref<!tpu.dma_semaphore, #tpu.memory_space<semaphore_mem>>
      %dma_start3A_57 = arith.constant 0 : i32
      %dma_start3A_58 = tpu.memref_slice %arg4[%add3A_15, %dma_start3A_57] : memref<1280x128xi32, #tpu.memory_space<hbm>> -> memref<40x128xi32, #tpu.memory_space<hbm>>
      %dma_start3A_59 = arith.constant 0 : i32
      %dma_start3A_60 = tpu.memref_slice %arg4[%add3A_15, %dma_start3A_59] : memref<1280x128xi32, #tpu.memory_space<hbm>> -> memref<40x128xi32, #tpu.memory_space<hbm>>
      tpu.enqueue_dma source(%dma_start3A_60 : memref<40x128xi32, #tpu.memory_space<hbm>>) target(%arg7 : memref<40x128xi32, #tpu.memory_space<vmem>>) target_semaphore(%run_scoped3A : memref<!tpu.dma_semaphore, #tpu.memory_space<semaphore_mem>>)
      %dma_wait3A = arith.constant 0 : i32
      %dma_wait3A_61 = tpu.memref_slice %arg4[%add3A_15, %dma_wait3A] : memref<1280x128xi32, #tpu.memory_space<hbm>> -> memref<40x128xi32, #tpu.memory_space<hbm>>
      %dma_wait3A_62 = arith.constant 0 : i32
      %dma_wait3A_63 = tpu.memref_slice %arg4[%add3A_15, %dma_wait3A_62] : memref<1280x128xi32, #tpu.memory_space<hbm>> -> memref<40x128xi32, #tpu.memory_space<hbm>>
      tpu.wait_dma2 semaphore(%run_scoped3A : memref<!tpu.dma_semaphore, #tpu.memory_space<semaphore_mem>>) src(%dma_wait3A_63 : memref<40x128xi32, #tpu.memory_space<hbm>>) dst(%arg7 : memref<40x128xi32, #tpu.memory_space<vmem>>)
      tpu.yield
    }) : () -> ()
    %dma_start3A = arith.constant 0 : i32
    %dma_start3A_16 = arith.constant 0 : i32
    %dma_start3A_17 = tpu.memref_slice %arg6[%dma_start3A, %dma_start3A_16] : memref<40x128xi32, #tpu.memory_space<vmem>> -> memref<1x128xi32, #tpu.memory_space<vmem>>
    %dma_start3A_18 = tpu.memref_squeeze %dma_start3A_17 : memref<1x128xi32, #tpu.memory_space<vmem>> -> memref<128xi32, #tpu.memory_space<vmem>>
    %dma_start3A_19 = arith.constant 0 : i32
    %dma_start3A_20 = arith.constant 0 : i32
    %dma_start3A_21 = tpu.memref_slice %arg2[%dma_start3A_19, %dma_start3A_20] : memref<20480x128xf32, #tpu.memory_space<hbm>> -> memref<20480x128xf32, #tpu.memory_space<hbm>>
    tpu.enqueue_indirect_dma source(%dma_start3A_21 : memref<20480x128xf32, #tpu.memory_space<hbm>>) target(%arg8 : memref<128x128xf32, #tpu.memory_space<vmem>>) offsets(%dma_start3A_18 : memref<128xi32, #tpu.memory_space<vmem>>) semaphore(%arg10 : memref<!tpu.dma_semaphore, #tpu.memory_space<semaphore_mem>>)
    %scan3A = arith.constant 0 : i32
    %scan3A_22 = arith.constant 0 : i32
    %scan3A_23 = arith.constant 20 : i32
    %scan3A_24 = arith.addi %scan3A_22, %scan3A_23 : i32
    %scan3A_25 = arith.constant 1 : i32
    %scan3A_26 = scf.for %scan3A_57 = %scan3A_22 to %scan3A_24 step %scan3A_25 iter_args(%scan3A_58 = %scan3A) -> (i32)  : i32 {
      %mul3A_59 = arith.constant 2 : i32
      %mul3A_60 = arith.muli %scan3A_57, %mul3A_59 : i32
      %add3A_61 = arith.constant 1 : i32
      %add3A_62 = arith.addi %mul3A_60, %add3A_61 : i32
      %dma_start3A_63 = arith.constant 0 : i32
      %dma_start3A_64 = tpu.memref_slice %arg6[%add3A_62, %dma_start3A_63] : memref<40x128xi32, #tpu.memory_space<vmem>> -> memref<1x128xi32, #tpu.memory_space<vmem>>
      %dma_start3A_65 = tpu.memref_squeeze %dma_start3A_64 : memref<1x128xi32, #tpu.memory_space<vmem>> -> memref<128xi32, #tpu.memory_space<vmem>>
      %dma_start3A_66 = arith.constant 0 : i32
      %dma_start3A_67 = arith.constant 0 : i32
      %dma_start3A_68 = tpu.memref_slice %arg2[%dma_start3A_66, %dma_start3A_67] : memref<20480x128xf32, #tpu.memory_space<hbm>> -> memref<20480x128xf32, #tpu.memory_space<hbm>>
      tpu.enqueue_indirect_dma source(%dma_start3A_68 : memref<20480x128xf32, #tpu.memory_space<hbm>>) target(%arg9 : memref<128x128xf32, #tpu.memory_space<vmem>>) offsets(%dma_start3A_65 : memref<128xi32, #tpu.memory_space<vmem>>) semaphore(%arg11 : memref<!tpu.dma_semaphore, #tpu.memory_space<semaphore_mem>>)
      %dma_wait3A = arith.constant 0 : i32
      %dma_wait3A_69 = tpu.memref_slice %arg6[%mul3A_60, %dma_wait3A] : memref<40x128xi32, #tpu.memory_space<vmem>> -> memref<1x128xi32, #tpu.memory_space<vmem>>
      %dma_wait3A_70 = tpu.memref_squeeze %dma_wait3A_69 : memref<1x128xi32, #tpu.memory_space<vmem>> -> memref<128xi32, #tpu.memory_space<vmem>>
      %dma_wait3A_71 = arith.constant 0 : i32
      %dma_wait3A_72 = arith.constant 0 : i32
      %dma_wait3A_73 = tpu.memref_slice %arg2[%dma_wait3A_71, %dma_wait3A_72] : memref<20480x128xf32, #tpu.memory_space<hbm>> -> memref<20480x128xf32, #tpu.memory_space<hbm>>
      tpu.wait_indirect_dma semaphore(%arg10 : memref<!tpu.dma_semaphore, #tpu.memory_space<semaphore_mem>>) src(%dma_wait3A_73 : memref<20480x128xf32, #tpu.memory_space<hbm>>) dst(%arg8 : memref<128x128xf32, #tpu.memory_space<vmem>>)
      "tpu.region"() ({
        %run_scoped3A = tpu.sem_alloc : memref<!tpu.dma_semaphore, #tpu.memory_space<semaphore_mem>>
        %dma_start3A_87 = arith.constant 0 : i32
        %dma_start3A_88 = tpu.memref_slice %arg7[%mul3A_60, %dma_start3A_87] : memref<40x128xi32, #tpu.memory_space<vmem>> -> memref<1x128xi32, #tpu.memory_space<vmem>>
        %dma_start3A_89 = tpu.memref_squeeze %dma_start3A_88 : memref<1x128xi32, #tpu.memory_space<vmem>> -> memref<128xi32, #tpu.memory_space<vmem>>
        %dma_start3A_90 = arith.constant 0 : i32
        %dma_start3A_91 = arith.constant 0 : i32
        %dma_start3A_92 = tpu.memref_slice %arg12[%dma_start3A_90, %dma_start3A_91] : memref<10240x128xf32, #tpu.memory_space<vmem_shared>> -> memref<10240x128xf32, #tpu.memory_space<vmem_shared>>
        tpu.enqueue_indirect_dma source(%arg8 : memref<128x128xf32, #tpu.memory_space<vmem>>) target(%dma_start3A_92 : memref<10240x128xf32, #tpu.memory_space<vmem_shared>>) offsets(%dma_start3A_89 : memref<128xi32, #tpu.memory_space<vmem>>) semaphore(%run_scoped3A : memref<!tpu.dma_semaphore, #tpu.memory_space<semaphore_mem>>) {add = true}
        %dma_wait3A_93 = arith.constant 0 : i32
        %dma_wait3A_94 = tpu.memref_slice %arg7[%mul3A_60, %dma_wait3A_93] : memref<40x128xi32, #tpu.memory_space<vmem>> -> memref<1x128xi32, #tpu.memory_space<vmem>>
        %dma_wait3A_95 = tpu.memref_squeeze %dma_wait3A_94 : memref<1x128xi32, #tpu.memory_space<vmem>> -> memref<128xi32, #tpu.memory_space<vmem>>
        %dma_wait3A_96 = arith.constant 0 : i32
        %dma_wait3A_97 = arith.constant 0 : i32
        %dma_wait3A_98 = tpu.memref_slice %arg12[%dma_wait3A_96, %dma_wait3A_97] : memref<10240x128xf32, #tpu.memory_space<vmem_shared>> -> memref<10240x128xf32, #tpu.memory_space<vmem_shared>>
        tpu.wait_indirect_dma semaphore(%run_scoped3A : memref<!tpu.dma_semaphore, #tpu.memory_space<semaphore_mem>>) src(%arg8 : memref<128x128xf32, #tpu.memory_space<vmem>>) dst(%dma_wait3A_98 : memref<10240x128xf32, #tpu.memory_space<vmem_shared>>)
        tpu.yield
      }) : () -> ()
      %lt3A = arith.constant 19 : i32
      %lt3A_74 = arith.cmpi slt, %scan3A_57, %lt3A : i32
      %convert_element_type3A = arith.extui %lt3A_74 : i1 to i32
      %cond3A = arith.constant 0 : i32
      %cond3A_75 = arith.cmpi ne, %convert_element_type3A, %cond3A : i32
      scf.if %cond3A_75 {
        %add3A_87 = arith.constant 2 : i32
        %add3A_88 = arith.addi %mul3A_60, %add3A_87 : i32
        %dma_start3A_89 = arith.constant 0 : i32
        %dma_start3A_90 = tpu.memref_slice %arg6[%add3A_88, %dma_start3A_89] : memref<40x128xi32, #tpu.memory_space<vmem>> -> memref<1x128xi32, #tpu.memory_space<vmem>>
        %dma_start3A_91 = tpu.memref_squeeze %dma_start3A_90 : memref<1x128xi32, #tpu.memory_space<vmem>> -> memref<128xi32, #tpu.memory_space<vmem>>
        %dma_start3A_92 = arith.constant 0 : i32
        %dma_start3A_93 = arith.constant 0 : i32
        %dma_start3A_94 = tpu.memref_slice %arg2[%dma_start3A_92, %dma_start3A_93] : memref<20480x128xf32, #tpu.memory_space<hbm>> -> memref<20480x128xf32, #tpu.memory_space<hbm>>
        tpu.enqueue_indirect_dma source(%dma_start3A_94 : memref<20480x128xf32, #tpu.memory_space<hbm>>) target(%arg8 : memref<128x128xf32, #tpu.memory_space<vmem>>) offsets(%dma_start3A_91 : memref<128xi32, #tpu.memory_space<vmem>>) semaphore(%arg10 : memref<!tpu.dma_semaphore, #tpu.memory_space<semaphore_mem>>)
      } else {
      }
      %add3A_76 = arith.constant 1 : i32
      %add3A_77 = arith.addi %mul3A_60, %add3A_76 : i32
      %dma_wait3A_78 = arith.constant 0 : i32
      %dma_wait3A_79 = tpu.memref_slice %arg6[%add3A_77, %dma_wait3A_78] : memref<40x128xi32, #tpu.memory_space<vmem>> -> memref<1x128xi32, #tpu.memory_space<vmem>>
      %dma_wait3A_80 = tpu.memref_squeeze %dma_wait3A_79 : memref<1x128xi32, #tpu.memory_space<vmem>> -> memref<128xi32, #tpu.memory_space<vmem>>
      %dma_wait3A_81 = arith.constant 0 : i32
      %dma_wait3A_82 = arith.constant 0 : i32
      %dma_wait3A_83 = tpu.memref_slice %arg2[%dma_wait3A_81, %dma_wait3A_82] : memref<20480x128xf32, #tpu.memory_space<hbm>> -> memref<20480x128xf32, #tpu.memory_space<hbm>>
      tpu.wait_indirect_dma semaphore(%arg11 : memref<!tpu.dma_semaphore, #tpu.memory_space<semaphore_mem>>) src(%dma_wait3A_83 : memref<20480x128xf32, #tpu.memory_space<hbm>>) dst(%arg9 : memref<128x128xf32, #tpu.memory_space<vmem>>)
      %add3A_84 = arith.constant 1 : i32
      %add3A_85 = arith.addi %mul3A_60, %add3A_84 : i32
      "tpu.region"() ({
        %run_scoped3A = tpu.sem_alloc : memref<!tpu.dma_semaphore, #tpu.memory_space<semaphore_mem>>
        %dma_start3A_87 = arith.constant 0 : i32
        %dma_start3A_88 = tpu.memref_slice %arg7[%add3A_85, %dma_start3A_87] : memref<40x128xi32, #tpu.memory_space<vmem>> -> memref<1x128xi32, #tpu.memory_space<vmem>>
        %dma_start3A_89 = tpu.memref_squeeze %dma_start3A_88 : memref<1x128xi32, #tpu.memory_space<vmem>> -> memref<128xi32, #tpu.memory_space<vmem>>
        %dma_start3A_90 = arith.constant 0 : i32
        %dma_start3A_91 = arith.constant 0 : i32
        %dma_start3A_92 = tpu.memref_slice %arg12[%dma_start3A_90, %dma_start3A_91] : memref<10240x128xf32, #tpu.memory_space<vmem_shared>> -> memref<10240x128xf32, #tpu.memory_space<vmem_shared>>
        tpu.enqueue_indirect_dma source(%arg9 : memref<128x128xf32, #tpu.memory_space<vmem>>) target(%dma_start3A_92 : memref<10240x128xf32, #tpu.memory_space<vmem_shared>>) offsets(%dma_start3A_89 : memref<128xi32, #tpu.memory_space<vmem>>) semaphore(%run_scoped3A : memref<!tpu.dma_semaphore, #tpu.memory_space<semaphore_mem>>) {add = true}
        %dma_wait3A_93 = arith.constant 0 : i32
        %dma_wait3A_94 = tpu.memref_slice %arg7[%add3A_85, %dma_wait3A_93] : memref<40x128xi32, #tpu.memory_space<vmem>> -> memref<1x128xi32, #tpu.memory_space<vmem>>
        %dma_wait3A_95 = tpu.memref_squeeze %dma_wait3A_94 : memref<1x128xi32, #tpu.memory_space<vmem>> -> memref<128xi32, #tpu.memory_space<vmem>>
        %dma_wait3A_96 = arith.constant 0 : i32
        %dma_wait3A_97 = arith.constant 0 : i32
        %dma_wait3A_98 = tpu.memref_slice %arg12[%dma_wait3A_96, %dma_wait3A_97] : memref<10240x128xf32, #tpu.memory_space<vmem_shared>> -> memref<10240x128xf32, #tpu.memory_space<vmem_shared>>
        tpu.wait_indirect_dma semaphore(%run_scoped3A : memref<!tpu.dma_semaphore, #tpu.memory_space<semaphore_mem>>) src(%arg9 : memref<128x128xf32, #tpu.memory_space<vmem>>) dst(%dma_wait3A_98 : memref<10240x128xf32, #tpu.memory_space<vmem_shared>>)
        tpu.yield
      }) : () -> ()
      %scan3A_86 = arith.constant 0 : i32
      scf.yield %scan3A_86 : i32
    }
    %scan3A_27 = arith.constant 20 : i32
    %mul3A_28 = arith.constant 16 : i32
    %mul3A_29 = arith.muli %arg0, %mul3A_28 : i32
    %add3A_30 = arith.addi %mul3A_29, %arg1 : i32
    %mul3A_31 = arith.constant 80 : i32
    %mul3A_32 = arith.muli %add3A_30, %mul3A_31 : i32
    %add3A_33 = arith.constant 40 : i32
    %add3A_34 = arith.addi %mul3A_32, %add3A_33 : i32
    "tpu.region"() ({
      %run_scoped3A = tpu.sem_alloc : memref<!tpu.dma_semaphore, #tpu.memory_space<semaphore_mem>>
      %dma_start3A_57 = arith.constant 0 : i32
      %dma_start3A_58 = tpu.memref_slice %arg3[%add3A_34, %dma_start3A_57] : memref<2560x128xi32, #tpu.memory_space<hbm>> -> memref<40x128xi32, #tpu.memory_space<hbm>>
      %dma_start3A_59 = arith.constant 0 : i32
      %dma_start3A_60 = tpu.memref_slice %arg3[%add3A_34, %dma_start3A_59] : memref<2560x128xi32, #tpu.memory_space<hbm>> -> memref<40x128xi32, #tpu.memory_space<hbm>>
      tpu.enqueue_dma source(%dma_start3A_60 : memref<40x128xi32, #tpu.memory_space<hbm>>) target(%arg6 : memref<40x128xi32, #tpu.memory_space<vmem>>) target_semaphore(%run_scoped3A : memref<!tpu.dma_semaphore, #tpu.memory_space<semaphore_mem>>)
      %dma_wait3A = arith.constant 0 : i32
      %dma_wait3A_61 = tpu.memref_slice %arg3[%add3A_34, %dma_wait3A] : memref<2560x128xi32, #tpu.memory_space<hbm>> -> memref<40x128xi32, #tpu.memory_space<hbm>>
      %dma_wait3A_62 = arith.constant 0 : i32
      %dma_wait3A_63 = tpu.memref_slice %arg3[%add3A_34, %dma_wait3A_62] : memref<2560x128xi32, #tpu.memory_space<hbm>> -> memref<40x128xi32, #tpu.memory_space<hbm>>
      tpu.wait_dma2 semaphore(%run_scoped3A : memref<!tpu.dma_semaphore, #tpu.memory_space<semaphore_mem>>) src(%dma_wait3A_63 : memref<40x128xi32, #tpu.memory_space<hbm>>) dst(%arg6 : memref<40x128xi32, #tpu.memory_space<vmem>>)
      tpu.yield
    }) : () -> ()
    %mul3A_35 = arith.constant 80 : i32
    %mul3A_36 = arith.muli %arg1, %mul3A_35 : i32
    %add3A_37 = arith.constant 40 : i32
    %add3A_38 = arith.addi %mul3A_36, %add3A_37 : i32
    "tpu.region"() ({
      %run_scoped3A = tpu.sem_alloc : memref<!tpu.dma_semaphore, #tpu.memory_space<semaphore_mem>>
      %dma_start3A_57 = arith.constant 0 : i32
      %dma_start3A_58 = tpu.memref_slice %arg4[%add3A_38, %dma_start3A_57] : memref<1280x128xi32, #tpu.memory_space<hbm>> -> memref<40x128xi32, #tpu.memory_space<hbm>>
      %dma_start3A_59 = arith.constant 0 : i32
      %dma_start3A_60 = tpu.memref_slice %arg4[%add3A_38, %dma_start3A_59] : memref<1280x128xi32, #tpu.memory_space<hbm>> -> memref<40x128xi32, #tpu.memory_space<hbm>>
      tpu.enqueue_dma source(%dma_start3A_60 : memref<40x128xi32, #tpu.memory_space<hbm>>) target(%arg7 : memref<40x128xi32, #tpu.memory_space<vmem>>) target_semaphore(%run_scoped3A : memref<!tpu.dma_semaphore, #tpu.memory_space<semaphore_mem>>)
      %dma_wait3A = arith.constant 0 : i32
      %dma_wait3A_61 = tpu.memref_slice %arg4[%add3A_38, %dma_wait3A] : memref<1280x128xi32, #tpu.memory_space<hbm>> -> memref<40x128xi32, #tpu.memory_space<hbm>>
      %dma_wait3A_62 = arith.constant 0 : i32
      %dma_wait3A_63 = tpu.memref_slice %arg4[%add3A_38, %dma_wait3A_62] : memref<1280x128xi32, #tpu.memory_space<hbm>> -> memref<40x128xi32, #tpu.memory_space<hbm>>
      tpu.wait_dma2 semaphore(%run_scoped3A : memref<!tpu.dma_semaphore, #tpu.memory_space<semaphore_mem>>) src(%dma_wait3A_63 : memref<40x128xi32, #tpu.memory_space<hbm>>) dst(%arg7 : memref<40x128xi32, #tpu.memory_space<vmem>>)
      tpu.yield
    }) : () -> ()
    %dma_start3A_39 = arith.constant 0 : i32
    %dma_start3A_40 = arith.constant 0 : i32
    %dma_start3A_41 = tpu.memref_slice %arg6[%dma_start3A_39, %dma_start3A_40] : memref<40x128xi32, #tpu.memory_space<vmem>> -> memref<1x128xi32, #tpu.memory_space<vmem>>
    %dma_start3A_42 = tpu.memref_squeeze %dma_start3A_41 : memref<1x128xi32, #tpu.memory_space<vmem>> -> memref<128xi32, #tpu.memory_space<vmem>>
    %dma_start3A_43 = arith.constant 0 : i32
    %dma_start3A_44 = arith.constant 0 : i32
    %dma_start3A_45 = tpu.memref_slice %arg2[%dma_start3A_43, %dma_start3A_44] : memref<20480x128xf32, #tpu.memory_space<hbm>> -> memref<20480x128xf32, #tpu.memory_space<hbm>>
    tpu.enqueue_indirect_dma source(%dma_start3A_45 : memref<20480x128xf32, #tpu.memory_space<hbm>>) target(%arg8 : memref<128x128xf32, #tpu.memory_space<vmem>>) offsets(%dma_start3A_42 : memref<128xi32, #tpu.memory_space<vmem>>) semaphore(%arg10 : memref<!tpu.dma_semaphore, #tpu.memory_space<semaphore_mem>>)
    %scan3A_46 = arith.constant 0 : i32
    %scan3A_47 = arith.constant 0 : i32
    %scan3A_48 = arith.constant 20 : i32
    %scan3A_49 = arith.addi %scan3A_47, %scan3A_48 : i32
    %scan3A_50 = arith.constant 1 : i32
    %scan3A_51 = scf.for %scan3A_57 = %scan3A_47 to %scan3A_49 step %scan3A_50 iter_args(%scan3A_58 = %scan3A_46) -> (i32)  : i32 {
      %mul3A_59 = arith.constant 2 : i32
      %mul3A_60 = arith.muli %scan3A_57, %mul3A_59 : i32
      %add3A_61 = arith.constant 1 : i32
      %add3A_62 = arith.addi %mul3A_60, %add3A_61 : i32
      %dma_start3A_63 = arith.constant 0 : i32
      %dma_start3A_64 = tpu.memref_slice %arg6[%add3A_62, %dma_start3A_63] : memref<40x128xi32, #tpu.memory_space<vmem>> -> memref<1x128xi32, #tpu.memory_space<vmem>>
      %dma_start3A_65 = tpu.memref_squeeze %dma_start3A_64 : memref<1x128xi32, #tpu.memory_space<vmem>> -> memref<128xi32, #tpu.memory_space<vmem>>
      %dma_start3A_66 = arith.constant 0 : i32
      %dma_start3A_67 = arith.constant 0 : i32
      %dma_start3A_68 = tpu.memref_slice %arg2[%dma_start3A_66, %dma_start3A_67] : memref<20480x128xf32, #tpu.memory_space<hbm>> -> memref<20480x128xf32, #tpu.memory_space<hbm>>
      tpu.enqueue_indirect_dma source(%dma_start3A_68 : memref<20480x128xf32, #tpu.memory_space<hbm>>) target(%arg9 : memref<128x128xf32, #tpu.memory_space<vmem>>) offsets(%dma_start3A_65 : memref<128xi32, #tpu.memory_space<vmem>>) semaphore(%arg11 : memref<!tpu.dma_semaphore, #tpu.memory_space<semaphore_mem>>)
      %dma_wait3A = arith.constant 0 : i32
      %dma_wait3A_69 = tpu.memref_slice %arg6[%mul3A_60, %dma_wait3A] : memref<40x128xi32, #tpu.memory_space<vmem>> -> memref<1x128xi32, #tpu.memory_space<vmem>>
      %dma_wait3A_70 = tpu.memref_squeeze %dma_wait3A_69 : memref<1x128xi32, #tpu.memory_space<vmem>> -> memref<128xi32, #tpu.memory_space<vmem>>
      %dma_wait3A_71 = arith.constant 0 : i32
      %dma_wait3A_72 = arith.constant 0 : i32
      %dma_wait3A_73 = tpu.memref_slice %arg2[%dma_wait3A_71, %dma_wait3A_72] : memref<20480x128xf32, #tpu.memory_space<hbm>> -> memref<20480x128xf32, #tpu.memory_space<hbm>>
      tpu.wait_indirect_dma semaphore(%arg10 : memref<!tpu.dma_semaphore, #tpu.memory_space<semaphore_mem>>) src(%dma_wait3A_73 : memref<20480x128xf32, #tpu.memory_space<hbm>>) dst(%arg8 : memref<128x128xf32, #tpu.memory_space<vmem>>)
      "tpu.region"() ({
        %run_scoped3A = tpu.sem_alloc : memref<!tpu.dma_semaphore, #tpu.memory_space<semaphore_mem>>
        %dma_start3A_87 = arith.constant 0 : i32
        %dma_start3A_88 = tpu.memref_slice %arg7[%mul3A_60, %dma_start3A_87] : memref<40x128xi32, #tpu.memory_space<vmem>> -> memref<1x128xi32, #tpu.memory_space<vmem>>
        %dma_start3A_89 = tpu.memref_squeeze %dma_start3A_88 : memref<1x128xi32, #tpu.memory_space<vmem>> -> memref<128xi32, #tpu.memory_space<vmem>>
        %dma_start3A_90 = arith.constant 0 : i32
        %dma_start3A_91 = arith.constant 0 : i32
        %dma_start3A_92 = tpu.memref_slice %arg12[%dma_start3A_90, %dma_start3A_91] : memref<10240x128xf32, #tpu.memory_space<vmem_shared>> -> memref<10240x128xf32, #tpu.memory_space<vmem_shared>>
        tpu.enqueue_indirect_dma source(%arg8 : memref<128x128xf32, #tpu.memory_space<vmem>>) target(%dma_start3A_92 : memref<10240x128xf32, #tpu.memory_space<vmem_shared>>) offsets(%dma_start3A_89 : memref<128xi32, #tpu.memory_space<vmem>>) semaphore(%run_scoped3A : memref<!tpu.dma_semaphore, #tpu.memory_space<semaphore_mem>>) {add = true}
        %dma_wait3A_93 = arith.constant 0 : i32
        %dma_wait3A_94 = tpu.memref_slice %arg7[%mul3A_60, %dma_wait3A_93] : memref<40x128xi32, #tpu.memory_space<vmem>> -> memref<1x128xi32, #tpu.memory_space<vmem>>
        %dma_wait3A_95 = tpu.memref_squeeze %dma_wait3A_94 : memref<1x128xi32, #tpu.memory_space<vmem>> -> memref<128xi32, #tpu.memory_space<vmem>>
        %dma_wait3A_96 = arith.constant 0 : i32
        %dma_wait3A_97 = arith.constant 0 : i32
        %dma_wait3A_98 = tpu.memref_slice %arg12[%dma_wait3A_96, %dma_wait3A_97] : memref<10240x128xf32, #tpu.memory_space<vmem_shared>> -> memref<10240x128xf32, #tpu.memory_space<vmem_shared>>
        tpu.wait_indirect_dma semaphore(%run_scoped3A : memref<!tpu.dma_semaphore, #tpu.memory_space<semaphore_mem>>) src(%arg8 : memref<128x128xf32, #tpu.memory_space<vmem>>) dst(%dma_wait3A_98 : memref<10240x128xf32, #tpu.memory_space<vmem_shared>>)
        tpu.yield
      }) : () -> ()
      %lt3A = arith.constant 19 : i32
      %lt3A_74 = arith.cmpi slt, %scan3A_57, %lt3A : i32
      %convert_element_type3A = arith.extui %lt3A_74 : i1 to i32
      %cond3A = arith.constant 0 : i32
      %cond3A_75 = arith.cmpi ne, %convert_element_type3A, %cond3A : i32
      scf.if %cond3A_75 {
        %add3A_87 = arith.constant 2 : i32
        %add3A_88 = arith.addi %mul3A_60, %add3A_87 : i32
        %dma_start3A_89 = arith.constant 0 : i32
        %dma_start3A_90 = tpu.memref_slice %arg6[%add3A_88, %dma_start3A_89] : memref<40x128xi32, #tpu.memory_space<vmem>> -> memref<1x128xi32, #tpu.memory_space<vmem>>
        %dma_start3A_91 = tpu.memref_squeeze %dma_start3A_90 : memref<1x128xi32, #tpu.memory_space<vmem>> -> memref<128xi32, #tpu.memory_space<vmem>>
        %dma_start3A_92 = arith.constant 0 : i32
        %dma_start3A_93 = arith.constant 0 : i32
        %dma_start3A_94 = tpu.memref_slice %arg2[%dma_start3A_92, %dma_start3A_93] : memref<20480x128xf32, #tpu.memory_space<hbm>> -> memref<20480x128xf32, #tpu.memory_space<hbm>>
        tpu.enqueue_indirect_dma source(%dma_start3A_94 : memref<20480x128xf32, #tpu.memory_space<hbm>>) target(%arg8 : memref<128x128xf32, #tpu.memory_space<vmem>>) offsets(%dma_start3A_91 : memref<128xi32, #tpu.memory_space<vmem>>) semaphore(%arg10 : memref<!tpu.dma_semaphore, #tpu.memory_space<semaphore_mem>>)
      } else {
      }
      %add3A_76 = arith.constant 1 : i32
      %add3A_77 = arith.addi %mul3A_60, %add3A_76 : i32
      %dma_wait3A_78 = arith.constant 0 : i32
      %dma_wait3A_79 = tpu.memref_slice %arg6[%add3A_77, %dma_wait3A_78] : memref<40x128xi32, #tpu.memory_space<vmem>> -> memref<1x128xi32, #tpu.memory_space<vmem>>
      %dma_wait3A_80 = tpu.memref_squeeze %dma_wait3A_79 : memref<1x128xi32, #tpu.memory_space<vmem>> -> memref<128xi32, #tpu.memory_space<vmem>>
      %dma_wait3A_81 = arith.constant 0 : i32
      %dma_wait3A_82 = arith.constant 0 : i32
      %dma_wait3A_83 = tpu.memref_slice %arg2[%dma_wait3A_81, %dma_wait3A_82] : memref<20480x128xf32, #tpu.memory_space<hbm>> -> memref<20480x128xf32, #tpu.memory_space<hbm>>
      tpu.wait_indirect_dma semaphore(%arg11 : memref<!tpu.dma_semaphore, #tpu.memory_space<semaphore_mem>>) src(%dma_wait3A_83 : memref<20480x128xf32, #tpu.memory_space<hbm>>) dst(%arg9 : memref<128x128xf32, #tpu.memory_space<vmem>>)
      %add3A_84 = arith.constant 1 : i32
      %add3A_85 = arith.addi %mul3A_60, %add3A_84 : i32
      "tpu.region"() ({
        %run_scoped3A = tpu.sem_alloc : memref<!tpu.dma_semaphore, #tpu.memory_space<semaphore_mem>>
        %dma_start3A_87 = arith.constant 0 : i32
        %dma_start3A_88 = tpu.memref_slice %arg7[%add3A_85, %dma_start3A_87] : memref<40x128xi32, #tpu.memory_space<vmem>> -> memref<1x128xi32, #tpu.memory_space<vmem>>
        %dma_start3A_89 = tpu.memref_squeeze %dma_start3A_88 : memref<1x128xi32, #tpu.memory_space<vmem>> -> memref<128xi32, #tpu.memory_space<vmem>>
        %dma_start3A_90 = arith.constant 0 : i32
        %dma_start3A_91 = arith.constant 0 : i32
        %dma_start3A_92 = tpu.memref_slice %arg12[%dma_start3A_90, %dma_start3A_91] : memref<10240x128xf32, #tpu.memory_space<vmem_shared>> -> memref<10240x128xf32, #tpu.memory_space<vmem_shared>>
        tpu.enqueue_indirect_dma source(%arg9 : memref<128x128xf32, #tpu.memory_space<vmem>>) target(%dma_start3A_92 : memref<10240x128xf32, #tpu.memory_space<vmem_shared>>) offsets(%dma_start3A_89 : memref<128xi32, #tpu.memory_space<vmem>>) semaphore(%run_scoped3A : memref<!tpu.dma_semaphore, #tpu.memory_space<semaphore_mem>>) {add = true}
        %dma_wait3A_93 = arith.constant 0 : i32
        %dma_wait3A_94 = tpu.memref_slice %arg7[%add3A_85, %dma_wait3A_93] : memref<40x128xi32, #tpu.memory_space<vmem>> -> memref<1x128xi32, #tpu.memory_space<vmem>>
        %dma_wait3A_95 = tpu.memref_squeeze %dma_wait3A_94 : memref<1x128xi32, #tpu.memory_space<vmem>> -> memref<128xi32, #tpu.memory_space<vmem>>
        %dma_wait3A_96 = arith.constant 0 : i32
        %dma_wait3A_97 = arith.constant 0 : i32
        %dma_wait3A_98 = tpu.memref_slice %arg12[%dma_wait3A_96, %dma_wait3A_97] : memref<10240x128xf32, #tpu.memory_space<vmem_shared>> -> memref<10240x128xf32, #tpu.memory_space<vmem_shared>>
        tpu.wait_indirect_dma semaphore(%run_scoped3A : memref<!tpu.dma_semaphore, #tpu.memory_space<semaphore_mem>>) src(%arg9 : memref<128x128xf32, #tpu.memory_space<vmem>>) dst(%dma_wait3A_98 : memref<10240x128xf32, #tpu.memory_space<vmem_shared>>)
        tpu.yield
      }) : () -> ()
      %scan3A_86 = arith.constant 0 : i32
      scf.yield %scan3A_86 : i32
    }
    %scan3A_52 = arith.constant 20 : i32
    %barrier3A_53 = arith.constant 0 : index
    tpu.barrier barrier_id(%barrier3A_53)
    %mul3A_54 = arith.constant 640 : i32
    %mul3A_55 = arith.muli %arg1, %mul3A_54 : i32
    %add3A_56 = arith.addi %mul3A_2, %mul3A_55 : i32
    "tpu.region"() ({
      %run_scoped3A = tpu.sem_alloc : memref<!tpu.dma_semaphore, #tpu.memory_space<semaphore_mem>>
      %dma_start3A_57 = arith.constant 0 : i32
      %dma_start3A_58 = tpu.memref_slice %arg5[%add3A_56, %dma_start3A_57] : memref<20480x128xf32, #tpu.memory_space<hbm>> -> memref<640x128xf32, #tpu.memory_space<hbm>>
      %dma_start3A_59 = arith.constant 0 : i32
      %dma_start3A_60 = tpu.memref_slice %arg12[%mul3A_0, %dma_start3A_59] : memref<10240x128xf32, #tpu.memory_space<vmem_shared>> -> memref<640x128xf32, #tpu.memory_space<vmem_shared>>
      tpu.enqueue_dma source(%dma_start3A_60 : memref<640x128xf32, #tpu.memory_space<vmem_shared>>) target(%dma_start3A_58 : memref<640x128xf32, #tpu.memory_space<hbm>>) target_semaphore(%run_scoped3A : memref<!tpu.dma_semaphore, #tpu.memory_space<semaphore_mem>>)
      %dma_wait3A = arith.constant 0 : i32
      %dma_wait3A_61 = tpu.memref_slice %arg5[%add3A_56, %dma_wait3A] : memref<20480x128xf32, #tpu.memory_space<hbm>> -> memref<640x128xf32, #tpu.memory_space<hbm>>
      %dma_wait3A_62 = arith.constant 0 : i32
      %dma_wait3A_63 = tpu.memref_slice %arg12[%mul3A_0, %dma_wait3A_62] : memref<10240x128xf32, #tpu.memory_space<vmem_shared>> -> memref<640x128xf32, #tpu.memory_space<vmem_shared>>
      tpu.wait_dma2 semaphore(%run_scoped3A : memref<!tpu.dma_semaphore, #tpu.memory_space<semaphore_mem>>) src(%dma_wait3A_63 : memref<640x128xf32, #tpu.memory_space<vmem_shared>>) dst(%dma_wait3A_61 : memref<640x128xf32, #tpu.memory_space<hbm>>)
      tpu.yield
    }) : () -> ()
    return
  }
}

#map = affine_map<(d0, d1) -> (0)>
module attributes {stable_mosaic.version = 14 : i64} {
  func.func @_deg_kernel(%arg0: i32, %arg1: i32, %arg2: memref<163840xi32, #tpu.memory_space<hbm>>, %arg3: memref<20480xf32, #tpu.memory_space<hbm>>, %arg4: memref<128xi32, #tpu.memory_space<vmem>>, %arg5: memref<128xf32, #tpu.memory_space<vmem>>, %arg6: memref<640xf32, #tpu.memory_space<vmem>>, %arg7: memref<10240xf32, #tpu.memory_space<vmem_shared>>) attributes {dimension_semantics = [#tpu.dimension_semantics<core_parallel>, #tpu.dimension_semantics<subcore_parallel>], iteration_bounds = array<i64: 2, 16>, scalar_prefetch = 0 : i64, scratch_operands = 4 : i64, tpu.core_type = #tpu.core_type<sc_vector_subcore>, window_params = [{transform_indices = #map}, {transform_indices = #map}]} {
    %mul3A = arith.constant 640 : i32
    %mul3A_0 = arith.muli %arg1, %mul3A : i32
    %scan3A = arith.constant 0 : i32
    %scan3A_1 = arith.constant 0 : i32
    %scan3A_2 = arith.constant 40 : i32
    %scan3A_3 = arith.addi %scan3A_1, %scan3A_2 : i32
    %scan3A_4 = arith.constant 1 : i32
    %scan3A_5 = scf.for %scan3A_31 = %scan3A_1 to %scan3A_3 step %scan3A_4 iter_args(%scan3A_32 = %scan3A) -> (i32)  : i32 {
      %broadcast_in_dim3A = arith.constant 0.000000e+00 : f32
      %broadcast_in_dim3A_33 = vector.broadcast %broadcast_in_dim3A : f32 to vector<16xf32>
      %mul3A_34 = arith.constant 16 : i32
      %mul3A_35 = arith.muli %scan3A_31, %mul3A_34 : i32
      %swap3A = arith.index_cast %mul3A_35 : i32 to index
      %swap3A_36 = tpu.vector_load %arg6[%swap3A] {strides = array<i32>} : memref<640xf32, #tpu.memory_space<vmem>>, vector<16xf32>,
      %swap3A_37 = vector.shape_cast %swap3A_36 : vector<16xf32> to vector<16xf32>
      %swap3A_38 = vector.shape_cast %broadcast_in_dim3A_33 : vector<16xf32> to vector<16xf32>
      tpu.vector_store %arg6[%swap3A], %swap3A_38 {strides = array<i32>} : memref<640xf32, #tpu.memory_space<vmem>>, vector<16xf32>,
      %scan3A_39 = arith.constant 0 : i32
      scf.yield %scan3A_39 : i32
    }
    %scan3A_6 = arith.constant 40 : i32
    %scan3A_7 = arith.constant 0 : i32
    %scan3A_8 = arith.constant 0 : i32
    %scan3A_9 = arith.constant 8 : i32
    %scan3A_10 = arith.addi %scan3A_8, %scan3A_9 : i32
    %scan3A_11 = arith.constant 1 : i32
    %scan3A_12 = scf.for %scan3A_31 = %scan3A_8 to %scan3A_10 step %scan3A_11 iter_args(%scan3A_32 = %scan3A_7) -> (i32)  : i32 {
      %broadcast_in_dim3A = arith.constant 1.000000e+00 : f32
      %broadcast_in_dim3A_33 = vector.broadcast %broadcast_in_dim3A : f32 to vector<16xf32>
      %mul3A_34 = arith.constant 16 : i32
      %mul3A_35 = arith.muli %scan3A_31, %mul3A_34 : i32
      %swap3A = arith.index_cast %mul3A_35 : i32 to index
      %swap3A_36 = tpu.vector_load %arg5[%swap3A] {strides = array<i32>} : memref<128xf32, #tpu.memory_space<vmem>>, vector<16xf32>,
      %swap3A_37 = vector.shape_cast %swap3A_36 : vector<16xf32> to vector<16xf32>
      %swap3A_38 = vector.shape_cast %broadcast_in_dim3A_33 : vector<16xf32> to vector<16xf32>
      tpu.vector_store %arg5[%swap3A], %swap3A_38 {strides = array<i32>} : memref<128xf32, #tpu.memory_space<vmem>>, vector<16xf32>,
      %scan3A_39 = arith.constant 0 : i32
      scf.yield %scan3A_39 : i32
    }
    %scan3A_13 = arith.constant 8 : i32
    "tpu.region"() ({
      %run_scoped3A = tpu.sem_alloc : memref<!tpu.dma_semaphore, #tpu.memory_space<semaphore_mem>>
      %dma_start3A = tpu.memref_slice %arg7[%mul3A_0] : memref<10240xf32, #tpu.memory_space<vmem_shared>> -> memref<640xf32, #tpu.memory_space<vmem_shared>>
      %dma_start3A_31 = tpu.memref_slice %arg7[%mul3A_0] : memref<10240xf32, #tpu.memory_space<vmem_shared>> -> memref<640xf32, #tpu.memory_space<vmem_shared>>
      tpu.enqueue_dma source(%arg6 : memref<640xf32, #tpu.memory_space<vmem>>) target(%dma_start3A_31 : memref<640xf32, #tpu.memory_space<vmem_shared>>) target_semaphore(%run_scoped3A : memref<!tpu.dma_semaphore, #tpu.memory_space<semaphore_mem>>)
      %dma_wait3A = tpu.memref_slice %arg7[%mul3A_0] : memref<10240xf32, #tpu.memory_space<vmem_shared>> -> memref<640xf32, #tpu.memory_space<vmem_shared>>
      %dma_wait3A_32 = tpu.memref_slice %arg7[%mul3A_0] : memref<10240xf32, #tpu.memory_space<vmem_shared>> -> memref<640xf32, #tpu.memory_space<vmem_shared>>
      tpu.wait_dma2 semaphore(%run_scoped3A : memref<!tpu.dma_semaphore, #tpu.memory_space<semaphore_mem>>) src(%arg6 : memref<640xf32, #tpu.memory_space<vmem>>) dst(%dma_wait3A_32 : memref<640xf32, #tpu.memory_space<vmem_shared>>)
      tpu.yield
    }) : () -> ()
    %barrier3A = arith.constant 0 : index
    tpu.barrier barrier_id(%barrier3A)
    %mul3A_14 = arith.constant 16 : i32
    %mul3A_15 = arith.muli %arg0, %mul3A_14 : i32
    %add3A = arith.addi %mul3A_15, %arg1 : i32
    %mul3A_16 = arith.constant 5120 : i32
    %mul3A_17 = arith.muli %add3A, %mul3A_16 : i32
    %scan3A_18 = arith.constant 0 : i32
    %scan3A_19 = arith.constant 0 : i32
    %scan3A_20 = arith.constant 40 : i32
    %scan3A_21 = arith.addi %scan3A_19, %scan3A_20 : i32
    %scan3A_22 = arith.constant 1 : i32
    %scan3A_23 = scf.for %scan3A_31 = %scan3A_19 to %scan3A_21 step %scan3A_22 iter_args(%scan3A_32 = %scan3A_18) -> (i32)  : i32 {
      %mul3A_33 = arith.constant 128 : i32
      %mul3A_34 = arith.muli %scan3A_31, %mul3A_33 : i32
      %add3A_35 = arith.addi %mul3A_17, %mul3A_34 : i32
      "tpu.region"() ({
        %run_scoped3A = tpu.sem_alloc : memref<!tpu.dma_semaphore, #tpu.memory_space<semaphore_mem>>
        %dma_start3A = tpu.memref_slice %arg2[%add3A_35] : memref<163840xi32, #tpu.memory_space<hbm>> -> memref<128xi32, #tpu.memory_space<hbm>>
        %dma_start3A_37 = tpu.memref_slice %arg2[%add3A_35] : memref<163840xi32, #tpu.memory_space<hbm>> -> memref<128xi32, #tpu.memory_space<hbm>>
        tpu.enqueue_dma source(%dma_start3A_37 : memref<128xi32, #tpu.memory_space<hbm>>) target(%arg4 : memref<128xi32, #tpu.memory_space<vmem>>) target_semaphore(%run_scoped3A : memref<!tpu.dma_semaphore, #tpu.memory_space<semaphore_mem>>)
        %dma_wait3A = tpu.memref_slice %arg2[%add3A_35] : memref<163840xi32, #tpu.memory_space<hbm>> -> memref<128xi32, #tpu.memory_space<hbm>>
        %dma_wait3A_38 = tpu.memref_slice %arg2[%add3A_35] : memref<163840xi32, #tpu.memory_space<hbm>> -> memref<128xi32, #tpu.memory_space<hbm>>
        tpu.wait_dma2 semaphore(%run_scoped3A : memref<!tpu.dma_semaphore, #tpu.memory_space<semaphore_mem>>) src(%dma_wait3A_38 : memref<128xi32, #tpu.memory_space<hbm>>) dst(%arg4 : memref<128xi32, #tpu.memory_space<vmem>>)
        tpu.yield
      }) : () -> ()
      "tpu.region"() ({
        %run_scoped3A = tpu.sem_alloc : memref<!tpu.dma_semaphore, #tpu.memory_space<semaphore_mem>>
        %dma_start3A = arith.constant 0 : i32
        %dma_start3A_37 = tpu.memref_slice %arg7[%dma_start3A] : memref<10240xf32, #tpu.memory_space<vmem_shared>> -> memref<10240xf32, #tpu.memory_space<vmem_shared>>
        tpu.enqueue_indirect_dma source(%arg5 : memref<128xf32, #tpu.memory_space<vmem>>) target(%dma_start3A_37 : memref<10240xf32, #tpu.memory_space<vmem_shared>>) offsets(%arg4 : memref<128xi32, #tpu.memory_space<vmem>>) semaphore(%run_scoped3A : memref<!tpu.dma_semaphore, #tpu.memory_space<semaphore_mem>>) {add = true}
        %dma_wait3A = arith.constant 0 : i32
        %dma_wait3A_38 = tpu.memref_slice %arg7[%dma_wait3A] : memref<10240xf32, #tpu.memory_space<vmem_shared>> -> memref<10240xf32, #tpu.memory_space<vmem_shared>>
        tpu.wait_indirect_dma semaphore(%run_scoped3A : memref<!tpu.dma_semaphore, #tpu.memory_space<semaphore_mem>>) src(%arg5 : memref<128xf32, #tpu.memory_space<vmem>>) dst(%dma_wait3A_38 : memref<10240xf32, #tpu.memory_space<vmem_shared>>)
        tpu.yield
      }) : () -> ()
      %scan3A_36 = arith.constant 0 : i32
      scf.yield %scan3A_36 : i32
    }
    %scan3A_24 = arith.constant 40 : i32
    %barrier3A_25 = arith.constant 0 : index
    tpu.barrier barrier_id(%barrier3A_25)
    %mul3A_26 = arith.constant 10240 : i32
    %mul3A_27 = arith.muli %arg0, %mul3A_26 : i32
    %mul3A_28 = arith.constant 640 : i32
    %mul3A_29 = arith.muli %arg1, %mul3A_28 : i32
    %add3A_30 = arith.addi %mul3A_27, %mul3A_29 : i32
    "tpu.region"() ({
      %run_scoped3A = tpu.sem_alloc : memref<!tpu.dma_semaphore, #tpu.memory_space<semaphore_mem>>
      %dma_start3A = tpu.memref_slice %arg3[%add3A_30] : memref<20480xf32, #tpu.memory_space<hbm>> -> memref<640xf32, #tpu.memory_space<hbm>>
      %dma_start3A_31 = tpu.memref_slice %arg7[%mul3A_0] : memref<10240xf32, #tpu.memory_space<vmem_shared>> -> memref<640xf32, #tpu.memory_space<vmem_shared>>
      tpu.enqueue_dma source(%dma_start3A_31 : memref<640xf32, #tpu.memory_space<vmem_shared>>) target(%dma_start3A : memref<640xf32, #tpu.memory_space<hbm>>) target_semaphore(%run_scoped3A : memref<!tpu.dma_semaphore, #tpu.memory_space<semaphore_mem>>)
      %dma_wait3A = tpu.memref_slice %arg3[%add3A_30] : memref<20480xf32, #tpu.memory_space<hbm>> -> memref<640xf32, #tpu.memory_space<hbm>>
      %dma_wait3A_32 = tpu.memref_slice %arg7[%mul3A_0] : memref<10240xf32, #tpu.memory_space<vmem_shared>> -> memref<640xf32, #tpu.memory_space<vmem_shared>>
      tpu.wait_dma2 semaphore(%run_scoped3A : memref<!tpu.dma_semaphore, #tpu.memory_space<semaphore_mem>>) src(%dma_wait3A_32 : memref<640xf32, #tpu.memory_space<vmem_shared>>) dst(%dma_wait3A : memref<640xf32, #tpu.memory_space<hbm>>)
      tpu.yield
    }) : () -> ()
    return
  }
}

#map = affine_map<(d0, d1) -> (0, 0)>
module attributes {stable_mosaic.version = 14 : i64} {
  func.func @_prop_kernel(%arg0: i32, %arg1: i32, %arg2: memref<20480x128xf32, #tpu.memory_space<hbm>>, %arg3: memref<2560x128xi32, #tpu.memory_space<hbm>>, %arg4: memref<1280x128xi32, #tpu.memory_space<hbm>>, %arg5: memref<20480x128xf32, #tpu.memory_space<hbm>>, %arg6: memref<40x128xi32, #tpu.memory_space<vmem>>, %arg7: memref<40x128xi32, #tpu.memory_space<vmem>>, %arg8: memref<128x128xf32, #tpu.memory_space<vmem>>, %arg9: memref<128x128xf32, #tpu.memory_space<vmem>>, %arg10: memref<!tpu.dma_semaphore, #tpu.memory_space<semaphore_mem>>, %arg11: memref<!tpu.dma_semaphore, #tpu.memory_space<semaphore_mem>>, %arg12: memref<10240x128xf32, #tpu.memory_space<vmem_shared>>) attributes {dimension_semantics = [#tpu.dimension_semantics<core_parallel>, #tpu.dimension_semantics<subcore_parallel>], iteration_bounds = array<i64: 2, 16>, scalar_prefetch = 0 : i64, scratch_operands = 7 : i64, tpu.core_type = #tpu.core_type<sc_vector_subcore>, window_params = [{transform_indices = #map}, {transform_indices = #map}, {transform_indices = #map}, {transform_indices = #map}]} {
    %mul3A = arith.constant 640 : i32
    %mul3A_0 = arith.muli %arg1, %mul3A : i32
    %mul3A_1 = arith.constant 10240 : i32
    %mul3A_2 = arith.muli %arg0, %mul3A_1 : i32
    %mul3A_3 = arith.constant 640 : i32
    %mul3A_4 = arith.muli %arg1, %mul3A_3 : i32
    %add3A = arith.addi %mul3A_2, %mul3A_4 : i32
    "tpu.region"() ({
      %run_scoped3A = tpu.sem_alloc : memref<!tpu.dma_semaphore, #tpu.memory_space<semaphore_mem>>
      %dma_start3A_57 = arith.constant 0 : i32
      %dma_start3A_58 = tpu.memref_slice %arg12[%mul3A_0, %dma_start3A_57] : memref<10240x128xf32, #tpu.memory_space<vmem_shared>> -> memref<640x128xf32, #tpu.memory_space<vmem_shared>>
      %dma_start3A_59 = arith.constant 0 : i32
      %dma_start3A_60 = tpu.memref_slice %arg2[%add3A, %dma_start3A_59] : memref<20480x128xf32, #tpu.memory_space<hbm>> -> memref<640x128xf32, #tpu.memory_space<hbm>>
      tpu.enqueue_dma source(%dma_start3A_60 : memref<640x128xf32, #tpu.memory_space<hbm>>) target(%dma_start3A_58 : memref<640x128xf32, #tpu.memory_space<vmem_shared>>) target_semaphore(%run_scoped3A : memref<!tpu.dma_semaphore, #tpu.memory_space<semaphore_mem>>)
      %dma_wait3A = arith.constant 0 : i32
      %dma_wait3A_61 = tpu.memref_slice %arg12[%mul3A_0, %dma_wait3A] : memref<10240x128xf32, #tpu.memory_space<vmem_shared>> -> memref<640x128xf32, #tpu.memory_space<vmem_shared>>
      %dma_wait3A_62 = arith.constant 0 : i32
      %dma_wait3A_63 = tpu.memref_slice %arg2[%add3A, %dma_wait3A_62] : memref<20480x128xf32, #tpu.memory_space<hbm>> -> memref<640x128xf32, #tpu.memory_space<hbm>>
      tpu.wait_dma2 semaphore(%run_scoped3A : memref<!tpu.dma_semaphore, #tpu.memory_space<semaphore_mem>>) src(%dma_wait3A_63 : memref<640x128xf32, #tpu.memory_space<hbm>>) dst(%dma_wait3A_61 : memref<640x128xf32, #tpu.memory_space<vmem_shared>>)
      tpu.yield
    }) : () -> ()
    %barrier3A = arith.constant 0 : index
    tpu.barrier barrier_id(%barrier3A)
    %mul3A_5 = arith.constant 16 : i32
    %mul3A_6 = arith.muli %arg0, %mul3A_5 : i32
    %add3A_7 = arith.addi %mul3A_6, %arg1 : i32
    %mul3A_8 = arith.constant 80 : i32
    %mul3A_9 = arith.muli %add3A_7, %mul3A_8 : i32
    %add3A_10 = arith.constant 0 : i32
    %add3A_11 = arith.addi %mul3A_9, %add3A_10 : i32
    "tpu.region"() ({
      %run_scoped3A = tpu.sem_alloc : memref<!tpu.dma_semaphore, #tpu.memory_space<semaphore_mem>>
      %dma_start3A_57 = arith.constant 0 : i32
      %dma_start3A_58 = tpu.memref_slice %arg3[%add3A_11, %dma_start3A_57] : memref<2560x128xi32, #tpu.memory_space<hbm>> -> memref<40x128xi32, #tpu.memory_space<hbm>>
      %dma_start3A_59 = arith.constant 0 : i32
      %dma_start3A_60 = tpu.memref_slice %arg3[%add3A_11, %dma_start3A_59] : memref<2560x128xi32, #tpu.memory_space<hbm>> -> memref<40x128xi32, #tpu.memory_space<hbm>>
      tpu.enqueue_dma source(%dma_start3A_60 : memref<40x128xi32, #tpu.memory_space<hbm>>) target(%arg6 : memref<40x128xi32, #tpu.memory_space<vmem>>) target_semaphore(%run_scoped3A : memref<!tpu.dma_semaphore, #tpu.memory_space<semaphore_mem>>)
      %dma_wait3A = arith.constant 0 : i32
      %dma_wait3A_61 = tpu.memref_slice %arg3[%add3A_11, %dma_wait3A] : memref<2560x128xi32, #tpu.memory_space<hbm>> -> memref<40x128xi32, #tpu.memory_space<hbm>>
      %dma_wait3A_62 = arith.constant 0 : i32
      %dma_wait3A_63 = tpu.memref_slice %arg3[%add3A_11, %dma_wait3A_62] : memref<2560x128xi32, #tpu.memory_space<hbm>> -> memref<40x128xi32, #tpu.memory_space<hbm>>
      tpu.wait_dma2 semaphore(%run_scoped3A : memref<!tpu.dma_semaphore, #tpu.memory_space<semaphore_mem>>) src(%dma_wait3A_63 : memref<40x128xi32, #tpu.memory_space<hbm>>) dst(%arg6 : memref<40x128xi32, #tpu.memory_space<vmem>>)
      tpu.yield
    }) : () -> ()
    %mul3A_12 = arith.constant 80 : i32
    %mul3A_13 = arith.muli %arg1, %mul3A_12 : i32
    %add3A_14 = arith.constant 0 : i32
    %add3A_15 = arith.addi %mul3A_13, %add3A_14 : i32
    "tpu.region"() ({
      %run_scoped3A = tpu.sem_alloc : memref<!tpu.dma_semaphore, #tpu.memory_space<semaphore_mem>>
      %dma_start3A_57 = arith.constant 0 : i32
      %dma_start3A_58 = tpu.memref_slice %arg4[%add3A_15, %dma_start3A_57] : memref<1280x128xi32, #tpu.memory_space<hbm>> -> memref<40x128xi32, #tpu.memory_space<hbm>>
      %dma_start3A_59 = arith.constant 0 : i32
      %dma_start3A_60 = tpu.memref_slice %arg4[%add3A_15, %dma_start3A_59] : memref<1280x128xi32, #tpu.memory_space<hbm>> -> memref<40x128xi32, #tpu.memory_space<hbm>>
      tpu.enqueue_dma source(%dma_start3A_60 : memref<40x128xi32, #tpu.memory_space<hbm>>) target(%arg7 : memref<40x128xi32, #tpu.memory_space<vmem>>) target_semaphore(%run_scoped3A : memref<!tpu.dma_semaphore, #tpu.memory_space<semaphore_mem>>)
      %dma_wait3A = arith.constant 0 : i32
      %dma_wait3A_61 = tpu.memref_slice %arg4[%add3A_15, %dma_wait3A] : memref<1280x128xi32, #tpu.memory_space<hbm>> -> memref<40x128xi32, #tpu.memory_space<hbm>>
      %dma_wait3A_62 = arith.constant 0 : i32
      %dma_wait3A_63 = tpu.memref_slice %arg4[%add3A_15, %dma_wait3A_62] : memref<1280x128xi32, #tpu.memory_space<hbm>> -> memref<40x128xi32, #tpu.memory_space<hbm>>
      tpu.wait_dma2 semaphore(%run_scoped3A : memref<!tpu.dma_semaphore, #tpu.memory_space<semaphore_mem>>) src(%dma_wait3A_63 : memref<40x128xi32, #tpu.memory_space<hbm>>) dst(%arg7 : memref<40x128xi32, #tpu.memory_space<vmem>>)
      tpu.yield
    }) : () -> ()
    %dma_start3A = arith.constant 0 : i32
    %dma_start3A_16 = arith.constant 0 : i32
    %dma_start3A_17 = tpu.memref_slice %arg6[%dma_start3A, %dma_start3A_16] : memref<40x128xi32, #tpu.memory_space<vmem>> -> memref<1x128xi32, #tpu.memory_space<vmem>>
    %dma_start3A_18 = tpu.memref_squeeze %dma_start3A_17 : memref<1x128xi32, #tpu.memory_space<vmem>> -> memref<128xi32, #tpu.memory_space<vmem>>
    %dma_start3A_19 = arith.constant 0 : i32
    %dma_start3A_20 = arith.constant 0 : i32
    %dma_start3A_21 = tpu.memref_slice %arg2[%dma_start3A_19, %dma_start3A_20] : memref<20480x128xf32, #tpu.memory_space<hbm>> -> memref<20480x128xf32, #tpu.memory_space<hbm>>
    tpu.enqueue_indirect_dma source(%dma_start3A_21 : memref<20480x128xf32, #tpu.memory_space<hbm>>) target(%arg8 : memref<128x128xf32, #tpu.memory_space<vmem>>) offsets(%dma_start3A_18 : memref<128xi32, #tpu.memory_space<vmem>>) semaphore(%arg10 : memref<!tpu.dma_semaphore, #tpu.memory_space<semaphore_mem>>)
    %scan3A = arith.constant 0 : i32
    %scan3A_22 = arith.constant 0 : i32
    %scan3A_23 = arith.constant 20 : i32
    %scan3A_24 = arith.addi %scan3A_22, %scan3A_23 : i32
    %scan3A_25 = arith.constant 1 : i32
    %scan3A_26 = scf.for %scan3A_57 = %scan3A_22 to %scan3A_24 step %scan3A_25 iter_args(%scan3A_58 = %scan3A) -> (i32)  : i32 {
      %mul3A_59 = arith.constant 2 : i32
      %mul3A_60 = arith.muli %scan3A_57, %mul3A_59 : i32
      %add3A_61 = arith.constant 1 : i32
      %add3A_62 = arith.addi %mul3A_60, %add3A_61 : i32
      %dma_start3A_63 = arith.constant 0 : i32
      %dma_start3A_64 = tpu.memref_slice %arg6[%add3A_62, %dma_start3A_63] : memref<40x128xi32, #tpu.memory_space<vmem>> -> memref<1x128xi32, #tpu.memory_space<vmem>>
      %dma_start3A_65 = tpu.memref_squeeze %dma_start3A_64 : memref<1x128xi32, #tpu.memory_space<vmem>> -> memref<128xi32, #tpu.memory_space<vmem>>
      %dma_start3A_66 = arith.constant 0 : i32
      %dma_start3A_67 = arith.constant 0 : i32
      %dma_start3A_68 = tpu.memref_slice %arg2[%dma_start3A_66, %dma_start3A_67] : memref<20480x128xf32, #tpu.memory_space<hbm>> -> memref<20480x128xf32, #tpu.memory_space<hbm>>
      tpu.enqueue_indirect_dma source(%dma_start3A_68 : memref<20480x128xf32, #tpu.memory_space<hbm>>) target(%arg9 : memref<128x128xf32, #tpu.memory_space<vmem>>) offsets(%dma_start3A_65 : memref<128xi32, #tpu.memory_space<vmem>>) semaphore(%arg11 : memref<!tpu.dma_semaphore, #tpu.memory_space<semaphore_mem>>)
      %dma_wait3A = arith.constant 0 : i32
      %dma_wait3A_69 = tpu.memref_slice %arg6[%mul3A_60, %dma_wait3A] : memref<40x128xi32, #tpu.memory_space<vmem>> -> memref<1x128xi32, #tpu.memory_space<vmem>>
      %dma_wait3A_70 = tpu.memref_squeeze %dma_wait3A_69 : memref<1x128xi32, #tpu.memory_space<vmem>> -> memref<128xi32, #tpu.memory_space<vmem>>
      %dma_wait3A_71 = arith.constant 0 : i32
      %dma_wait3A_72 = arith.constant 0 : i32
      %dma_wait3A_73 = tpu.memref_slice %arg2[%dma_wait3A_71, %dma_wait3A_72] : memref<20480x128xf32, #tpu.memory_space<hbm>> -> memref<20480x128xf32, #tpu.memory_space<hbm>>
      tpu.wait_indirect_dma semaphore(%arg10 : memref<!tpu.dma_semaphore, #tpu.memory_space<semaphore_mem>>) src(%dma_wait3A_73 : memref<20480x128xf32, #tpu.memory_space<hbm>>) dst(%arg8 : memref<128x128xf32, #tpu.memory_space<vmem>>)
      "tpu.region"() ({
        %run_scoped3A = tpu.sem_alloc : memref<!tpu.dma_semaphore, #tpu.memory_space<semaphore_mem>>
        %dma_start3A_87 = arith.constant 0 : i32
        %dma_start3A_88 = tpu.memref_slice %arg7[%mul3A_60, %dma_start3A_87] : memref<40x128xi32, #tpu.memory_space<vmem>> -> memref<1x128xi32, #tpu.memory_space<vmem>>
        %dma_start3A_89 = tpu.memref_squeeze %dma_start3A_88 : memref<1x128xi32, #tpu.memory_space<vmem>> -> memref<128xi32, #tpu.memory_space<vmem>>
        %dma_start3A_90 = arith.constant 0 : i32
        %dma_start3A_91 = arith.constant 0 : i32
        %dma_start3A_92 = tpu.memref_slice %arg12[%dma_start3A_90, %dma_start3A_91] : memref<10240x128xf32, #tpu.memory_space<vmem_shared>> -> memref<10240x128xf32, #tpu.memory_space<vmem_shared>>
        tpu.enqueue_indirect_dma source(%arg8 : memref<128x128xf32, #tpu.memory_space<vmem>>) target(%dma_start3A_92 : memref<10240x128xf32, #tpu.memory_space<vmem_shared>>) offsets(%dma_start3A_89 : memref<128xi32, #tpu.memory_space<vmem>>) semaphore(%run_scoped3A : memref<!tpu.dma_semaphore, #tpu.memory_space<semaphore_mem>>) {add = true}
        %dma_wait3A_93 = arith.constant 0 : i32
        %dma_wait3A_94 = tpu.memref_slice %arg7[%mul3A_60, %dma_wait3A_93] : memref<40x128xi32, #tpu.memory_space<vmem>> -> memref<1x128xi32, #tpu.memory_space<vmem>>
        %dma_wait3A_95 = tpu.memref_squeeze %dma_wait3A_94 : memref<1x128xi32, #tpu.memory_space<vmem>> -> memref<128xi32, #tpu.memory_space<vmem>>
        %dma_wait3A_96 = arith.constant 0 : i32
        %dma_wait3A_97 = arith.constant 0 : i32
        %dma_wait3A_98 = tpu.memref_slice %arg12[%dma_wait3A_96, %dma_wait3A_97] : memref<10240x128xf32, #tpu.memory_space<vmem_shared>> -> memref<10240x128xf32, #tpu.memory_space<vmem_shared>>
        tpu.wait_indirect_dma semaphore(%run_scoped3A : memref<!tpu.dma_semaphore, #tpu.memory_space<semaphore_mem>>) src(%arg8 : memref<128x128xf32, #tpu.memory_space<vmem>>) dst(%dma_wait3A_98 : memref<10240x128xf32, #tpu.memory_space<vmem_shared>>)
        tpu.yield
      }) : () -> ()
      %lt3A = arith.constant 19 : i32
      %lt3A_74 = arith.cmpi slt, %scan3A_57, %lt3A : i32
      %convert_element_type3A = arith.extui %lt3A_74 : i1 to i32
      %cond3A = arith.constant 0 : i32
      %cond3A_75 = arith.cmpi ne, %convert_element_type3A, %cond3A : i32
      scf.if %cond3A_75 {
        %add3A_87 = arith.constant 2 : i32
        %add3A_88 = arith.addi %mul3A_60, %add3A_87 : i32
        %dma_start3A_89 = arith.constant 0 : i32
        %dma_start3A_90 = tpu.memref_slice %arg6[%add3A_88, %dma_start3A_89] : memref<40x128xi32, #tpu.memory_space<vmem>> -> memref<1x128xi32, #tpu.memory_space<vmem>>
        %dma_start3A_91 = tpu.memref_squeeze %dma_start3A_90 : memref<1x128xi32, #tpu.memory_space<vmem>> -> memref<128xi32, #tpu.memory_space<vmem>>
        %dma_start3A_92 = arith.constant 0 : i32
        %dma_start3A_93 = arith.constant 0 : i32
        %dma_start3A_94 = tpu.memref_slice %arg2[%dma_start3A_92, %dma_start3A_93] : memref<20480x128xf32, #tpu.memory_space<hbm>> -> memref<20480x128xf32, #tpu.memory_space<hbm>>
        tpu.enqueue_indirect_dma source(%dma_start3A_94 : memref<20480x128xf32, #tpu.memory_space<hbm>>) target(%arg8 : memref<128x128xf32, #tpu.memory_space<vmem>>) offsets(%dma_start3A_91 : memref<128xi32, #tpu.memory_space<vmem>>) semaphore(%arg10 : memref<!tpu.dma_semaphore, #tpu.memory_space<semaphore_mem>>)
      } else {
      }
      %add3A_76 = arith.constant 1 : i32
      %add3A_77 = arith.addi %mul3A_60, %add3A_76 : i32
      %dma_wait3A_78 = arith.constant 0 : i32
      %dma_wait3A_79 = tpu.memref_slice %arg6[%add3A_77, %dma_wait3A_78] : memref<40x128xi32, #tpu.memory_space<vmem>> -> memref<1x128xi32, #tpu.memory_space<vmem>>
      %dma_wait3A_80 = tpu.memref_squeeze %dma_wait3A_79 : memref<1x128xi32, #tpu.memory_space<vmem>> -> memref<128xi32, #tpu.memory_space<vmem>>
      %dma_wait3A_81 = arith.constant 0 : i32
      %dma_wait3A_82 = arith.constant 0 : i32
      %dma_wait3A_83 = tpu.memref_slice %arg2[%dma_wait3A_81, %dma_wait3A_82] : memref<20480x128xf32, #tpu.memory_space<hbm>> -> memref<20480x128xf32, #tpu.memory_space<hbm>>
      tpu.wait_indirect_dma semaphore(%arg11 : memref<!tpu.dma_semaphore, #tpu.memory_space<semaphore_mem>>) src(%dma_wait3A_83 : memref<20480x128xf32, #tpu.memory_space<hbm>>) dst(%arg9 : memref<128x128xf32, #tpu.memory_space<vmem>>)
      %add3A_84 = arith.constant 1 : i32
      %add3A_85 = arith.addi %mul3A_60, %add3A_84 : i32
      "tpu.region"() ({
        %run_scoped3A = tpu.sem_alloc : memref<!tpu.dma_semaphore, #tpu.memory_space<semaphore_mem>>
        %dma_start3A_87 = arith.constant 0 : i32
        %dma_start3A_88 = tpu.memref_slice %arg7[%add3A_85, %dma_start3A_87] : memref<40x128xi32, #tpu.memory_space<vmem>> -> memref<1x128xi32, #tpu.memory_space<vmem>>
        %dma_start3A_89 = tpu.memref_squeeze %dma_start3A_88 : memref<1x128xi32, #tpu.memory_space<vmem>> -> memref<128xi32, #tpu.memory_space<vmem>>
        %dma_start3A_90 = arith.constant 0 : i32
        %dma_start3A_91 = arith.constant 0 : i32
        %dma_start3A_92 = tpu.memref_slice %arg12[%dma_start3A_90, %dma_start3A_91] : memref<10240x128xf32, #tpu.memory_space<vmem_shared>> -> memref<10240x128xf32, #tpu.memory_space<vmem_shared>>
        tpu.enqueue_indirect_dma source(%arg9 : memref<128x128xf32, #tpu.memory_space<vmem>>) target(%dma_start3A_92 : memref<10240x128xf32, #tpu.memory_space<vmem_shared>>) offsets(%dma_start3A_89 : memref<128xi32, #tpu.memory_space<vmem>>) semaphore(%run_scoped3A : memref<!tpu.dma_semaphore, #tpu.memory_space<semaphore_mem>>) {add = true}
        %dma_wait3A_93 = arith.constant 0 : i32
        %dma_wait3A_94 = tpu.memref_slice %arg7[%add3A_85, %dma_wait3A_93] : memref<40x128xi32, #tpu.memory_space<vmem>> -> memref<1x128xi32, #tpu.memory_space<vmem>>
        %dma_wait3A_95 = tpu.memref_squeeze %dma_wait3A_94 : memref<1x128xi32, #tpu.memory_space<vmem>> -> memref<128xi32, #tpu.memory_space<vmem>>
        %dma_wait3A_96 = arith.constant 0 : i32
        %dma_wait3A_97 = arith.constant 0 : i32
        %dma_wait3A_98 = tpu.memref_slice %arg12[%dma_wait3A_96, %dma_wait3A_97] : memref<10240x128xf32, #tpu.memory_space<vmem_shared>> -> memref<10240x128xf32, #tpu.memory_space<vmem_shared>>
        tpu.wait_indirect_dma semaphore(%run_scoped3A : memref<!tpu.dma_semaphore, #tpu.memory_space<semaphore_mem>>) src(%arg9 : memref<128x128xf32, #tpu.memory_space<vmem>>) dst(%dma_wait3A_98 : memref<10240x128xf32, #tpu.memory_space<vmem_shared>>)
        tpu.yield
      }) : () -> ()
      %scan3A_86 = arith.constant 0 : i32
      scf.yield %scan3A_86 : i32
    }
    %scan3A_27 = arith.constant 20 : i32
    %mul3A_28 = arith.constant 16 : i32
    %mul3A_29 = arith.muli %arg0, %mul3A_28 : i32
    %add3A_30 = arith.addi %mul3A_29, %arg1 : i32
    %mul3A_31 = arith.constant 80 : i32
    %mul3A_32 = arith.muli %add3A_30, %mul3A_31 : i32
    %add3A_33 = arith.constant 40 : i32
    %add3A_34 = arith.addi %mul3A_32, %add3A_33 : i32
    "tpu.region"() ({
      %run_scoped3A = tpu.sem_alloc : memref<!tpu.dma_semaphore, #tpu.memory_space<semaphore_mem>>
      %dma_start3A_57 = arith.constant 0 : i32
      %dma_start3A_58 = tpu.memref_slice %arg3[%add3A_34, %dma_start3A_57] : memref<2560x128xi32, #tpu.memory_space<hbm>> -> memref<40x128xi32, #tpu.memory_space<hbm>>
      %dma_start3A_59 = arith.constant 0 : i32
      %dma_start3A_60 = tpu.memref_slice %arg3[%add3A_34, %dma_start3A_59] : memref<2560x128xi32, #tpu.memory_space<hbm>> -> memref<40x128xi32, #tpu.memory_space<hbm>>
      tpu.enqueue_dma source(%dma_start3A_60 : memref<40x128xi32, #tpu.memory_space<hbm>>) target(%arg6 : memref<40x128xi32, #tpu.memory_space<vmem>>) target_semaphore(%run_scoped3A : memref<!tpu.dma_semaphore, #tpu.memory_space<semaphore_mem>>)
      %dma_wait3A = arith.constant 0 : i32
      %dma_wait3A_61 = tpu.memref_slice %arg3[%add3A_34, %dma_wait3A] : memref<2560x128xi32, #tpu.memory_space<hbm>> -> memref<40x128xi32, #tpu.memory_space<hbm>>
      %dma_wait3A_62 = arith.constant 0 : i32
      %dma_wait3A_63 = tpu.memref_slice %arg3[%add3A_34, %dma_wait3A_62] : memref<2560x128xi32, #tpu.memory_space<hbm>> -> memref<40x128xi32, #tpu.memory_space<hbm>>
      tpu.wait_dma2 semaphore(%run_scoped3A : memref<!tpu.dma_semaphore, #tpu.memory_space<semaphore_mem>>) src(%dma_wait3A_63 : memref<40x128xi32, #tpu.memory_space<hbm>>) dst(%arg6 : memref<40x128xi32, #tpu.memory_space<vmem>>)
      tpu.yield
    }) : () -> ()
    %mul3A_35 = arith.constant 80 : i32
    %mul3A_36 = arith.muli %arg1, %mul3A_35 : i32
    %add3A_37 = arith.constant 40 : i32
    %add3A_38 = arith.addi %mul3A_36, %add3A_37 : i32
    "tpu.region"() ({
      %run_scoped3A = tpu.sem_alloc : memref<!tpu.dma_semaphore, #tpu.memory_space<semaphore_mem>>
      %dma_start3A_57 = arith.constant 0 : i32
      %dma_start3A_58 = tpu.memref_slice %arg4[%add3A_38, %dma_start3A_57] : memref<1280x128xi32, #tpu.memory_space<hbm>> -> memref<40x128xi32, #tpu.memory_space<hbm>>
      %dma_start3A_59 = arith.constant 0 : i32
      %dma_start3A_60 = tpu.memref_slice %arg4[%add3A_38, %dma_start3A_59] : memref<1280x128xi32, #tpu.memory_space<hbm>> -> memref<40x128xi32, #tpu.memory_space<hbm>>
      tpu.enqueue_dma source(%dma_start3A_60 : memref<40x128xi32, #tpu.memory_space<hbm>>) target(%arg7 : memref<40x128xi32, #tpu.memory_space<vmem>>) target_semaphore(%run_scoped3A : memref<!tpu.dma_semaphore, #tpu.memory_space<semaphore_mem>>)
      %dma_wait3A = arith.constant 0 : i32
      %dma_wait3A_61 = tpu.memref_slice %arg4[%add3A_38, %dma_wait3A] : memref<1280x128xi32, #tpu.memory_space<hbm>> -> memref<40x128xi32, #tpu.memory_space<hbm>>
      %dma_wait3A_62 = arith.constant 0 : i32
      %dma_wait3A_63 = tpu.memref_slice %arg4[%add3A_38, %dma_wait3A_62] : memref<1280x128xi32, #tpu.memory_space<hbm>> -> memref<40x128xi32, #tpu.memory_space<hbm>>
      tpu.wait_dma2 semaphore(%run_scoped3A : memref<!tpu.dma_semaphore, #tpu.memory_space<semaphore_mem>>) src(%dma_wait3A_63 : memref<40x128xi32, #tpu.memory_space<hbm>>) dst(%arg7 : memref<40x128xi32, #tpu.memory_space<vmem>>)
      tpu.yield
    }) : () -> ()
    %dma_start3A_39 = arith.constant 0 : i32
    %dma_start3A_40 = arith.constant 0 : i32
    %dma_start3A_41 = tpu.memref_slice %arg6[%dma_start3A_39, %dma_start3A_40] : memref<40x128xi32, #tpu.memory_space<vmem>> -> memref<1x128xi32, #tpu.memory_space<vmem>>
    %dma_start3A_42 = tpu.memref_squeeze %dma_start3A_41 : memref<1x128xi32, #tpu.memory_space<vmem>> -> memref<128xi32, #tpu.memory_space<vmem>>
    %dma_start3A_43 = arith.constant 0 : i32
    %dma_start3A_44 = arith.constant 0 : i32
    %dma_start3A_45 = tpu.memref_slice %arg2[%dma_start3A_43, %dma_start3A_44] : memref<20480x128xf32, #tpu.memory_space<hbm>> -> memref<20480x128xf32, #tpu.memory_space<hbm>>
    tpu.enqueue_indirect_dma source(%dma_start3A_45 : memref<20480x128xf32, #tpu.memory_space<hbm>>) target(%arg8 : memref<128x128xf32, #tpu.memory_space<vmem>>) offsets(%dma_start3A_42 : memref<128xi32, #tpu.memory_space<vmem>>) semaphore(%arg10 : memref<!tpu.dma_semaphore, #tpu.memory_space<semaphore_mem>>)
    %scan3A_46 = arith.constant 0 : i32
    %scan3A_47 = arith.constant 0 : i32
    %scan3A_48 = arith.constant 20 : i32
    %scan3A_49 = arith.addi %scan3A_47, %scan3A_48 : i32
    %scan3A_50 = arith.constant 1 : i32
    %scan3A_51 = scf.for %scan3A_57 = %scan3A_47 to %scan3A_49 step %scan3A_50 iter_args(%scan3A_58 = %scan3A_46) -> (i32)  : i32 {
      %mul3A_59 = arith.constant 2 : i32
      %mul3A_60 = arith.muli %scan3A_57, %mul3A_59 : i32
      %add3A_61 = arith.constant 1 : i32
      %add3A_62 = arith.addi %mul3A_60, %add3A_61 : i32
      %dma_start3A_63 = arith.constant 0 : i32
      %dma_start3A_64 = tpu.memref_slice %arg6[%add3A_62, %dma_start3A_63] : memref<40x128xi32, #tpu.memory_space<vmem>> -> memref<1x128xi32, #tpu.memory_space<vmem>>
      %dma_start3A_65 = tpu.memref_squeeze %dma_start3A_64 : memref<1x128xi32, #tpu.memory_space<vmem>> -> memref<128xi32, #tpu.memory_space<vmem>>
      %dma_start3A_66 = arith.constant 0 : i32
      %dma_start3A_67 = arith.constant 0 : i32
      %dma_start3A_68 = tpu.memref_slice %arg2[%dma_start3A_66, %dma_start3A_67] : memref<20480x128xf32, #tpu.memory_space<hbm>> -> memref<20480x128xf32, #tpu.memory_space<hbm>>
      tpu.enqueue_indirect_dma source(%dma_start3A_68 : memref<20480x128xf32, #tpu.memory_space<hbm>>) target(%arg9 : memref<128x128xf32, #tpu.memory_space<vmem>>) offsets(%dma_start3A_65 : memref<128xi32, #tpu.memory_space<vmem>>) semaphore(%arg11 : memref<!tpu.dma_semaphore, #tpu.memory_space<semaphore_mem>>)
      %dma_wait3A = arith.constant 0 : i32
      %dma_wait3A_69 = tpu.memref_slice %arg6[%mul3A_60, %dma_wait3A] : memref<40x128xi32, #tpu.memory_space<vmem>> -> memref<1x128xi32, #tpu.memory_space<vmem>>
      %dma_wait3A_70 = tpu.memref_squeeze %dma_wait3A_69 : memref<1x128xi32, #tpu.memory_space<vmem>> -> memref<128xi32, #tpu.memory_space<vmem>>
      %dma_wait3A_71 = arith.constant 0 : i32
      %dma_wait3A_72 = arith.constant 0 : i32
      %dma_wait3A_73 = tpu.memref_slice %arg2[%dma_wait3A_71, %dma_wait3A_72] : memref<20480x128xf32, #tpu.memory_space<hbm>> -> memref<20480x128xf32, #tpu.memory_space<hbm>>
      tpu.wait_indirect_dma semaphore(%arg10 : memref<!tpu.dma_semaphore, #tpu.memory_space<semaphore_mem>>) src(%dma_wait3A_73 : memref<20480x128xf32, #tpu.memory_space<hbm>>) dst(%arg8 : memref<128x128xf32, #tpu.memory_space<vmem>>)
      "tpu.region"() ({
        %run_scoped3A = tpu.sem_alloc : memref<!tpu.dma_semaphore, #tpu.memory_space<semaphore_mem>>
        %dma_start3A_87 = arith.constant 0 : i32
        %dma_start3A_88 = tpu.memref_slice %arg7[%mul3A_60, %dma_start3A_87] : memref<40x128xi32, #tpu.memory_space<vmem>> -> memref<1x128xi32, #tpu.memory_space<vmem>>
        %dma_start3A_89 = tpu.memref_squeeze %dma_start3A_88 : memref<1x128xi32, #tpu.memory_space<vmem>> -> memref<128xi32, #tpu.memory_space<vmem>>
        %dma_start3A_90 = arith.constant 0 : i32
        %dma_start3A_91 = arith.constant 0 : i32
        %dma_start3A_92 = tpu.memref_slice %arg12[%dma_start3A_90, %dma_start3A_91] : memref<10240x128xf32, #tpu.memory_space<vmem_shared>> -> memref<10240x128xf32, #tpu.memory_space<vmem_shared>>
        tpu.enqueue_indirect_dma source(%arg8 : memref<128x128xf32, #tpu.memory_space<vmem>>) target(%dma_start3A_92 : memref<10240x128xf32, #tpu.memory_space<vmem_shared>>) offsets(%dma_start3A_89 : memref<128xi32, #tpu.memory_space<vmem>>) semaphore(%run_scoped3A : memref<!tpu.dma_semaphore, #tpu.memory_space<semaphore_mem>>) {add = true}
        %dma_wait3A_93 = arith.constant 0 : i32
        %dma_wait3A_94 = tpu.memref_slice %arg7[%mul3A_60, %dma_wait3A_93] : memref<40x128xi32, #tpu.memory_space<vmem>> -> memref<1x128xi32, #tpu.memory_space<vmem>>
        %dma_wait3A_95 = tpu.memref_squeeze %dma_wait3A_94 : memref<1x128xi32, #tpu.memory_space<vmem>> -> memref<128xi32, #tpu.memory_space<vmem>>
        %dma_wait3A_96 = arith.constant 0 : i32
        %dma_wait3A_97 = arith.constant 0 : i32
        %dma_wait3A_98 = tpu.memref_slice %arg12[%dma_wait3A_96, %dma_wait3A_97] : memref<10240x128xf32, #tpu.memory_space<vmem_shared>> -> memref<10240x128xf32, #tpu.memory_space<vmem_shared>>
        tpu.wait_indirect_dma semaphore(%run_scoped3A : memref<!tpu.dma_semaphore, #tpu.memory_space<semaphore_mem>>) src(%arg8 : memref<128x128xf32, #tpu.memory_space<vmem>>) dst(%dma_wait3A_98 : memref<10240x128xf32, #tpu.memory_space<vmem_shared>>)
        tpu.yield
      }) : () -> ()
      %lt3A = arith.constant 19 : i32
      %lt3A_74 = arith.cmpi slt, %scan3A_57, %lt3A : i32
      %convert_element_type3A = arith.extui %lt3A_74 : i1 to i32
      %cond3A = arith.constant 0 : i32
      %cond3A_75 = arith.cmpi ne, %convert_element_type3A, %cond3A : i32
      scf.if %cond3A_75 {
        %add3A_87 = arith.constant 2 : i32
        %add3A_88 = arith.addi %mul3A_60, %add3A_87 : i32
        %dma_start3A_89 = arith.constant 0 : i32
        %dma_start3A_90 = tpu.memref_slice %arg6[%add3A_88, %dma_start3A_89] : memref<40x128xi32, #tpu.memory_space<vmem>> -> memref<1x128xi32, #tpu.memory_space<vmem>>
        %dma_start3A_91 = tpu.memref_squeeze %dma_start3A_90 : memref<1x128xi32, #tpu.memory_space<vmem>> -> memref<128xi32, #tpu.memory_space<vmem>>
        %dma_start3A_92 = arith.constant 0 : i32
        %dma_start3A_93 = arith.constant 0 : i32
        %dma_start3A_94 = tpu.memref_slice %arg2[%dma_start3A_92, %dma_start3A_93] : memref<20480x128xf32, #tpu.memory_space<hbm>> -> memref<20480x128xf32, #tpu.memory_space<hbm>>
        tpu.enqueue_indirect_dma source(%dma_start3A_94 : memref<20480x128xf32, #tpu.memory_space<hbm>>) target(%arg8 : memref<128x128xf32, #tpu.memory_space<vmem>>) offsets(%dma_start3A_91 : memref<128xi32, #tpu.memory_space<vmem>>) semaphore(%arg10 : memref<!tpu.dma_semaphore, #tpu.memory_space<semaphore_mem>>)
      } else {
      }
      %add3A_76 = arith.constant 1 : i32
      %add3A_77 = arith.addi %mul3A_60, %add3A_76 : i32
      %dma_wait3A_78 = arith.constant 0 : i32
      %dma_wait3A_79 = tpu.memref_slice %arg6[%add3A_77, %dma_wait3A_78] : memref<40x128xi32, #tpu.memory_space<vmem>> -> memref<1x128xi32, #tpu.memory_space<vmem>>
      %dma_wait3A_80 = tpu.memref_squeeze %dma_wait3A_79 : memref<1x128xi32, #tpu.memory_space<vmem>> -> memref<128xi32, #tpu.memory_space<vmem>>
      %dma_wait3A_81 = arith.constant 0 : i32
      %dma_wait3A_82 = arith.constant 0 : i32
      %dma_wait3A_83 = tpu.memref_slice %arg2[%dma_wait3A_81, %dma_wait3A_82] : memref<20480x128xf32, #tpu.memory_space<hbm>> -> memref<20480x128xf32, #tpu.memory_space<hbm>>
      tpu.wait_indirect_dma semaphore(%arg11 : memref<!tpu.dma_semaphore, #tpu.memory_space<semaphore_mem>>) src(%dma_wait3A_83 : memref<20480x128xf32, #tpu.memory_space<hbm>>) dst(%arg9 : memref<128x128xf32, #tpu.memory_space<vmem>>)
      %add3A_84 = arith.constant 1 : i32
      %add3A_85 = arith.addi %mul3A_60, %add3A_84 : i32
      "tpu.region"() ({
        %run_scoped3A = tpu.sem_alloc : memref<!tpu.dma_semaphore, #tpu.memory_space<semaphore_mem>>
        %dma_start3A_87 = arith.constant 0 : i32
        %dma_start3A_88 = tpu.memref_slice %arg7[%add3A_85, %dma_start3A_87] : memref<40x128xi32, #tpu.memory_space<vmem>> -> memref<1x128xi32, #tpu.memory_space<vmem>>
        %dma_start3A_89 = tpu.memref_squeeze %dma_start3A_88 : memref<1x128xi32, #tpu.memory_space<vmem>> -> memref<128xi32, #tpu.memory_space<vmem>>
        %dma_start3A_90 = arith.constant 0 : i32
        %dma_start3A_91 = arith.constant 0 : i32
        %dma_start3A_92 = tpu.memref_slice %arg12[%dma_start3A_90, %dma_start3A_91] : memref<10240x128xf32, #tpu.memory_space<vmem_shared>> -> memref<10240x128xf32, #tpu.memory_space<vmem_shared>>
        tpu.enqueue_indirect_dma source(%arg9 : memref<128x128xf32, #tpu.memory_space<vmem>>) target(%dma_start3A_92 : memref<10240x128xf32, #tpu.memory_space<vmem_shared>>) offsets(%dma_start3A_89 : memref<128xi32, #tpu.memory_space<vmem>>) semaphore(%run_scoped3A : memref<!tpu.dma_semaphore, #tpu.memory_space<semaphore_mem>>) {add = true}
        %dma_wait3A_93 = arith.constant 0 : i32
        %dma_wait3A_94 = tpu.memref_slice %arg7[%add3A_85, %dma_wait3A_93] : memref<40x128xi32, #tpu.memory_space<vmem>> -> memref<1x128xi32, #tpu.memory_space<vmem>>
        %dma_wait3A_95 = tpu.memref_squeeze %dma_wait3A_94 : memref<1x128xi32, #tpu.memory_space<vmem>> -> memref<128xi32, #tpu.memory_space<vmem>>
        %dma_wait3A_96 = arith.constant 0 : i32
        %dma_wait3A_97 = arith.constant 0 : i32
        %dma_wait3A_98 = tpu.memref_slice %arg12[%dma_wait3A_96, %dma_wait3A_97] : memref<10240x128xf32, #tpu.memory_space<vmem_shared>> -> memref<10240x128xf32, #tpu.memory_space<vmem_shared>>
        tpu.wait_indirect_dma semaphore(%run_scoped3A : memref<!tpu.dma_semaphore, #tpu.memory_space<semaphore_mem>>) src(%arg9 : memref<128x128xf32, #tpu.memory_space<vmem>>) dst(%dma_wait3A_98 : memref<10240x128xf32, #tpu.memory_space<vmem_shared>>)
        tpu.yield
      }) : () -> ()
      %scan3A_86 = arith.constant 0 : i32
      scf.yield %scan3A_86 : i32
    }
    %scan3A_52 = arith.constant 20 : i32
    %barrier3A_53 = arith.constant 0 : index
    tpu.barrier barrier_id(%barrier3A_53)
    %mul3A_54 = arith.constant 640 : i32
    %mul3A_55 = arith.muli %arg1, %mul3A_54 : i32
    %add3A_56 = arith.addi %mul3A_2, %mul3A_55 : i32
    "tpu.region"() ({
      %run_scoped3A = tpu.sem_alloc : memref<!tpu.dma_semaphore, #tpu.memory_space<semaphore_mem>>
      %dma_start3A_57 = arith.constant 0 : i32
      %dma_start3A_58 = tpu.memref_slice %arg5[%add3A_56, %dma_start3A_57] : memref<20480x128xf32, #tpu.memory_space<hbm>> -> memref<640x128xf32, #tpu.memory_space<hbm>>
      %dma_start3A_59 = arith.constant 0 : i32
      %dma_start3A_60 = tpu.memref_slice %arg12[%mul3A_0, %dma_start3A_59] : memref<10240x128xf32, #tpu.memory_space<vmem_shared>> -> memref<640x128xf32, #tpu.memory_space<vmem_shared>>
      tpu.enqueue_dma source(%dma_start3A_60 : memref<640x128xf32, #tpu.memory_space<vmem_shared>>) target(%dma_start3A_58 : memref<640x128xf32, #tpu.memory_space<hbm>>) target_semaphore(%run_scoped3A : memref<!tpu.dma_semaphore, #tpu.memory_space<semaphore_mem>>)
      %dma_wait3A = arith.constant 0 : i32
      %dma_wait3A_61 = tpu.memref_slice %arg5[%add3A_56, %dma_wait3A] : memref<20480x128xf32, #tpu.memory_space<hbm>> -> memref<640x128xf32, #tpu.memory_space<hbm>>
      %dma_wait3A_62 = arith.constant 0 : i32
      %dma_wait3A_63 = tpu.memref_slice %arg12[%mul3A_0, %dma_wait3A_62] : memref<10240x128xf32, #tpu.memory_space<vmem_shared>> -> memref<640x128xf32, #tpu.memory_space<vmem_shared>>
      tpu.wait_dma2 semaphore(%run_scoped3A : memref<!tpu.dma_semaphore, #tpu.memory_space<semaphore_mem>>) src(%dma_wait3A_63 : memref<640x128xf32, #tpu.memory_space<vmem_shared>>) dst(%dma_wait3A_61 : memref<640x128xf32, #tpu.memory_space<hbm>>)
      tpu.yield
    }) : () -> ()
    return
  }
}

#map = affine_map<(d0, d1) -> (0, 0)>
module attributes {stable_mosaic.version = 14 : i64} {
  func.func @_prop_kernel(%arg0: i32, %arg1: i32, %arg2: memref<20480x128xf32, #tpu.memory_space<hbm>>, %arg3: memref<2560x128xi32, #tpu.memory_space<hbm>>, %arg4: memref<1280x128xi32, #tpu.memory_space<hbm>>, %arg5: memref<20480x128xf32, #tpu.memory_space<hbm>>, %arg6: memref<40x128xi32, #tpu.memory_space<vmem>>, %arg7: memref<40x128xi32, #tpu.memory_space<vmem>>, %arg8: memref<128x128xf32, #tpu.memory_space<vmem>>, %arg9: memref<128x128xf32, #tpu.memory_space<vmem>>, %arg10: memref<!tpu.dma_semaphore, #tpu.memory_space<semaphore_mem>>, %arg11: memref<!tpu.dma_semaphore, #tpu.memory_space<semaphore_mem>>, %arg12: memref<10240x128xf32, #tpu.memory_space<vmem_shared>>) attributes {dimension_semantics = [#tpu.dimension_semantics<core_parallel>, #tpu.dimension_semantics<subcore_parallel>], iteration_bounds = array<i64: 2, 16>, scalar_prefetch = 0 : i64, scratch_operands = 7 : i64, tpu.core_type = #tpu.core_type<sc_vector_subcore>, window_params = [{transform_indices = #map}, {transform_indices = #map}, {transform_indices = #map}, {transform_indices = #map}]} {
    %mul3A = arith.constant 640 : i32
    %mul3A_0 = arith.muli %arg1, %mul3A : i32
    %mul3A_1 = arith.constant 10240 : i32
    %mul3A_2 = arith.muli %arg0, %mul3A_1 : i32
    %mul3A_3 = arith.constant 640 : i32
    %mul3A_4 = arith.muli %arg1, %mul3A_3 : i32
    %add3A = arith.addi %mul3A_2, %mul3A_4 : i32
    "tpu.region"() ({
      %run_scoped3A = tpu.sem_alloc : memref<!tpu.dma_semaphore, #tpu.memory_space<semaphore_mem>>
      %dma_start3A_57 = arith.constant 0 : i32
      %dma_start3A_58 = tpu.memref_slice %arg12[%mul3A_0, %dma_start3A_57] : memref<10240x128xf32, #tpu.memory_space<vmem_shared>> -> memref<640x128xf32, #tpu.memory_space<vmem_shared>>
      %dma_start3A_59 = arith.constant 0 : i32
      %dma_start3A_60 = tpu.memref_slice %arg2[%add3A, %dma_start3A_59] : memref<20480x128xf32, #tpu.memory_space<hbm>> -> memref<640x128xf32, #tpu.memory_space<hbm>>
      tpu.enqueue_dma source(%dma_start3A_60 : memref<640x128xf32, #tpu.memory_space<hbm>>) target(%dma_start3A_58 : memref<640x128xf32, #tpu.memory_space<vmem_shared>>) target_semaphore(%run_scoped3A : memref<!tpu.dma_semaphore, #tpu.memory_space<semaphore_mem>>)
      %dma_wait3A = arith.constant 0 : i32
      %dma_wait3A_61 = tpu.memref_slice %arg12[%mul3A_0, %dma_wait3A] : memref<10240x128xf32, #tpu.memory_space<vmem_shared>> -> memref<640x128xf32, #tpu.memory_space<vmem_shared>>
      %dma_wait3A_62 = arith.constant 0 : i32
      %dma_wait3A_63 = tpu.memref_slice %arg2[%add3A, %dma_wait3A_62] : memref<20480x128xf32, #tpu.memory_space<hbm>> -> memref<640x128xf32, #tpu.memory_space<hbm>>
      tpu.wait_dma2 semaphore(%run_scoped3A : memref<!tpu.dma_semaphore, #tpu.memory_space<semaphore_mem>>) src(%dma_wait3A_63 : memref<640x128xf32, #tpu.memory_space<hbm>>) dst(%dma_wait3A_61 : memref<640x128xf32, #tpu.memory_space<vmem_shared>>)
      tpu.yield
    }) : () -> ()
    %barrier3A = arith.constant 0 : index
    tpu.barrier barrier_id(%barrier3A)
    %mul3A_5 = arith.constant 16 : i32
    %mul3A_6 = arith.muli %arg0, %mul3A_5 : i32
    %add3A_7 = arith.addi %mul3A_6, %arg1 : i32
    %mul3A_8 = arith.constant 80 : i32
    %mul3A_9 = arith.muli %add3A_7, %mul3A_8 : i32
    %add3A_10 = arith.constant 0 : i32
    %add3A_11 = arith.addi %mul3A_9, %add3A_10 : i32
    "tpu.region"() ({
      %run_scoped3A = tpu.sem_alloc : memref<!tpu.dma_semaphore, #tpu.memory_space<semaphore_mem>>
      %dma_start3A_57 = arith.constant 0 : i32
      %dma_start3A_58 = tpu.memref_slice %arg3[%add3A_11, %dma_start3A_57] : memref<2560x128xi32, #tpu.memory_space<hbm>> -> memref<40x128xi32, #tpu.memory_space<hbm>>
      %dma_start3A_59 = arith.constant 0 : i32
      %dma_start3A_60 = tpu.memref_slice %arg3[%add3A_11, %dma_start3A_59] : memref<2560x128xi32, #tpu.memory_space<hbm>> -> memref<40x128xi32, #tpu.memory_space<hbm>>
      tpu.enqueue_dma source(%dma_start3A_60 : memref<40x128xi32, #tpu.memory_space<hbm>>) target(%arg6 : memref<40x128xi32, #tpu.memory_space<vmem>>) target_semaphore(%run_scoped3A : memref<!tpu.dma_semaphore, #tpu.memory_space<semaphore_mem>>)
      %dma_wait3A = arith.constant 0 : i32
      %dma_wait3A_61 = tpu.memref_slice %arg3[%add3A_11, %dma_wait3A] : memref<2560x128xi32, #tpu.memory_space<hbm>> -> memref<40x128xi32, #tpu.memory_space<hbm>>
      %dma_wait3A_62 = arith.constant 0 : i32
      %dma_wait3A_63 = tpu.memref_slice %arg3[%add3A_11, %dma_wait3A_62] : memref<2560x128xi32, #tpu.memory_space<hbm>> -> memref<40x128xi32, #tpu.memory_space<hbm>>
      tpu.wait_dma2 semaphore(%run_scoped3A : memref<!tpu.dma_semaphore, #tpu.memory_space<semaphore_mem>>) src(%dma_wait3A_63 : memref<40x128xi32, #tpu.memory_space<hbm>>) dst(%arg6 : memref<40x128xi32, #tpu.memory_space<vmem>>)
      tpu.yield
    }) : () -> ()
    %mul3A_12 = arith.constant 80 : i32
    %mul3A_13 = arith.muli %arg1, %mul3A_12 : i32
    %add3A_14 = arith.constant 0 : i32
    %add3A_15 = arith.addi %mul3A_13, %add3A_14 : i32
    "tpu.region"() ({
      %run_scoped3A = tpu.sem_alloc : memref<!tpu.dma_semaphore, #tpu.memory_space<semaphore_mem>>
      %dma_start3A_57 = arith.constant 0 : i32
      %dma_start3A_58 = tpu.memref_slice %arg4[%add3A_15, %dma_start3A_57] : memref<1280x128xi32, #tpu.memory_space<hbm>> -> memref<40x128xi32, #tpu.memory_space<hbm>>
      %dma_start3A_59 = arith.constant 0 : i32
      %dma_start3A_60 = tpu.memref_slice %arg4[%add3A_15, %dma_start3A_59] : memref<1280x128xi32, #tpu.memory_space<hbm>> -> memref<40x128xi32, #tpu.memory_space<hbm>>
      tpu.enqueue_dma source(%dma_start3A_60 : memref<40x128xi32, #tpu.memory_space<hbm>>) target(%arg7 : memref<40x128xi32, #tpu.memory_space<vmem>>) target_semaphore(%run_scoped3A : memref<!tpu.dma_semaphore, #tpu.memory_space<semaphore_mem>>)
      %dma_wait3A = arith.constant 0 : i32
      %dma_wait3A_61 = tpu.memref_slice %arg4[%add3A_15, %dma_wait3A] : memref<1280x128xi32, #tpu.memory_space<hbm>> -> memref<40x128xi32, #tpu.memory_space<hbm>>
      %dma_wait3A_62 = arith.constant 0 : i32
      %dma_wait3A_63 = tpu.memref_slice %arg4[%add3A_15, %dma_wait3A_62] : memref<1280x128xi32, #tpu.memory_space<hbm>> -> memref<40x128xi32, #tpu.memory_space<hbm>>
      tpu.wait_dma2 semaphore(%run_scoped3A : memref<!tpu.dma_semaphore, #tpu.memory_space<semaphore_mem>>) src(%dma_wait3A_63 : memref<40x128xi32, #tpu.memory_space<hbm>>) dst(%arg7 : memref<40x128xi32, #tpu.memory_space<vmem>>)
      tpu.yield
    }) : () -> ()
    %dma_start3A = arith.constant 0 : i32
    %dma_start3A_16 = arith.constant 0 : i32
    %dma_start3A_17 = tpu.memref_slice %arg6[%dma_start3A, %dma_start3A_16] : memref<40x128xi32, #tpu.memory_space<vmem>> -> memref<1x128xi32, #tpu.memory_space<vmem>>
    %dma_start3A_18 = tpu.memref_squeeze %dma_start3A_17 : memref<1x128xi32, #tpu.memory_space<vmem>> -> memref<128xi32, #tpu.memory_space<vmem>>
    %dma_start3A_19 = arith.constant 0 : i32
    %dma_start3A_20 = arith.constant 0 : i32
    %dma_start3A_21 = tpu.memref_slice %arg2[%dma_start3A_19, %dma_start3A_20] : memref<20480x128xf32, #tpu.memory_space<hbm>> -> memref<20480x128xf32, #tpu.memory_space<hbm>>
    tpu.enqueue_indirect_dma source(%dma_start3A_21 : memref<20480x128xf32, #tpu.memory_space<hbm>>) target(%arg8 : memref<128x128xf32, #tpu.memory_space<vmem>>) offsets(%dma_start3A_18 : memref<128xi32, #tpu.memory_space<vmem>>) semaphore(%arg10 : memref<!tpu.dma_semaphore, #tpu.memory_space<semaphore_mem>>)
    %scan3A = arith.constant 0 : i32
    %scan3A_22 = arith.constant 0 : i32
    %scan3A_23 = arith.constant 20 : i32
    %scan3A_24 = arith.addi %scan3A_22, %scan3A_23 : i32
    %scan3A_25 = arith.constant 1 : i32
    %scan3A_26 = scf.for %scan3A_57 = %scan3A_22 to %scan3A_24 step %scan3A_25 iter_args(%scan3A_58 = %scan3A) -> (i32)  : i32 {
      %mul3A_59 = arith.constant 2 : i32
      %mul3A_60 = arith.muli %scan3A_57, %mul3A_59 : i32
      %add3A_61 = arith.constant 1 : i32
      %add3A_62 = arith.addi %mul3A_60, %add3A_61 : i32
      %dma_start3A_63 = arith.constant 0 : i32
      %dma_start3A_64 = tpu.memref_slice %arg6[%add3A_62, %dma_start3A_63] : memref<40x128xi32, #tpu.memory_space<vmem>> -> memref<1x128xi32, #tpu.memory_space<vmem>>
      %dma_start3A_65 = tpu.memref_squeeze %dma_start3A_64 : memref<1x128xi32, #tpu.memory_space<vmem>> -> memref<128xi32, #tpu.memory_space<vmem>>
      %dma_start3A_66 = arith.constant 0 : i32
      %dma_start3A_67 = arith.constant 0 : i32
      %dma_start3A_68 = tpu.memref_slice %arg2[%dma_start3A_66, %dma_start3A_67] : memref<20480x128xf32, #tpu.memory_space<hbm>> -> memref<20480x128xf32, #tpu.memory_space<hbm>>
      tpu.enqueue_indirect_dma source(%dma_start3A_68 : memref<20480x128xf32, #tpu.memory_space<hbm>>) target(%arg9 : memref<128x128xf32, #tpu.memory_space<vmem>>) offsets(%dma_start3A_65 : memref<128xi32, #tpu.memory_space<vmem>>) semaphore(%arg11 : memref<!tpu.dma_semaphore, #tpu.memory_space<semaphore_mem>>)
      %dma_wait3A = arith.constant 0 : i32
      %dma_wait3A_69 = tpu.memref_slice %arg6[%mul3A_60, %dma_wait3A] : memref<40x128xi32, #tpu.memory_space<vmem>> -> memref<1x128xi32, #tpu.memory_space<vmem>>
      %dma_wait3A_70 = tpu.memref_squeeze %dma_wait3A_69 : memref<1x128xi32, #tpu.memory_space<vmem>> -> memref<128xi32, #tpu.memory_space<vmem>>
      %dma_wait3A_71 = arith.constant 0 : i32
      %dma_wait3A_72 = arith.constant 0 : i32
      %dma_wait3A_73 = tpu.memref_slice %arg2[%dma_wait3A_71, %dma_wait3A_72] : memref<20480x128xf32, #tpu.memory_space<hbm>> -> memref<20480x128xf32, #tpu.memory_space<hbm>>
      tpu.wait_indirect_dma semaphore(%arg10 : memref<!tpu.dma_semaphore, #tpu.memory_space<semaphore_mem>>) src(%dma_wait3A_73 : memref<20480x128xf32, #tpu.memory_space<hbm>>) dst(%arg8 : memref<128x128xf32, #tpu.memory_space<vmem>>)
      "tpu.region"() ({
        %run_scoped3A = tpu.sem_alloc : memref<!tpu.dma_semaphore, #tpu.memory_space<semaphore_mem>>
        %dma_start3A_87 = arith.constant 0 : i32
        %dma_start3A_88 = tpu.memref_slice %arg7[%mul3A_60, %dma_start3A_87] : memref<40x128xi32, #tpu.memory_space<vmem>> -> memref<1x128xi32, #tpu.memory_space<vmem>>
        %dma_start3A_89 = tpu.memref_squeeze %dma_start3A_88 : memref<1x128xi32, #tpu.memory_space<vmem>> -> memref<128xi32, #tpu.memory_space<vmem>>
        %dma_start3A_90 = arith.constant 0 : i32
        %dma_start3A_91 = arith.constant 0 : i32
        %dma_start3A_92 = tpu.memref_slice %arg12[%dma_start3A_90, %dma_start3A_91] : memref<10240x128xf32, #tpu.memory_space<vmem_shared>> -> memref<10240x128xf32, #tpu.memory_space<vmem_shared>>
        tpu.enqueue_indirect_dma source(%arg8 : memref<128x128xf32, #tpu.memory_space<vmem>>) target(%dma_start3A_92 : memref<10240x128xf32, #tpu.memory_space<vmem_shared>>) offsets(%dma_start3A_89 : memref<128xi32, #tpu.memory_space<vmem>>) semaphore(%run_scoped3A : memref<!tpu.dma_semaphore, #tpu.memory_space<semaphore_mem>>) {add = true}
        %dma_wait3A_93 = arith.constant 0 : i32
        %dma_wait3A_94 = tpu.memref_slice %arg7[%mul3A_60, %dma_wait3A_93] : memref<40x128xi32, #tpu.memory_space<vmem>> -> memref<1x128xi32, #tpu.memory_space<vmem>>
        %dma_wait3A_95 = tpu.memref_squeeze %dma_wait3A_94 : memref<1x128xi32, #tpu.memory_space<vmem>> -> memref<128xi32, #tpu.memory_space<vmem>>
        %dma_wait3A_96 = arith.constant 0 : i32
        %dma_wait3A_97 = arith.constant 0 : i32
        %dma_wait3A_98 = tpu.memref_slice %arg12[%dma_wait3A_96, %dma_wait3A_97] : memref<10240x128xf32, #tpu.memory_space<vmem_shared>> -> memref<10240x128xf32, #tpu.memory_space<vmem_shared>>
        tpu.wait_indirect_dma semaphore(%run_scoped3A : memref<!tpu.dma_semaphore, #tpu.memory_space<semaphore_mem>>) src(%arg8 : memref<128x128xf32, #tpu.memory_space<vmem>>) dst(%dma_wait3A_98 : memref<10240x128xf32, #tpu.memory_space<vmem_shared>>)
        tpu.yield
      }) : () -> ()
      %lt3A = arith.constant 19 : i32
      %lt3A_74 = arith.cmpi slt, %scan3A_57, %lt3A : i32
      %convert_element_type3A = arith.extui %lt3A_74 : i1 to i32
      %cond3A = arith.constant 0 : i32
      %cond3A_75 = arith.cmpi ne, %convert_element_type3A, %cond3A : i32
      scf.if %cond3A_75 {
        %add3A_87 = arith.constant 2 : i32
        %add3A_88 = arith.addi %mul3A_60, %add3A_87 : i32
        %dma_start3A_89 = arith.constant 0 : i32
        %dma_start3A_90 = tpu.memref_slice %arg6[%add3A_88, %dma_start3A_89] : memref<40x128xi32, #tpu.memory_space<vmem>> -> memref<1x128xi32, #tpu.memory_space<vmem>>
        %dma_start3A_91 = tpu.memref_squeeze %dma_start3A_90 : memref<1x128xi32, #tpu.memory_space<vmem>> -> memref<128xi32, #tpu.memory_space<vmem>>
        %dma_start3A_92 = arith.constant 0 : i32
        %dma_start3A_93 = arith.constant 0 : i32
        %dma_start3A_94 = tpu.memref_slice %arg2[%dma_start3A_92, %dma_start3A_93] : memref<20480x128xf32, #tpu.memory_space<hbm>> -> memref<20480x128xf32, #tpu.memory_space<hbm>>
        tpu.enqueue_indirect_dma source(%dma_start3A_94 : memref<20480x128xf32, #tpu.memory_space<hbm>>) target(%arg8 : memref<128x128xf32, #tpu.memory_space<vmem>>) offsets(%dma_start3A_91 : memref<128xi32, #tpu.memory_space<vmem>>) semaphore(%arg10 : memref<!tpu.dma_semaphore, #tpu.memory_space<semaphore_mem>>)
      } else {
      }
      %add3A_76 = arith.constant 1 : i32
      %add3A_77 = arith.addi %mul3A_60, %add3A_76 : i32
      %dma_wait3A_78 = arith.constant 0 : i32
      %dma_wait3A_79 = tpu.memref_slice %arg6[%add3A_77, %dma_wait3A_78] : memref<40x128xi32, #tpu.memory_space<vmem>> -> memref<1x128xi32, #tpu.memory_space<vmem>>
      %dma_wait3A_80 = tpu.memref_squeeze %dma_wait3A_79 : memref<1x128xi32, #tpu.memory_space<vmem>> -> memref<128xi32, #tpu.memory_space<vmem>>
      %dma_wait3A_81 = arith.constant 0 : i32
      %dma_wait3A_82 = arith.constant 0 : i32
      %dma_wait3A_83 = tpu.memref_slice %arg2[%dma_wait3A_81, %dma_wait3A_82] : memref<20480x128xf32, #tpu.memory_space<hbm>> -> memref<20480x128xf32, #tpu.memory_space<hbm>>
      tpu.wait_indirect_dma semaphore(%arg11 : memref<!tpu.dma_semaphore, #tpu.memory_space<semaphore_mem>>) src(%dma_wait3A_83 : memref<20480x128xf32, #tpu.memory_space<hbm>>) dst(%arg9 : memref<128x128xf32, #tpu.memory_space<vmem>>)
      %add3A_84 = arith.constant 1 : i32
      %add3A_85 = arith.addi %mul3A_60, %add3A_84 : i32
      "tpu.region"() ({
        %run_scoped3A = tpu.sem_alloc : memref<!tpu.dma_semaphore, #tpu.memory_space<semaphore_mem>>
        %dma_start3A_87 = arith.constant 0 : i32
        %dma_start3A_88 = tpu.memref_slice %arg7[%add3A_85, %dma_start3A_87] : memref<40x128xi32, #tpu.memory_space<vmem>> -> memref<1x128xi32, #tpu.memory_space<vmem>>
        %dma_start3A_89 = tpu.memref_squeeze %dma_start3A_88 : memref<1x128xi32, #tpu.memory_space<vmem>> -> memref<128xi32, #tpu.memory_space<vmem>>
        %dma_start3A_90 = arith.constant 0 : i32
        %dma_start3A_91 = arith.constant 0 : i32
        %dma_start3A_92 = tpu.memref_slice %arg12[%dma_start3A_90, %dma_start3A_91] : memref<10240x128xf32, #tpu.memory_space<vmem_shared>> -> memref<10240x128xf32, #tpu.memory_space<vmem_shared>>
        tpu.enqueue_indirect_dma source(%arg9 : memref<128x128xf32, #tpu.memory_space<vmem>>) target(%dma_start3A_92 : memref<10240x128xf32, #tpu.memory_space<vmem_shared>>) offsets(%dma_start3A_89 : memref<128xi32, #tpu.memory_space<vmem>>) semaphore(%run_scoped3A : memref<!tpu.dma_semaphore, #tpu.memory_space<semaphore_mem>>) {add = true}
        %dma_wait3A_93 = arith.constant 0 : i32
        %dma_wait3A_94 = tpu.memref_slice %arg7[%add3A_85, %dma_wait3A_93] : memref<40x128xi32, #tpu.memory_space<vmem>> -> memref<1x128xi32, #tpu.memory_space<vmem>>
        %dma_wait3A_95 = tpu.memref_squeeze %dma_wait3A_94 : memref<1x128xi32, #tpu.memory_space<vmem>> -> memref<128xi32, #tpu.memory_space<vmem>>
        %dma_wait3A_96 = arith.constant 0 : i32
        %dma_wait3A_97 = arith.constant 0 : i32
        %dma_wait3A_98 = tpu.memref_slice %arg12[%dma_wait3A_96, %dma_wait3A_97] : memref<10240x128xf32, #tpu.memory_space<vmem_shared>> -> memref<10240x128xf32, #tpu.memory_space<vmem_shared>>
        tpu.wait_indirect_dma semaphore(%run_scoped3A : memref<!tpu.dma_semaphore, #tpu.memory_space<semaphore_mem>>) src(%arg9 : memref<128x128xf32, #tpu.memory_space<vmem>>) dst(%dma_wait3A_98 : memref<10240x128xf32, #tpu.memory_space<vmem_shared>>)
        tpu.yield
      }) : () -> ()
      %scan3A_86 = arith.constant 0 : i32
      scf.yield %scan3A_86 : i32
    }
    %scan3A_27 = arith.constant 20 : i32
    %mul3A_28 = arith.constant 16 : i32
    %mul3A_29 = arith.muli %arg0, %mul3A_28 : i32
    %add3A_30 = arith.addi %mul3A_29, %arg1 : i32
    %mul3A_31 = arith.constant 80 : i32
    %mul3A_32 = arith.muli %add3A_30, %mul3A_31 : i32
    %add3A_33 = arith.constant 40 : i32
    %add3A_34 = arith.addi %mul3A_32, %add3A_33 : i32
    "tpu.region"() ({
      %run_scoped3A = tpu.sem_alloc : memref<!tpu.dma_semaphore, #tpu.memory_space<semaphore_mem>>
      %dma_start3A_57 = arith.constant 0 : i32
      %dma_start3A_58 = tpu.memref_slice %arg3[%add3A_34, %dma_start3A_57] : memref<2560x128xi32, #tpu.memory_space<hbm>> -> memref<40x128xi32, #tpu.memory_space<hbm>>
      %dma_start3A_59 = arith.constant 0 : i32
      %dma_start3A_60 = tpu.memref_slice %arg3[%add3A_34, %dma_start3A_59] : memref<2560x128xi32, #tpu.memory_space<hbm>> -> memref<40x128xi32, #tpu.memory_space<hbm>>
      tpu.enqueue_dma source(%dma_start3A_60 : memref<40x128xi32, #tpu.memory_space<hbm>>) target(%arg6 : memref<40x128xi32, #tpu.memory_space<vmem>>) target_semaphore(%run_scoped3A : memref<!tpu.dma_semaphore, #tpu.memory_space<semaphore_mem>>)
      %dma_wait3A = arith.constant 0 : i32
      %dma_wait3A_61 = tpu.memref_slice %arg3[%add3A_34, %dma_wait3A] : memref<2560x128xi32, #tpu.memory_space<hbm>> -> memref<40x128xi32, #tpu.memory_space<hbm>>
      %dma_wait3A_62 = arith.constant 0 : i32
      %dma_wait3A_63 = tpu.memref_slice %arg3[%add3A_34, %dma_wait3A_62] : memref<2560x128xi32, #tpu.memory_space<hbm>> -> memref<40x128xi32, #tpu.memory_space<hbm>>
      tpu.wait_dma2 semaphore(%run_scoped3A : memref<!tpu.dma_semaphore, #tpu.memory_space<semaphore_mem>>) src(%dma_wait3A_63 : memref<40x128xi32, #tpu.memory_space<hbm>>) dst(%arg6 : memref<40x128xi32, #tpu.memory_space<vmem>>)
      tpu.yield
    }) : () -> ()
    %mul3A_35 = arith.constant 80 : i32
    %mul3A_36 = arith.muli %arg1, %mul3A_35 : i32
    %add3A_37 = arith.constant 40 : i32
    %add3A_38 = arith.addi %mul3A_36, %add3A_37 : i32
    "tpu.region"() ({
      %run_scoped3A = tpu.sem_alloc : memref<!tpu.dma_semaphore, #tpu.memory_space<semaphore_mem>>
      %dma_start3A_57 = arith.constant 0 : i32
      %dma_start3A_58 = tpu.memref_slice %arg4[%add3A_38, %dma_start3A_57] : memref<1280x128xi32, #tpu.memory_space<hbm>> -> memref<40x128xi32, #tpu.memory_space<hbm>>
      %dma_start3A_59 = arith.constant 0 : i32
      %dma_start3A_60 = tpu.memref_slice %arg4[%add3A_38, %dma_start3A_59] : memref<1280x128xi32, #tpu.memory_space<hbm>> -> memref<40x128xi32, #tpu.memory_space<hbm>>
      tpu.enqueue_dma source(%dma_start3A_60 : memref<40x128xi32, #tpu.memory_space<hbm>>) target(%arg7 : memref<40x128xi32, #tpu.memory_space<vmem>>) target_semaphore(%run_scoped3A : memref<!tpu.dma_semaphore, #tpu.memory_space<semaphore_mem>>)
      %dma_wait3A = arith.constant 0 : i32
      %dma_wait3A_61 = tpu.memref_slice %arg4[%add3A_38, %dma_wait3A] : memref<1280x128xi32, #tpu.memory_space<hbm>> -> memref<40x128xi32, #tpu.memory_space<hbm>>
      %dma_wait3A_62 = arith.constant 0 : i32
      %dma_wait3A_63 = tpu.memref_slice %arg4[%add3A_38, %dma_wait3A_62] : memref<1280x128xi32, #tpu.memory_space<hbm>> -> memref<40x128xi32, #tpu.memory_space<hbm>>
      tpu.wait_dma2 semaphore(%run_scoped3A : memref<!tpu.dma_semaphore, #tpu.memory_space<semaphore_mem>>) src(%dma_wait3A_63 : memref<40x128xi32, #tpu.memory_space<hbm>>) dst(%arg7 : memref<40x128xi32, #tpu.memory_space<vmem>>)
      tpu.yield
    }) : () -> ()
    %dma_start3A_39 = arith.constant 0 : i32
    %dma_start3A_40 = arith.constant 0 : i32
    %dma_start3A_41 = tpu.memref_slice %arg6[%dma_start3A_39, %dma_start3A_40] : memref<40x128xi32, #tpu.memory_space<vmem>> -> memref<1x128xi32, #tpu.memory_space<vmem>>
    %dma_start3A_42 = tpu.memref_squeeze %dma_start3A_41 : memref<1x128xi32, #tpu.memory_space<vmem>> -> memref<128xi32, #tpu.memory_space<vmem>>
    %dma_start3A_43 = arith.constant 0 : i32
    %dma_start3A_44 = arith.constant 0 : i32
    %dma_start3A_45 = tpu.memref_slice %arg2[%dma_start3A_43, %dma_start3A_44] : memref<20480x128xf32, #tpu.memory_space<hbm>> -> memref<20480x128xf32, #tpu.memory_space<hbm>>
    tpu.enqueue_indirect_dma source(%dma_start3A_45 : memref<20480x128xf32, #tpu.memory_space<hbm>>) target(%arg8 : memref<128x128xf32, #tpu.memory_space<vmem>>) offsets(%dma_start3A_42 : memref<128xi32, #tpu.memory_space<vmem>>) semaphore(%arg10 : memref<!tpu.dma_semaphore, #tpu.memory_space<semaphore_mem>>)
    %scan3A_46 = arith.constant 0 : i32
    %scan3A_47 = arith.constant 0 : i32
    %scan3A_48 = arith.constant 20 : i32
    %scan3A_49 = arith.addi %scan3A_47, %scan3A_48 : i32
    %scan3A_50 = arith.constant 1 : i32
    %scan3A_51 = scf.for %scan3A_57 = %scan3A_47 to %scan3A_49 step %scan3A_50 iter_args(%scan3A_58 = %scan3A_46) -> (i32)  : i32 {
      %mul3A_59 = arith.constant 2 : i32
      %mul3A_60 = arith.muli %scan3A_57, %mul3A_59 : i32
      %add3A_61 = arith.constant 1 : i32
      %add3A_62 = arith.addi %mul3A_60, %add3A_61 : i32
      %dma_start3A_63 = arith.constant 0 : i32
      %dma_start3A_64 = tpu.memref_slice %arg6[%add3A_62, %dma_start3A_63] : memref<40x128xi32, #tpu.memory_space<vmem>> -> memref<1x128xi32, #tpu.memory_space<vmem>>
      %dma_start3A_65 = tpu.memref_squeeze %dma_start3A_64 : memref<1x128xi32, #tpu.memory_space<vmem>> -> memref<128xi32, #tpu.memory_space<vmem>>
      %dma_start3A_66 = arith.constant 0 : i32
      %dma_start3A_67 = arith.constant 0 : i32
      %dma_start3A_68 = tpu.memref_slice %arg2[%dma_start3A_66, %dma_start3A_67] : memref<20480x128xf32, #tpu.memory_space<hbm>> -> memref<20480x128xf32, #tpu.memory_space<hbm>>
      tpu.enqueue_indirect_dma source(%dma_start3A_68 : memref<20480x128xf32, #tpu.memory_space<hbm>>) target(%arg9 : memref<128x128xf32, #tpu.memory_space<vmem>>) offsets(%dma_start3A_65 : memref<128xi32, #tpu.memory_space<vmem>>) semaphore(%arg11 : memref<!tpu.dma_semaphore, #tpu.memory_space<semaphore_mem>>)
      %dma_wait3A = arith.constant 0 : i32
      %dma_wait3A_69 = tpu.memref_slice %arg6[%mul3A_60, %dma_wait3A] : memref<40x128xi32, #tpu.memory_space<vmem>> -> memref<1x128xi32, #tpu.memory_space<vmem>>
      %dma_wait3A_70 = tpu.memref_squeeze %dma_wait3A_69 : memref<1x128xi32, #tpu.memory_space<vmem>> -> memref<128xi32, #tpu.memory_space<vmem>>
      %dma_wait3A_71 = arith.constant 0 : i32
      %dma_wait3A_72 = arith.constant 0 : i32
      %dma_wait3A_73 = tpu.memref_slice %arg2[%dma_wait3A_71, %dma_wait3A_72] : memref<20480x128xf32, #tpu.memory_space<hbm>> -> memref<20480x128xf32, #tpu.memory_space<hbm>>
      tpu.wait_indirect_dma semaphore(%arg10 : memref<!tpu.dma_semaphore, #tpu.memory_space<semaphore_mem>>) src(%dma_wait3A_73 : memref<20480x128xf32, #tpu.memory_space<hbm>>) dst(%arg8 : memref<128x128xf32, #tpu.memory_space<vmem>>)
      "tpu.region"() ({
        %run_scoped3A = tpu.sem_alloc : memref<!tpu.dma_semaphore, #tpu.memory_space<semaphore_mem>>
        %dma_start3A_87 = arith.constant 0 : i32
        %dma_start3A_88 = tpu.memref_slice %arg7[%mul3A_60, %dma_start3A_87] : memref<40x128xi32, #tpu.memory_space<vmem>> -> memref<1x128xi32, #tpu.memory_space<vmem>>
        %dma_start3A_89 = tpu.memref_squeeze %dma_start3A_88 : memref<1x128xi32, #tpu.memory_space<vmem>> -> memref<128xi32, #tpu.memory_space<vmem>>
        %dma_start3A_90 = arith.constant 0 : i32
        %dma_start3A_91 = arith.constant 0 : i32
        %dma_start3A_92 = tpu.memref_slice %arg12[%dma_start3A_90, %dma_start3A_91] : memref<10240x128xf32, #tpu.memory_space<vmem_shared>> -> memref<10240x128xf32, #tpu.memory_space<vmem_shared>>
        tpu.enqueue_indirect_dma source(%arg8 : memref<128x128xf32, #tpu.memory_space<vmem>>) target(%dma_start3A_92 : memref<10240x128xf32, #tpu.memory_space<vmem_shared>>) offsets(%dma_start3A_89 : memref<128xi32, #tpu.memory_space<vmem>>) semaphore(%run_scoped3A : memref<!tpu.dma_semaphore, #tpu.memory_space<semaphore_mem>>) {add = true}
        %dma_wait3A_93 = arith.constant 0 : i32
        %dma_wait3A_94 = tpu.memref_slice %arg7[%mul3A_60, %dma_wait3A_93] : memref<40x128xi32, #tpu.memory_space<vmem>> -> memref<1x128xi32, #tpu.memory_space<vmem>>
        %dma_wait3A_95 = tpu.memref_squeeze %dma_wait3A_94 : memref<1x128xi32, #tpu.memory_space<vmem>> -> memref<128xi32, #tpu.memory_space<vmem>>
        %dma_wait3A_96 = arith.constant 0 : i32
        %dma_wait3A_97 = arith.constant 0 : i32
        %dma_wait3A_98 = tpu.memref_slice %arg12[%dma_wait3A_96, %dma_wait3A_97] : memref<10240x128xf32, #tpu.memory_space<vmem_shared>> -> memref<10240x128xf32, #tpu.memory_space<vmem_shared>>
        tpu.wait_indirect_dma semaphore(%run_scoped3A : memref<!tpu.dma_semaphore, #tpu.memory_space<semaphore_mem>>) src(%arg8 : memref<128x128xf32, #tpu.memory_space<vmem>>) dst(%dma_wait3A_98 : memref<10240x128xf32, #tpu.memory_space<vmem_shared>>)
        tpu.yield
      }) : () -> ()
      %lt3A = arith.constant 19 : i32
      %lt3A_74 = arith.cmpi slt, %scan3A_57, %lt3A : i32
      %convert_element_type3A = arith.extui %lt3A_74 : i1 to i32
      %cond3A = arith.constant 0 : i32
      %cond3A_75 = arith.cmpi ne, %convert_element_type3A, %cond3A : i32
      scf.if %cond3A_75 {
        %add3A_87 = arith.constant 2 : i32
        %add3A_88 = arith.addi %mul3A_60, %add3A_87 : i32
        %dma_start3A_89 = arith.constant 0 : i32
        %dma_start3A_90 = tpu.memref_slice %arg6[%add3A_88, %dma_start3A_89] : memref<40x128xi32, #tpu.memory_space<vmem>> -> memref<1x128xi32, #tpu.memory_space<vmem>>
        %dma_start3A_91 = tpu.memref_squeeze %dma_start3A_90 : memref<1x128xi32, #tpu.memory_space<vmem>> -> memref<128xi32, #tpu.memory_space<vmem>>
        %dma_start3A_92 = arith.constant 0 : i32
        %dma_start3A_93 = arith.constant 0 : i32
        %dma_start3A_94 = tpu.memref_slice %arg2[%dma_start3A_92, %dma_start3A_93] : memref<20480x128xf32, #tpu.memory_space<hbm>> -> memref<20480x128xf32, #tpu.memory_space<hbm>>
        tpu.enqueue_indirect_dma source(%dma_start3A_94 : memref<20480x128xf32, #tpu.memory_space<hbm>>) target(%arg8 : memref<128x128xf32, #tpu.memory_space<vmem>>) offsets(%dma_start3A_91 : memref<128xi32, #tpu.memory_space<vmem>>) semaphore(%arg10 : memref<!tpu.dma_semaphore, #tpu.memory_space<semaphore_mem>>)
      } else {
      }
      %add3A_76 = arith.constant 1 : i32
      %add3A_77 = arith.addi %mul3A_60, %add3A_76 : i32
      %dma_wait3A_78 = arith.constant 0 : i32
      %dma_wait3A_79 = tpu.memref_slice %arg6[%add3A_77, %dma_wait3A_78] : memref<40x128xi32, #tpu.memory_space<vmem>> -> memref<1x128xi32, #tpu.memory_space<vmem>>
      %dma_wait3A_80 = tpu.memref_squeeze %dma_wait3A_79 : memref<1x128xi32, #tpu.memory_space<vmem>> -> memref<128xi32, #tpu.memory_space<vmem>>
      %dma_wait3A_81 = arith.constant 0 : i32
      %dma_wait3A_82 = arith.constant 0 : i32
      %dma_wait3A_83 = tpu.memref_slice %arg2[%dma_wait3A_81, %dma_wait3A_82] : memref<20480x128xf32, #tpu.memory_space<hbm>> -> memref<20480x128xf32, #tpu.memory_space<hbm>>
      tpu.wait_indirect_dma semaphore(%arg11 : memref<!tpu.dma_semaphore, #tpu.memory_space<semaphore_mem>>) src(%dma_wait3A_83 : memref<20480x128xf32, #tpu.memory_space<hbm>>) dst(%arg9 : memref<128x128xf32, #tpu.memory_space<vmem>>)
      %add3A_84 = arith.constant 1 : i32
      %add3A_85 = arith.addi %mul3A_60, %add3A_84 : i32
      "tpu.region"() ({
        %run_scoped3A = tpu.sem_alloc : memref<!tpu.dma_semaphore, #tpu.memory_space<semaphore_mem>>
        %dma_start3A_87 = arith.constant 0 : i32
        %dma_start3A_88 = tpu.memref_slice %arg7[%add3A_85, %dma_start3A_87] : memref<40x128xi32, #tpu.memory_space<vmem>> -> memref<1x128xi32, #tpu.memory_space<vmem>>
        %dma_start3A_89 = tpu.memref_squeeze %dma_start3A_88 : memref<1x128xi32, #tpu.memory_space<vmem>> -> memref<128xi32, #tpu.memory_space<vmem>>
        %dma_start3A_90 = arith.constant 0 : i32
        %dma_start3A_91 = arith.constant 0 : i32
        %dma_start3A_92 = tpu.memref_slice %arg12[%dma_start3A_90, %dma_start3A_91] : memref<10240x128xf32, #tpu.memory_space<vmem_shared>> -> memref<10240x128xf32, #tpu.memory_space<vmem_shared>>
        tpu.enqueue_indirect_dma source(%arg9 : memref<128x128xf32, #tpu.memory_space<vmem>>) target(%dma_start3A_92 : memref<10240x128xf32, #tpu.memory_space<vmem_shared>>) offsets(%dma_start3A_89 : memref<128xi32, #tpu.memory_space<vmem>>) semaphore(%run_scoped3A : memref<!tpu.dma_semaphore, #tpu.memory_space<semaphore_mem>>) {add = true}
        %dma_wait3A_93 = arith.constant 0 : i32
        %dma_wait3A_94 = tpu.memref_slice %arg7[%add3A_85, %dma_wait3A_93] : memref<40x128xi32, #tpu.memory_space<vmem>> -> memref<1x128xi32, #tpu.memory_space<vmem>>
        %dma_wait3A_95 = tpu.memref_squeeze %dma_wait3A_94 : memref<1x128xi32, #tpu.memory_space<vmem>> -> memref<128xi32, #tpu.memory_space<vmem>>
        %dma_wait3A_96 = arith.constant 0 : i32
        %dma_wait3A_97 = arith.constant 0 : i32
        %dma_wait3A_98 = tpu.memref_slice %arg12[%dma_wait3A_96, %dma_wait3A_97] : memref<10240x128xf32, #tpu.memory_space<vmem_shared>> -> memref<10240x128xf32, #tpu.memory_space<vmem_shared>>
        tpu.wait_indirect_dma semaphore(%run_scoped3A : memref<!tpu.dma_semaphore, #tpu.memory_space<semaphore_mem>>) src(%arg9 : memref<128x128xf32, #tpu.memory_space<vmem>>) dst(%dma_wait3A_98 : memref<10240x128xf32, #tpu.memory_space<vmem_shared>>)
        tpu.yield
      }) : () -> ()
      %scan3A_86 = arith.constant 0 : i32
      scf.yield %scan3A_86 : i32
    }
    %scan3A_52 = arith.constant 20 : i32
    %barrier3A_53 = arith.constant 0 : index
    tpu.barrier barrier_id(%barrier3A_53)
    %mul3A_54 = arith.constant 640 : i32
    %mul3A_55 = arith.muli %arg1, %mul3A_54 : i32
    %add3A_56 = arith.addi %mul3A_2, %mul3A_55 : i32
    "tpu.region"() ({
      %run_scoped3A = tpu.sem_alloc : memref<!tpu.dma_semaphore, #tpu.memory_space<semaphore_mem>>
      %dma_start3A_57 = arith.constant 0 : i32
      %dma_start3A_58 = tpu.memref_slice %arg5[%add3A_56, %dma_start3A_57] : memref<20480x128xf32, #tpu.memory_space<hbm>> -> memref<640x128xf32, #tpu.memory_space<hbm>>
      %dma_start3A_59 = arith.constant 0 : i32
      %dma_start3A_60 = tpu.memref_slice %arg12[%mul3A_0, %dma_start3A_59] : memref<10240x128xf32, #tpu.memory_space<vmem_shared>> -> memref<640x128xf32, #tpu.memory_space<vmem_shared>>
      tpu.enqueue_dma source(%dma_start3A_60 : memref<640x128xf32, #tpu.memory_space<vmem_shared>>) target(%dma_start3A_58 : memref<640x128xf32, #tpu.memory_space<hbm>>) target_semaphore(%run_scoped3A : memref<!tpu.dma_semaphore, #tpu.memory_space<semaphore_mem>>)
      %dma_wait3A = arith.constant 0 : i32
      %dma_wait3A_61 = tpu.memref_slice %arg5[%add3A_56, %dma_wait3A] : memref<20480x128xf32, #tpu.memory_space<hbm>> -> memref<640x128xf32, #tpu.memory_space<hbm>>
      %dma_wait3A_62 = arith.constant 0 : i32
      %dma_wait3A_63 = tpu.memref_slice %arg12[%mul3A_0, %dma_wait3A_62] : memref<10240x128xf32, #tpu.memory_space<vmem_shared>> -> memref<640x128xf32, #tpu.memory_space<vmem_shared>>
      tpu.wait_dma2 semaphore(%run_scoped3A : memref<!tpu.dma_semaphore, #tpu.memory_space<semaphore_mem>>) src(%dma_wait3A_63 : memref<640x128xf32, #tpu.memory_space<vmem_shared>>) dst(%dma_wait3A_61 : memref<640x128xf32, #tpu.memory_space<hbm>>)
      tpu.yield
    }) : () -> ()
    return
  }
}

module attributes {stable_mosaic.version = 14 : i64} {
  func.func @_k1_body(%arg0: i32, %arg1: memref<1024x256xf32, #tpu.memory_space<vmem>>, %arg2: memref<256x256xf32, #tpu.memory_space<vmem>>, %arg3: memref<1024x2xf32, #tpu.memory_space<vmem>>, %arg4: memref<2x1024x128xf32, #tpu.memory_space<vmem>>, %arg5: memref<1024x1xf32, #tpu.memory_space<vmem>>) attributes {dimension_semantics = [#tpu.dimension_semantics<arbitrary>], iteration_bounds = array<i64: 10>, scalar_prefetch = 0 : i64, scratch_operands = 0 : i64, tpu.core_type = #tpu.core_type<tc>, window_params = [{transform_indices = @transform_0, window_bounds = array<i64: 1024, 256>}, {pipeline_mode = #tpu.pipeline_mode<synchronous>, transform_indices = @transform_1, window_bounds = array<i64: 256, 256>}, {transform_indices = @transform_2, window_bounds = array<i64: 1024, 2>}, {transform_indices = @transform_3, window_bounds = array<i64: 2, 1024, 128>}, {transform_indices = @transform_4, window_bounds = array<i64: 1024, 1>}]} {
    %get3A = arith.constant 0 : index
    %get3A_0 = arith.constant 0 : index
    %get3A_1 = vector.load %arg3[%get3A, %get3A_0] : memref<1024x2xf32, #tpu.memory_space<vmem>>, vector<1024x2xf32>
    %slice3A = vector.extract_strided_slice %get3A_1 {offsets = [0, 0], sizes = [1024, 1], strides = [1, 1]} : vector<1024x2xf32> to vector<1024x1xf32>
    %slice3A_2 = vector.extract_strided_slice %get3A_1 {offsets = [0, 1], sizes = [1024, 1], strides = [1, 1]} : vector<1024x2xf32> to vector<1024x1xf32>
    %add3A = arith.addf %slice3A, %slice3A_2 : vector<1024x1xf32>
    %add3A_3 = arith.constant 1.000000e+00 : f32
    %add3A_4 = vector.broadcast %add3A_3 : f32 to vector<1024x1xf32>
    %add3A_5 = arith.addf %add3A, %add3A_4 : vector<1024x1xf32>
    %rsqrt3A = math.rsqrt %add3A_5 : vector<1024x1xf32>
    %get3A_6 = arith.constant 0 : index
    %get3A_7 = arith.constant 0 : index
    %get3A_8 = vector.load %arg1[%get3A_6, %get3A_7] : memref<1024x256xf32, #tpu.memory_space<vmem>>, vector<1024x256xf32>
    %get3A_9 = arith.constant 0 : index
    %get3A_10 = arith.constant 0 : index
    %get3A_11 = vector.load %arg2[%get3A_9, %get3A_10] : memref<256x256xf32, #tpu.memory_space<vmem>>, vector<256x256xf32>
    %dot_general3A = arith.constant dense<0.000000e+00> : vector<1024x256xf32>
    %dot_general3A_12 = tpu.matmul %get3A_8, %get3A_11, %dot_general3A {dimension_numbers = #tpu.dot_dimension_numbers<[1], [0], [0], [1], [0, 0, 1, 1], [], []>, transpose_lhs_hint = false} : vector<1024x256xf32>, vector<256x256xf32>, vector<1024x256xf32> -> vector<1024x256xf32>
    %mul3A = vector.broadcast %rsqrt3A : vector<1024x1xf32> to vector<1024x256xf32>
    %mul3A_13 = arith.mulf %dot_general3A_12, %mul3A : vector<1024x256xf32>
    %slice3A_14 = vector.extract_strided_slice %mul3A_13 {offsets = [0, 0], sizes = [1024, 128], strides = [1, 1]} : vector<1024x256xf32> to vector<1024x128xf32>
    %swap3A = arith.constant 0 : index
    %swap3A_15 = arith.constant 0 : index
    %swap3A_16 = arith.constant 0 : index
    %swap3A_17 = vector.load %arg4[%swap3A, %swap3A_15, %swap3A_16] : memref<2x1024x128xf32, #tpu.memory_space<vmem>>, vector<1x1024x128xf32>
    %swap3A_18 = vector.shape_cast %swap3A_17 : vector<1x1024x128xf32> to vector<1024x128xf32>
    %swap3A_19 = vector.shape_cast %slice3A_14 : vector<1024x128xf32> to vector<1x1024x128xf32>
    tpu.vector_store %arg4[%swap3A, %swap3A_15, %swap3A_16], %swap3A_19 {strides = array<i32>} : memref<2x1024x128xf32, #tpu.memory_space<vmem>>, vector<1x1024x128xf32>,
    %slice3A_20 = vector.extract_strided_slice %mul3A_13 {offsets = [0, 128], sizes = [1024, 128], strides = [1, 1]} : vector<1024x256xf32> to vector<1024x128xf32>
    %swap3A_21 = arith.constant 1 : index
    %swap3A_22 = arith.constant 0 : index
    %swap3A_23 = arith.constant 0 : index
    %swap3A_24 = vector.load %arg4[%swap3A_21, %swap3A_22, %swap3A_23] : memref<2x1024x128xf32, #tpu.memory_space<vmem>>, vector<1x1024x128xf32>
    %swap3A_25 = vector.shape_cast %swap3A_24 : vector<1x1024x128xf32> to vector<1024x128xf32>
    %swap3A_26 = vector.shape_cast %slice3A_20 : vector<1024x128xf32> to vector<1x1024x128xf32>
    tpu.vector_store %arg4[%swap3A_21, %swap3A_22, %swap3A_23], %swap3A_26 {strides = array<i32>} : memref<2x1024x128xf32, #tpu.memory_space<vmem>>, vector<1x1024x128xf32>,
    %swap3A_27 = arith.constant 0 : index
    %swap3A_28 = arith.constant 0 : index
    %swap3A_29 = vector.load %arg5[%swap3A_27, %swap3A_28] : memref<1024x1xf32, #tpu.memory_space<vmem>>, vector<1024x1xf32>
    tpu.vector_store %arg5[%swap3A_27, %swap3A_28], %rsqrt3A {strides = array<i32>} : memref<1024x1xf32, #tpu.memory_space<vmem>>, vector<1024x1xf32>,
    return
  }
  func.func @transform_0(%arg0: i32) -> (i32, i32) {
    %c0_i32 = arith.constant 0 : i32
    %c0_i32_0 = arith.constant 0 : i32
    return %arg0, %c0_i32 : i32, i32
  }
  func.func @transform_1(%arg0: i32) -> (i32, i32) {
    %c0_i32 = arith.constant 0 : i32
    %c0_i32_0 = arith.constant 0 : i32
    %c0_i32_1 = arith.constant 0 : i32
    return %c0_i32, %c0_i32_0 : i32, i32
  }
  func.func @transform_2(%arg0: i32) -> (i32, i32) {
    %c0_i32 = arith.constant 0 : i32
    %c0_i32_0 = arith.constant 0 : i32
    return %arg0, %c0_i32 : i32, i32
  }
  func.func @transform_3(%arg0: i32) -> (i32, i32, i32) {
    %c0_i32 = arith.constant 0 : i32
    %c0_i32_0 = arith.constant 0 : i32
    %c0_i32_1 = arith.constant 0 : i32
    return %c0_i32, %arg0, %c0_i32_0 : i32, i32, i32
  }
  func.func @transform_4(%arg0: i32) -> (i32, i32) {
    %c0_i32 = arith.constant 0 : i32
    %c0_i32_0 = arith.constant 0 : i32
    return %arg0, %c0_i32 : i32, i32
  }
}

module attributes {stable_mosaic.version = 14 : i64} {
  func.func @_mid_body(%arg0: i32, %arg1: memref<2x1024x128xf32, #tpu.memory_space<vmem>>, %arg2: memref<1024x1xf32, #tpu.memory_space<vmem>>, %arg3: memref<1x256xf32, #tpu.memory_space<vmem>>, %arg4: memref<256x256xf32, #tpu.memory_space<vmem>>, %arg5: memref<2x1024x128xf32, #tpu.memory_space<vmem>>) attributes {dimension_semantics = [#tpu.dimension_semantics<arbitrary>], iteration_bounds = array<i64: 10>, scalar_prefetch = 0 : i64, scratch_operands = 0 : i64, tpu.core_type = #tpu.core_type<tc>, window_params = [{transform_indices = @transform_0, window_bounds = array<i64: 2, 1024, 128>}, {transform_indices = @transform_1, window_bounds = array<i64: 1024, 1>}, {pipeline_mode = #tpu.pipeline_mode<synchronous>, transform_indices = @transform_2, window_bounds = array<i64: 1, 256>}, {pipeline_mode = #tpu.pipeline_mode<synchronous>, transform_indices = @transform_3, window_bounds = array<i64: 256, 256>}, {transform_indices = @transform_4, window_bounds = array<i64: 2, 1024, 128>}]} {
    %get3A = arith.constant 0 : index
    %get3A_0 = arith.constant 0 : index
    %get3A_1 = vector.load %arg2[%get3A, %get3A_0] : memref<1024x1xf32, #tpu.memory_space<vmem>>, vector<1024x1xf32>
    %get3A_2 = arith.constant 0 : index
    %get3A_3 = arith.constant 0 : index
    %get3A_4 = arith.constant 0 : index
    %get3A_5 = vector.load %arg1[%get3A_2, %get3A_3, %get3A_4] : memref<2x1024x128xf32, #tpu.memory_space<vmem>>, vector<1x1024x128xf32>
    %get3A_6 = vector.shape_cast %get3A_5 : vector<1x1024x128xf32> to vector<1024x128xf32>
    %get3A_7 = arith.constant 1 : index
    %get3A_8 = arith.constant 0 : index
    %get3A_9 = arith.constant 0 : index
    %get3A_10 = vector.load %arg1[%get3A_7, %get3A_8, %get3A_9] : memref<2x1024x128xf32, #tpu.memory_space<vmem>>, vector<1x1024x128xf32>
    %get3A_11 = vector.shape_cast %get3A_10 : vector<1x1024x128xf32> to vector<1024x128xf32>
    %concatenate3A = tpu.concatenate %get3A_6, %get3A_11 in 1 : vector<1024x128xf32>, vector<1024x128xf32> -> vector<1024x256xf32>
    %mul3A = vector.broadcast %get3A_1 : vector<1024x1xf32> to vector<1024x256xf32>
    %mul3A_12 = arith.mulf %concatenate3A, %mul3A : vector<1024x256xf32>
    %get3A_13 = arith.constant 0 : index
    %get3A_14 = arith.constant 0 : index
    %get3A_15 = vector.load %arg3[%get3A_13, %get3A_14] : memref<1x256xf32, #tpu.memory_space<vmem>>, vector<1x256xf32>
    %add3A = vector.broadcast %get3A_15 : vector<1x256xf32> to vector<1024x256xf32>
    %add3A_16 = arith.addf %mul3A_12, %add3A : vector<1024x256xf32>
    %max3A = arith.constant 0.000000e+00 : f32
    %max3A_17 = vector.broadcast %max3A : f32 to vector<1024x256xf32>
    %max3A_18 = arith.maximumf %add3A_16, %max3A_17 : vector<1024x256xf32>
    %get3A_19 = arith.constant 0 : index
    %get3A_20 = arith.constant 0 : index
    %get3A_21 = vector.load %arg4[%get3A_19, %get3A_20] : memref<256x256xf32, #tpu.memory_space<vmem>>, vector<256x256xf32>
    %dot_general3A = arith.constant dense<0.000000e+00> : vector<1024x256xf32>
    %dot_general3A_22 = tpu.matmul %max3A_18, %get3A_21, %dot_general3A {dimension_numbers = #tpu.dot_dimension_numbers<[1], [0], [0], [1], [0, 0, 1, 1], [], []>, transpose_lhs_hint = false} : vector<1024x256xf32>, vector<256x256xf32>, vector<1024x256xf32> -> vector<1024x256xf32>
    %mul3A_23 = vector.broadcast %get3A_1 : vector<1024x1xf32> to vector<1024x256xf32>
    %mul3A_24 = arith.mulf %dot_general3A_22, %mul3A_23 : vector<1024x256xf32>
    %slice3A = vector.extract_strided_slice %mul3A_24 {offsets = [0, 0], sizes = [1024, 128], strides = [1, 1]} : vector<1024x256xf32> to vector<1024x128xf32>
    %swap3A = arith.constant 0 : index
    %swap3A_25 = arith.constant 0 : index
    %swap3A_26 = arith.constant 0 : index
    %swap3A_27 = vector.load %arg5[%swap3A, %swap3A_25, %swap3A_26] : memref<2x1024x128xf32, #tpu.memory_space<vmem>>, vector<1x1024x128xf32>
    %swap3A_28 = vector.shape_cast %swap3A_27 : vector<1x1024x128xf32> to vector<1024x128xf32>
    %swap3A_29 = vector.shape_cast %slice3A : vector<1024x128xf32> to vector<1x1024x128xf32>
    tpu.vector_store %arg5[%swap3A, %swap3A_25, %swap3A_26], %swap3A_29 {strides = array<i32>} : memref<2x1024x128xf32, #tpu.memory_space<vmem>>, vector<1x1024x128xf32>,
    %slice3A_30 = vector.extract_strided_slice %mul3A_24 {offsets = [0, 128], sizes = [1024, 128], strides = [1, 1]} : vector<1024x256xf32> to vector<1024x128xf32>
    %swap3A_31 = arith.constant 1 : index
    %swap3A_32 = arith.constant 0 : index
    %swap3A_33 = arith.constant 0 : index
    %swap3A_34 = vector.load %arg5[%swap3A_31, %swap3A_32, %swap3A_33] : memref<2x1024x128xf32, #tpu.memory_space<vmem>>, vector<1x1024x128xf32>
    %swap3A_35 = vector.shape_cast %swap3A_34 : vector<1x1024x128xf32> to vector<1024x128xf32>
    %swap3A_36 = vector.shape_cast %slice3A_30 : vector<1024x128xf32> to vector<1x1024x128xf32>
    tpu.vector_store %arg5[%swap3A_31, %swap3A_32, %swap3A_33], %swap3A_36 {strides = array<i32>} : memref<2x1024x128xf32, #tpu.memory_space<vmem>>, vector<1x1024x128xf32>,
    return
  }
  func.func @transform_0(%arg0: i32) -> (i32, i32, i32) {
    %c0_i32 = arith.constant 0 : i32
    %c0_i32_0 = arith.constant 0 : i32
    %c0_i32_1 = arith.constant 0 : i32
    return %c0_i32, %arg0, %c0_i32_0 : i32, i32, i32
  }
  func.func @transform_1(%arg0: i32) -> (i32, i32) {
    %c0_i32 = arith.constant 0 : i32
    %c0_i32_0 = arith.constant 0 : i32
    return %arg0, %c0_i32 : i32, i32
  }
  func.func @transform_2(%arg0: i32) -> (i32, i32) {
    %c0_i32 = arith.constant 0 : i32
    %c0_i32_0 = arith.constant 0 : i32
    %c0_i32_1 = arith.constant 0 : i32
    return %c0_i32, %c0_i32_0 : i32, i32
  }
  func.func @transform_3(%arg0: i32) -> (i32, i32) {
    %c0_i32 = arith.constant 0 : i32
    %c0_i32_0 = arith.constant 0 : i32
    %c0_i32_1 = arith.constant 0 : i32
    return %c0_i32, %c0_i32_0 : i32, i32
  }
  func.func @transform_4(%arg0: i32) -> (i32, i32, i32) {
    %c0_i32 = arith.constant 0 : i32
    %c0_i32_0 = arith.constant 0 : i32
    %c0_i32_1 = arith.constant 0 : i32
    return %c0_i32, %arg0, %c0_i32_0 : i32, i32, i32
  }
}

module attributes {stable_mosaic.version = 14 : i64} {
  func.func @_out_body(%arg0: i32, %arg1: memref<2x1024x128xf32, #tpu.memory_space<vmem>>, %arg2: memref<1024x1xf32, #tpu.memory_space<vmem>>, %arg3: memref<1x256xf32, #tpu.memory_space<vmem>>, %arg4: memref<1024x256xf32, #tpu.memory_space<vmem>>) attributes {dimension_semantics = [#tpu.dimension_semantics<arbitrary>], iteration_bounds = array<i64: 10>, scalar_prefetch = 0 : i64, scratch_operands = 0 : i64, tpu.core_type = #tpu.core_type<tc>, window_params = [{transform_indices = @transform_0, window_bounds = array<i64: 2, 1024, 128>}, {transform_indices = @transform_1, window_bounds = array<i64: 1024, 1>}, {pipeline_mode = #tpu.pipeline_mode<synchronous>, transform_indices = @transform_2, window_bounds = array<i64: 1, 256>}, {transform_indices = @transform_3, window_bounds = array<i64: 1024, 256>}]} {
    %get3A = arith.constant 0 : index
    %get3A_0 = arith.constant 0 : index
    %get3A_1 = arith.constant 0 : index
    %get3A_2 = vector.load %arg1[%get3A, %get3A_0, %get3A_1] : memref<2x1024x128xf32, #tpu.memory_space<vmem>>, vector<1x1024x128xf32>
    %get3A_3 = vector.shape_cast %get3A_2 : vector<1x1024x128xf32> to vector<1024x128xf32>
    %get3A_4 = arith.constant 1 : index
    %get3A_5 = arith.constant 0 : index
    %get3A_6 = arith.constant 0 : index
    %get3A_7 = vector.load %arg1[%get3A_4, %get3A_5, %get3A_6] : memref<2x1024x128xf32, #tpu.memory_space<vmem>>, vector<1x1024x128xf32>
    %get3A_8 = vector.shape_cast %get3A_7 : vector<1x1024x128xf32> to vector<1024x128xf32>
    %concatenate3A = tpu.concatenate %get3A_3, %get3A_8 in 1 : vector<1024x128xf32>, vector<1024x128xf32> -> vector<1024x256xf32>
    %get3A_9 = arith.constant 0 : index
    %get3A_10 = arith.constant 0 : index
    %get3A_11 = vector.load %arg2[%get3A_9, %get3A_10] : memref<1024x1xf32, #tpu.memory_space<vmem>>, vector<1024x1xf32>
    %mul3A = vector.broadcast %get3A_11 : vector<1024x1xf32> to vector<1024x256xf32>
    %mul3A_12 = arith.mulf %concatenate3A, %mul3A : vector<1024x256xf32>
    %get3A_13 = arith.constant 0 : index
    %get3A_14 = arith.constant 0 : index
    %get3A_15 = vector.load %arg3[%get3A_13, %get3A_14] : memref<1x256xf32, #tpu.memory_space<vmem>>, vector<1x256xf32>
    %add3A = vector.broadcast %get3A_15 : vector<1x256xf32> to vector<1024x256xf32>
    %add3A_16 = arith.addf %mul3A_12, %add3A : vector<1024x256xf32>
    %swap3A = arith.constant 0 : index
    %swap3A_17 = arith.constant 0 : index
    %swap3A_18 = vector.load %arg4[%swap3A, %swap3A_17] : memref<1024x256xf32, #tpu.memory_space<vmem>>, vector<1024x256xf32>
    tpu.vector_store %arg4[%swap3A, %swap3A_17], %add3A_16 {strides = array<i32>} : memref<1024x256xf32, #tpu.memory_space<vmem>>, vector<1024x256xf32>,
    return
  }
  func.func @transform_0(%arg0: i32) -> (i32, i32, i32) {
    %c0_i32 = arith.constant 0 : i32
    %c0_i32_0 = arith.constant 0 : i32
    %c0_i32_1 = arith.constant 0 : i32
    return %c0_i32, %arg0, %c0_i32_0 : i32, i32, i32
  }
  func.func @transform_1(%arg0: i32) -> (i32, i32) {
    %c0_i32 = arith.constant 0 : i32
    %c0_i32_0 = arith.constant 0 : i32
    return %arg0, %c0_i32 : i32, i32
  }
  func.func @transform_2(%arg0: i32) -> (i32, i32) {
    %c0_i32 = arith.constant 0 : i32
    %c0_i32_0 = arith.constant 0 : i32
    %c0_i32_1 = arith.constant 0 : i32
    return %c0_i32, %c0_i32_0 : i32, i32
  }
  func.func @transform_3(%arg0: i32) -> (i32, i32) {
    %c0_i32 = arith.constant 0 : i32
    %c0_i32_0 = arith.constant 0 : i32
    return %arg0, %c0_i32 : i32, i32
  }
}

</mosaic_0001>

<sc_bundles>
// kernel: kernel.10.cloned.1.call-start
scs
__scs_entry_jumppad:
0x0: {  	(pc) =	sbr.rel $0x88, $3  }
0x1: {  	(tag) =	ssettag $0x0;
	lr =	simm.s32 $0x1  }
0x2: {  	[smem:$0x3F99] =	sst lr;
	_ =	strace $0xD0000000  }
0x3: {  	_ = 	snop  }
0x4: {  	_ = 	snop  }
0x5: {  	_ = 	snop  }
0x6: {  	_ = 	snop  }
0x7: {  	_ = 	snop  }
__scs_overlays_trampoline_lowered:
0x8: {  	[smem:$0x3FA8] =	sst s0  }
0x9: {  	[smem:$0x3FA9] =	sst s1  }
0xa: {  	[smem:$0x3FAA] =	sst s2  }
0xb: {  	[smem:$0x3FAB] =	sst s3  }
0xc: {  	[smem:$0x3FAC] =	sst s4  }
0xd: {  	[smem:$0x3FAD] =	sst s5  }
0xe: {  	[smem:$0x3FAE] =	sst s6  }
0xf: {  	[smem:$0x3FAF] =	sst s7  }
0x10: {  	[smem:$0x3FB0] =	sst s8  }
0x11: {  	[smem:$0x3FB1] =	sst s9;
	s0 =	simm.s32 @!p0 $0x0  }
0x12: {  	s1 =	sld [smem:$0x3F97];
	s0 =	simm.s32 @p0 $0x1  }
0x13: {  	[smem:$0x3FB2] =	sst s0;
	s0 =	simm.s32 @!p1 $0x0  }
0x14: {  	s2 =	sld [smem:$0x3F96];
	s0 =	simm.s32 @p1 $0x1  }
0x15: {  	[smem:$0x3FB3] =	sst s0;
	s0 =	simm.s32 @!p2 $0x0  }
0x16: {  	s3 =	sld [smem:$0x3FDB];
	s0 =	simm.s32 @p2 $0x1  }
0x17: {  	s4 =	simm.s32 $0x1BF5;
	[smem:$0x3FB5] =	sst s0  }
0x18: {  	s0 =	sld [smem:$0x3F98];
	_ =	swait.ge [sflag:s4], $0x0  }
0x19: {  	s7 =	sld [smem:$0x3F99]  }
0x1a: {  	s8 =	sadd.s32 $0xFFFFE003, lr  }
0x1b: {  	s9 =	sadd.s32 $0xFFFFFEF7, lr;
	s5 =	simm.s32 $0xFFFFFFFF;
	p2 =	slt.u32 s8, $0xFFFFF086  }
0x1c: {  	p1 =	slt.u32 s9, $0xF7A;
	s5 =	simm.s32 @!p2 $0x0  }
0x1d: {  	s5 =	simm.s32 @p1 $0x1;
	p0 =	seq.s32 s7, s2  }
0x1e: {  	s7 =	smul.u32 @!p0 $0xF7A, s2;
	p2 =	seq.s32 @!p0 s5, $0x0  }
0x1f: {  	s9 =	smul.u32 $0xF7A, s1;
	s8 =	simm.s32 @!p0 $0x1BF5;
	p2 =	por !p2, p0  }
0x20: {  	[sflag:s8] =	ssyncset.s32 @!p0 $0xFFFFF086;
	s6 =	sadd.s32 @!p0 s3, s7;
	s7 =	simm.s32 @!p0 $0x108  }
0x21: {  	s3 =	sadd.s32 s3, s9;
	s6 =	sadd.s32 @!p0 $0x88, s6;
	s7 =	simm.s32 @p2 $0x1082  }
0x22: {  	[simem:s7], [sflag:s8] =	dma.local @!p0 [hbm:s6], $0xF7A  }
0x23: {  	s9 =	sor.u32 $0xD0000000, s2;
	s6 =	simm.s32 $0x108;
	_ =	swait.ge @!p0 [sflag:s8], $0x0  }
0x24: {  	s3 =	sadd.s32 $0x88, s3;
	s6 =	simm.s32 @!p1 $0x1082;
	[sflag:s4] =	ssyncset.s32 $0xFFFFF086  }
0x25: {  	[simem:s6], [sflag:s4] =	dma.local [hbm:s3], $0xF7A  }
0x26: {  	[smem:$0x3F99] =	sst s1;
	(tag) =	ssettag s2;
	_ =	strace s9  }
0x27: {  	s1 =	sld [smem:$0x3FA9]  }
0x28: {  	s2 =	sld [smem:$0x3FAA]  }
0x29: {  	s4 =	sld [smem:$0x3FAC]  }
0x2a: {  	p0 =	seq.s32 s5, $0x0;
	s5 =	sld [smem:$0x3FAD]  }
0x2b: {  	s6 =	sld [smem:$0x3FAE]  }
0x2c: {  	s7 =	sld [smem:$0x3FAF]  }
0x2d: {  	s3 =	simm.s32 $0x108;
	s8 =	sld [smem:$0x3FB0]  }
0x2e: {  	s3 =	simm.s32 @!p0 $0x1082;
	s9 =	sld [smem:$0x3FB1]  }
0x2f: {  	lr =	sadd.s32 s0, s3;
	s0 =	sld [smem:$0x3FA8]  }
0x30: {  	s3 =	sld [smem:$0x3FAB]  }
0x31: {  	[smem:$0x3FB4] =	sst s10  }
0x32: {  	s10 =	sld [smem:$0x3FB2];
	_ =	sdelay $0x3  }
0x33: {  	p0 =	seq.s32 s10, $0x1;
	s10 =	sld [smem:$0x3FB4];
	_ =	sdelay $0x3  }
0x34: {  	[smem:$0x3FB4] =	sst s10  }
0x35: {  	s10 =	sld [smem:$0x3FB3];
	_ =	sdelay $0x3  }
0x36: {  	p1 =	seq.s32 s10, $0x1;
	s10 =	sld [smem:$0x3FB4];
	_ =	sdelay $0x3  }
0x37: {  	[smem:$0x3FB4] =	sst s10  }
0x38: {  	s10 =	sld [smem:$0x3FB5]  }
0x39: {  	_ = 	snop;
	(pc) =	sbr.ind lr, $3  }
0x3a: {  	_ = 	snop  }
0x3b: {  	_ = 	snop  }
0x3c: {  	p2 =	seq.s32 s10, $0x1;
	s10 =	sld [smem:$0x3FB4]  }
0x3d: {  	_ =	shalt  }
0x3e: {  	_ =	shalt  }
0x3f: {  	_ =	shalt  }
0x40: {  	_ =	shalt  }
0x41: {  	_ =	shalt  }
0x42: {  	_ =	shalt  }
0x43: {  	_ =	shalt  }
0x44: {  	_ =	shalt  }
0x45: {  	_ =	shalt  }
0x46: {  	_ =	shalt  }
0x47: {  	_ =	shalt  }
0x48: {  	_ =	shalt  }
0x49: {  	_ =	shalt  }
0x4a: {  	_ =	shalt  }
0x4b: {  	_ =	shalt  }
0x4c: {  	_ =	shalt  }
0x4d: {  	_ =	shalt  }
0x4e: {  	_ =	shalt  }
0x4f: {  	_ =	shalt  }
0x50: {  	_ =	shalt  }
0x51: {  	_ =	shalt  }
0x52: {  	_ =	shalt  }
0x53: {  	_ =	shalt  }
0x54: {  	_ =	shalt  }
0x55: {  	_ =	shalt  }
0x56: {  	_ =	shalt  }
0x57: {  	_ =	shalt  }
0x58: {  	_ =	shalt  }
0x59: {  	_ =	shalt  }
0x5a: {  	_ =	shalt  }
0x5b: {  	_ =	shalt  }
0x5c: {  	_ =	shalt  }
0x5d: {  	_ =	shalt  }
0x5e: {  	_ =	shalt  }
0x5f: {  	_ =	shalt  }
0x60: {  	_ =	shalt  }
0x61: {  	_ =	shalt  }
0x62: {  	_ =	shalt  }
0x63: {  	_ =	shalt  }
0x64: {  	_ =	shalt  }
0x65: {  	_ =	shalt  }
0x66: {  	_ =	shalt  }
0x67: {  	_ =	shalt  }
0x68: {  	_ =	shalt  }
0x69: {  	_ =	shalt  }
0x6a: {  	_ =	shalt  }
0x6b: {  	_ =	shalt  }
0x6c: {  	_ =	shalt  }
0x6d: {  	_ =	shalt  }
0x6e: {  	_ =	shalt  }
0x6f: {  	_ =	shalt  }
0x70: {  	_ =	shalt  }
0x71: {  	_ =	shalt  }
0x72: {  	_ =	shalt  }
0x73: {  	_ =	shalt  }
0x74: {  	_ =	shalt  }
0x75: {  	_ =	shalt  }
0x76: {  	_ =	shalt  }
0x77: {  	_ =	shalt  }
0x78: {  	_ =	shalt  }
0x79: {  	_ =	shalt  }
0x7a: {  	_ =	shalt  }
0x7b: {  	_ =	shalt  }
0x7c: {  	_ =	shalt  }
0x7d: {  	_ =	shalt  }
0x7e: {  	_ =	shalt  }
0x7f: {  	_ =	shalt  }
0x80: {  	_ =	shalt  }
0x81: {  	_ =	shalt  }
0x82: {  	_ =	shalt  }
0x83: {  	_ =	shalt  }
0x84: {  	_ =	shalt  }
0x85: {  	_ =	shalt  }
0x86: {  	_ =	shalt  }
0x87: {  	_ =	shalt  }
.Lfunc_end0:
.L_simem_size_0:
called_computation_lowered:
.L_overlay_start_0:
0x88: {  	s2 =	sld [smem:$0x3FD9]  }
0x89: {  	s3 =	sld [smem:$0x3FFE];
	_ =	sdelay $0x1  }
0x8a: {  	s1 =	srdreg.scid  }
0x8b: {  	s0 =	sand.u32 $0x1, s1  }
0x8c: {  	s16 =	sshll.u32 s0, $0xA;
	s2 =	sadd.s32 s3, s2  }
0x8d: {  	s2 =	sadd.s32 s2, s16  }
0x8e: {  	[smem:$0x3FC0] =	sst s2  }
0x8f: {  	_ = 	snop  }
0x90: {  	(tm) =	ssettm $0x1  }
0x91: {  	s17 =	sld [smem:$0x3FFB];
	_ =	sdelay $0x3  }
0x92: {  	_ =	strace s17  }
0x93: {  	s2 =	sld [smem:$0x3FFC];
	_ =	sdelay $0x3  }
0x94: {  	_ =	strace s2  }
0x95: {  	s2 =	sld [smem:$0x3FFD];
	_ =	sdelay $0x3  }
0x96: {  	_ =	strace s2  }
0x97: {  	_ =	strace $0x8FFFFFFF  }
0x98: {  	s18 =	sld [smem:$0x3FDB];
	_ =	sdelay $0x1  }
0x99: {  	s19 =	simm.s32 $_scs_section_size  }
0x9a: {  	s4 =	simm.s32 $_size__tile_overlayer_lowered;
	s5 =	simm.s32 $_tile_overlayer_lowered  }
0x9b: {  	s22 =	simm.s32 $0x1BFF;
	s21 =	sshll.u32 s5, $0x1;
	s2 =	sadd.s32 s19, s18  }
0x9c: {  	s6 =	simm.s32 $0x0;
	s20 =	sshll.u32 s4, $0x1;
	s4 =	sadd.s32 s21, s2  }
0x9d: {  	[timem:s6], [sflag:s22] =	dma.local [hbm:s4], s20  }
0x9e: {  	_ =	swait.ge [sflag:s22], s20  }
0x9f: {  	s3 =	ssub.s32 $0x0, s20;
	[sflag:s22] =	ssyncset.done $0x0  }
0xa0: {  	[sflag:s22] =	ssyncadd.s32 s3;
	_ =	sdelay $0x1  }
0xa1: {  	s23 =	simm.s32 $0x1B8B  }
0xa2: {  	_ =	swait.ge [sflag:s23], $0x1  }
0xa3: {  	[sflag:s23] =	ssyncset.done $0x0  }
0xa4: {  	s25 =	simm.s32 $0x1B8E;
	s24 =	sld [smem:$0x3FFE];
	[sflag:s23] =	ssyncadd.s32 $0xFFFFFFFF  }
0xa5: {  	s26 =	simm.s32 $execute0_lowered;
	[smem:$0x3FD2] =	sst s25  }
0xa6: {  	s4 =	sshll.u32 s26, $0x1;
	_ =	strace $0x80000046;
	[dreg:$0x1] =	wrdreg $0xFFFFFFFF  }
0xa7: {  	s28 =	simm.s32 $_size_execute0_lowered;
	s2 =	sadd.s32 s2, s4;
	[dreg:$0x0] =	wrdreg $0x0  }
0xa8: {  	s4 =	sshll.u32 s28, $0x1;
	[dreg:$0x2] =	wrdreg s2  }
0xa9: {  	[dreg:$0x3] =	wrdreg s4  }
0xaa: {  	[dreg:$0x4] =	wrdreg $0xC0  }
0xab: {  	_ =	task [dreg:s6], $0x5FFFF  }
0xac: {  	[dreg:$0x1] =	wrdreg $0xFFFFFFFF  }
0xad: {  	[dreg:$0x0] =	wrdreg $0x60  }
0xae: {  	[dreg:$0x2] =	wrdreg s24  }
0xaf: {  	[dreg:$0x3] =	wrdreg $0x3800  }
0xb0: {  	[dreg:$0x4] =	wrdreg $0x9  }
0xb1: {  	_ =	task.clear_ibuf [dreg:s6], $0x5FFFF;
	_ =	strace $0x90000046  }
0xb2: {  	s29 =	simm.s32 $0x9;
	_ =	strace $0x80000048  }
0xb3: {  	_ =	swait.ge [sflag:s29], $0x1  }
0xb4: {  	[sflag:s29] =	ssyncadd.s32 $0xFFFFFFFF  }
0xb5: {  	_ =	strace $0x90000048  }
0xb6: {  	_ =	sfence  }
0xb7: {  	s30 =	sld [smem:$0x0];
	_ =	sdelay $0x2  }
0xb8: {  	s31 =	sshll.u32 s1, $0xD;
	s1 =	sshrl.u32 s1, $0x2  }
0xb9: {  	s3 =	sand.u32 $0x4000, s31;
	s1 =	sadd.s32 s1, s30  }
0xba: {  	s0 =	sor.u32 s3, s0;
	s1 =	sshll.u32 s1, $0x11  }
0xbb: {  	s0 =	sor.u32 s1, s0  }
0xbc: {  	s0 =	sadd.s32 $0x8F2B, s0  }
0xbd: {  	[sflag:s0] =	ssyncadd.remote.s32 $0x1  }
0xbe: {  	_ =	sfence.sel $0xFFFF  }
0xbf: {  	[dreg:$0x0] =	wrdreg $0xFFFFFFFF;
	(pc) =	sbr.abs _section_cstart, $3  }
0xc0: {  	[dreg:$0x1] =	wrdreg $0xFFFFFFFF  }
0xc1: {  	_ =	task.clear_ibuf [dreg:s6], $0x2FFFF;
	_ =	strace $0x9FFFFFFF  }
0xc2: {  	(tm) =	ssettm $0x7FFFFFFF  }
0xc3: {  	_ =	shalt  }
tec
execute0_lowered:
.L_overlay_start_1:
0x0: {  	(tag) =	ssettag $0x1  }
0x1: {  	s1 =	srdreg.scid;
	s4 =	rddreg [dreg:$0x0]  }
0x2: {  	s0 =	stileid.u32;
	s2 =	rddreg [dreg:$0x1];
	s3 =	simm.s32 $0x0  }
0x3: {  	s10 =	simm.s32 $0x80;
	s5 =	sand.u32 $0x1, s1;
	s6 =	smul.u32 $0x280, s0  }
0x4: {  	s13 =	simm.s32 $0x0;
	s1 =	rddreg [dreg:$0x2];
	s7 =	smul.u32 $0x2800, s5  }
0x5: {  	[smem:$0x7FF] =	sst s3;
	s11 =	sshll.u32 s0, $0x6;
	s5 =	ssub.s32 $0x2, s5  }
0x6: {  	_ =	strace $0x80000047;
	s31 =	sshrl.u32 s5, $0x1;
	s7 =	sadd.s32 s6, s7  }
0x7: {  	s11 =	sor.u32 $0x1C01, s11;
	s9 =	ssub.s32 s5, s31;
	s8 =	sshrl.u32 s7, $0x3  }
0x8: {  	s7 =	sadd.s32 s7, s4;
	s8 =	sadd.s32 s8, s4;
	s4 =	sadd.s32 s6, s2  }
0x9: {  	s6 =	smax.u32 s9, $0x1;
	s7 =	sadd.s32 $0x1E00, s7;
	s9 =	simm.s32 $0x1  }
0xa: {  	v0 =	vimm.f32 $0.0e+00;
	v1 =	vimm.f32 $1.000000000e+00;
	s5 =	sadd.s32 $0x6E00, s8;
	s8 =	simm.s32 $0x100;
	s12 =	sshrl.u32 s4, $0x3  }
.LBB2_1:
0xb: {  	[tilespmem:$0x100] =	vst v0  }
0xc: {  	[tilespmem:$0x110] =	vst v0  }
0xd: {  	[tilespmem:$0x120] =	vst v0  }
0xe: {  	[tilespmem:$0x130] =	vst v0  }
0xf: {  	[tilespmem:$0x140] =	vst v0  }
0x10: {  	[tilespmem:$0x150] =	vst v0  }
0x11: {  	[tilespmem:$0x160] =	vst v0  }
0x12: {  	[tilespmem:$0x170] =	vst v0  }
0x13: {  	[tilespmem:$0x180] =	vst v0  }
0x14: {  	[tilespmem:$0x190] =	vst v0  }
0x15: {  	[tilespmem:$0x1A0] =	vst v0  }
0x16: {  	[tilespmem:$0x1B0] =	vst v0  }
0x17: {  	[tilespmem:$0x1C0] =	vst v0  }
0x18: {  	[tilespmem:$0x1D0] =	vst v0  }
0x19: {  	[tilespmem:$0x1E0] =	vst v0  }
0x1a: {  	[tilespmem:$0x1F0] =	vst v0  }
0x1b: {  	[tilespmem:$0x200] =	vst v0  }
0x1c: {  	[tilespmem:$0x210] =	vst v0  }
0x1d: {  	[tilespmem:$0x220] =	vst v0  }
0x1e: {  	[tilespmem:$0x230] =	vst v0  }
0x1f: {  	[tilespmem:$0x240] =	vst v0  }
0x20: {  	[tilespmem:$0x250] =	vst v0  }
0x21: {  	[tilespmem:$0x260] =	vst v0  }
0x22: {  	[tilespmem:$0x270] =	vst v0  }
0x23: {  	[tilespmem:$0x280] =	vst v0  }
0x24: {  	[tilespmem:$0x290] =	vst v0  }
0x25: {  	[tilespmem:$0x2A0] =	vst v0  }
0x26: {  	[tilespmem:$0x2B0] =	vst v0  }
0x27: {  	[tilespmem:$0x2C0] =	vst v0  }
0x28: {  	[tilespmem:$0x2D0] =	vst v0  }
0x29: {  	[tilespmem:$0x2E0] =	vst v0  }
0x2a: {  	[tilespmem:$0x2F0] =	vst v0  }
0x2b: {  	[tilespmem:$0x300] =	vst v0  }
0x2c: {  	[tilespmem:$0x310] =	vst v0  }
0x2d: {  	[tilespmem:$0x320] =	vst v0  }
0x2e: {  	[tilespmem:$0x330] =	vst v0  }
0x2f: {  	[tilespmem:$0x340] =	vst v0  }
0x30: {  	[tilespmem:$0x350] =	vst v0  }
0x31: {  	[tilespmem:$0x360] =	vst v0  }
0x32: {  	[tilespmem:$0x370] =	vst v0  }
0x33: {  	[tilespmem:$0x80] =	vst v1  }
0x34: {  	[tilespmem:$0x90] =	vst v1  }
0x35: {  	[tilespmem:$0xA0] =	vst v1  }
0x36: {  	[tilespmem:$0xB0] =	vst v1  }
0x37: {  	[tilespmem:$0xC0] =	vst v1  }
0x38: {  	[tilespmem:$0xD0] =	vst v1  }
0x39: {  	[tilespmem:$0xE0] =	vst v1  }
0x3a: {  	[tilespmem:$0xF0] =	vst v1  }
0x3b: {  	[spmem:s4] =	stream.linear.scatter [tilespmem:s8], [sflag:$0x1], $0x280, $0x38;
	[tilespmem:$0x600] =	vst v63  }
0x3c: {  	_ =	swait.ge [sflag:s9], $0x280  }
0x3d: {  	[sflag:s9] =	ssyncset.done $0x0  }
0x3e: {  	[sflag:s9] =	ssyncadd.s32 $0xFFFFFD80  }
0x3f: {  	s14 =	sadd.s32 $0x0, s7;
	[bflag:$0x0] =	sbarrier.arrive $0xFFFF  }
0x40: {  	[tilespmem:s3], [sflag:$0x1] =	stream.linear.gather [hbm4b:s14+s3], $0x80, $0x38;
	[tilespmem:$0x600] =	vst v63  }
0x41: {  	_ =	swait.ge [sflag:s9], $0x80  }
0x42: {  	[sflag:s9] =	ssyncset.done $0x0  }
0x43: {  	[sflag:s9] =	ssyncadd.s32 $0xFFFFFF80  }
0x44: {  	[spmem:s2] =	stream.indirect.scatter.add.f32 [tilespmem:s10], [sflag:$0x1], $0x1, s3, s10, $0xb8;
	[tilespmem:$0x600] =	vst v63  }
0x45: {  	_ =	swait.ge [sflag:s9], $0x80  }
0x46: {  	s15 =	simm.s32 $0x20;
	s14 =	simm.s32 $0x10;
	[sflag:s9] =	ssyncset.done $0x0  }
.LBB2_2:
0x47: {  	s16 =	sadd.s32 s14, s7  }
0x48: {  	[sflag:s9] =	ssyncadd.s32 $0xFFFFFF80;
	s14 =	smov.u32 s15;
	s17 =	sadd.s32 $0x10, s15  }
0x49: {  	[tilespmem:s3], [sflag:$0x1] =	stream.linear.gather [hbm4b:s16+s3], $0x80, $0x38;
	[tilespmem:$0x600] =	vst v63  }
0x4a: {  	p0 =	sne.s32 s15, $0x270;
	_ =	swait.ge [sflag:s9], $0x80  }
.Ltmp0:
0x4b: {  	[sflag:s9] =	ssyncset.done $0x0;
	(pc) =	sbr.rel @p0 .LBB2_2-.Ltmp0, $4  }
0x4c: {  	[sflag:s9] =	ssyncadd.s32 $0xFFFFFF80  }
0x4d: {  	[spmem:s2] =	stream.indirect.scatter.add.f32 [tilespmem:s10], [sflag:$0x1], $0x1, s3, s10, $0xb8;
	[tilespmem:$0x600] =	vst v63  }
0x4e: {  	_ =	swait.ge [sflag:s9], $0x80  }
0x4f: {  	s15 =	smov.u32 s17;
	[sflag:s9] =	ssyncset.done $0x0  }
0x50: {  	s14 =	sadd.s32 s14, s7;
	[sflag:s9] =	ssyncadd.s32 $0xFFFFFF80  }
0x51: {  	[tilespmem:s3], [sflag:$0x1] =	stream.linear.gather [hbm4b:s14+s3], $0x80, $0x38;
	[tilespmem:$0x600] =	vst v63  }
0x52: {  	_ =	swait.ge [sflag:s9], $0x80  }
0x53: {  	[sflag:s9] =	ssyncset.done $0x0  }
0x54: {  	[sflag:s9] =	ssyncadd.s32 $0xFFFFFF80  }
0x55: {  	[spmem:s2] =	stream.indirect.scatter.add.f32 [tilespmem:s10], [sflag:$0x1], $0x1, s3, s10, $0xb8;
	[tilespmem:$0x600] =	vst v63  }
0x56: {  	_ =	swait.ge [sflag:s9], $0x80  }
0x57: {  	s13 =	sadd.s32 $0x1, s13;
	[sflag:s9] =	ssyncset.done $0x0  }
0x58: {  	p0 =	sne.s32 s13, s6;
	[sflag:s9] =	ssyncadd.s32 $0xFFFFFF80  }
.Ltmp1:
0x59: {  	[bflag:$0x0] =	sbarrier.arrive $0xFFFF;
	(pc) =	sbr.rel @p0 .LBB2_1-.Ltmp1, $4  }
0x5a: {  	[hbm:s5], [sflag:s11] =	dma.local [spmem:s12], $0x50  }
0x5b: {  	_ =	swait.ge [sflag:s9], $0x50  }
0x5c: {  	[sflag:s9] =	ssyncset.done $0x0  }
0x5d: {  	[sflag:s9] =	ssyncadd.s32 $0xFFFFFFB0  }
0x5e: {  	_ =	sfence.sel $0x180000  }
0x5f: {  	[bflag:$0x0] =	sbarrier.arrive $0xFFFF  }
0x60: {  	p0 =	sne.s32 s0, $0x0;
	_ =	strace $0x90000047  }
0x61: {  	s0 =	sadd.s32 @!p0 $0x100000, s1;
	[bflag:$0x2] =	sbarrier.arrive $0xFFFF  }
0x62: {  	[sflag:s0] =	ssyncadd.tile.s32 @!p0 $0x1;
	_ =	shalt  }
.Lfunc_end2:
_tile_overlayer_lowered:
.L_overlay_start_2:
0x63: {  	(tag) =	ssettag $0x2  }
0x64: {  	s0 =	rddreg [dreg:$0x0];
	s2 =	stileid.u32  }
0x65: {  	s1 =	rddreg [dreg:$0x1];
	p0 =	sne.s32 s2, $0x0  }
0x66: {  	s3 =	rddreg [dreg:$0x2];
	[bflag:$0x3] =	sbarrier.arrive $0xFFFF;
	s2 =	simm.s32 @!p0 $0x1C01  }
0x67: {  	[timem:s3], [sflag:s2] =	dma.local @!p0 [hbm:s0], s1  }
0x68: {  	s0 =	simm.s32 @!p0 $0x1  }
0x69: {  	_ =	swait.ge @!p0 [sflag:s0], s1  }
0x6a: {  	s1 =	ssub.s32 @!p0 $0x0, s1;
	[sflag:s0] =	ssyncset.done @!p0 $0x0  }
0x6b: {  	[sflag:s0] =	ssyncadd.s32 @!p0 s1  }
0x6c: {  	[bflag:$0x3] =	sbarrier.arrive $0xFFFF  }
0x6d: {  	_ =	shalt  }

// kernel: kernel.13.cloned.1.call-start
scs
__scs_entry_jumppad:
0x0: {  	(pc) =	sbr.rel $0x88, $3  }
0x1: {  	(tag) =	ssettag $0x0;
	lr =	simm.s32 $0x1  }
0x2: {  	[smem:$0x3F99] =	sst lr;
	_ =	strace $0xD0000000  }
0x3: {  	_ = 	snop  }
0x4: {  	_ = 	snop  }
0x5: {  	_ = 	snop  }
0x6: {  	_ = 	snop  }
0x7: {  	_ = 	snop  }
__scs_overlays_trampoline_lowered:
0x8: {  	[smem:$0x3FA8] =	sst s0  }
0x9: {  	[smem:$0x3FA9] =	sst s1  }
0xa: {  	[smem:$0x3FAA] =	sst s2  }
0xb: {  	[smem:$0x3FAB] =	sst s3  }
0xc: {  	[smem:$0x3FAC] =	sst s4  }
0xd: {  	[smem:$0x3FAD] =	sst s5  }
0xe: {  	[smem:$0x3FAE] =	sst s6  }
0xf: {  	[smem:$0x3FAF] =	sst s7  }
0x10: {  	[smem:$0x3FB0] =	sst s8  }
0x11: {  	[smem:$0x3FB1] =	sst s9;
	s0 =	simm.s32 @!p0 $0x0  }
0x12: {  	s1 =	sld [smem:$0x3F97];
	s0 =	simm.s32 @p0 $0x1  }
0x13: {  	[smem:$0x3FB2] =	sst s0;
	s0 =	simm.s32 @!p1 $0x0  }
0x14: {  	s2 =	sld [smem:$0x3F96];
	s0 =	simm.s32 @p1 $0x1  }
0x15: {  	[smem:$0x3FB3] =	sst s0;
	s0 =	simm.s32 @!p2 $0x0  }
0x16: {  	s3 =	sld [smem:$0x3FDB];
	s0 =	simm.s32 @p2 $0x1  }
0x17: {  	s4 =	simm.s32 $0x1BF5;
	[smem:$0x3FB5] =	sst s0  }
0x18: {  	s0 =	sld [smem:$0x3F98];
	_ =	swait.ge [sflag:s4], $0x0  }
0x19: {  	s7 =	sld [smem:$0x3F99]  }
0x1a: {  	s8 =	sadd.s32 $0xFFFFE003, lr  }
0x1b: {  	s9 =	sadd.s32 $0xFFFFFEF7, lr;
	s5 =	simm.s32 $0xFFFFFFFF;
	p2 =	slt.u32 s8, $0xFFFFF086  }
0x1c: {  	p1 =	slt.u32 s9, $0xF7A;
	s5 =	simm.s32 @!p2 $0x0  }
0x1d: {  	s5 =	simm.s32 @p1 $0x1;
	p0 =	seq.s32 s7, s2  }
0x1e: {  	s7 =	smul.u32 @!p0 $0xF7A, s2;
	p2 =	seq.s32 @!p0 s5, $0x0  }
0x1f: {  	s9 =	smul.u32 $0xF7A, s1;
	s8 =	simm.s32 @!p0 $0x1BF5;
	p2 =	por !p2, p0  }
0x20: {  	[sflag:s8] =	ssyncset.s32 @!p0 $0xFFFFF086;
	s6 =	sadd.s32 @!p0 s3, s7;
	s7 =	simm.s32 @!p0 $0x108  }
0x21: {  	s3 =	sadd.s32 s3, s9;
	s6 =	sadd.s32 @!p0 $0x88, s6;
	s7 =	simm.s32 @p2 $0x1082  }
0x22: {  	[simem:s7], [sflag:s8] =	dma.local @!p0 [hbm:s6], $0xF7A  }
0x23: {  	s9 =	sor.u32 $0xD0000000, s2;
	s6 =	simm.s32 $0x108;
	_ =	swait.ge @!p0 [sflag:s8], $0x0  }
0x24: {  	s3 =	sadd.s32 $0x88, s3;
	s6 =	simm.s32 @!p1 $0x1082;
	[sflag:s4] =	ssyncset.s32 $0xFFFFF086  }
0x25: {  	[simem:s6], [sflag:s4] =	dma.local [hbm:s3], $0xF7A  }
0x26: {  	[smem:$0x3F99] =	sst s1;
	(tag) =	ssettag s2;
	_ =	strace s9  }
0x27: {  	s1 =	sld [smem:$0x3FA9]  }
0x28: {  	s2 =	sld [smem:$0x3FAA]  }
0x29: {  	s4 =	sld [smem:$0x3FAC]  }
0x2a: {  	p0 =	seq.s32 s5, $0x0;
	s5 =	sld [smem:$0x3FAD]  }
0x2b: {  	s6 =	sld [smem:$0x3FAE]  }
0x2c: {  	s7 =	sld [smem:$0x3FAF]  }
0x2d: {  	s3 =	simm.s32 $0x108;
	s8 =	sld [smem:$0x3FB0]  }
0x2e: {  	s3 =	simm.s32 @!p0 $0x1082;
	s9 =	sld [smem:$0x3FB1]  }
0x2f: {  	lr =	sadd.s32 s0, s3;
	s0 =	sld [smem:$0x3FA8]  }
0x30: {  	s3 =	sld [smem:$0x3FAB]  }
0x31: {  	[smem:$0x3FB4] =	sst s10  }
0x32: {  	s10 =	sld [smem:$0x3FB2];
	_ =	sdelay $0x3  }
0x33: {  	p0 =	seq.s32 s10, $0x1;
	s10 =	sld [smem:$0x3FB4];
	_ =	sdelay $0x3  }
0x34: {  	[smem:$0x3FB4] =	sst s10  }
0x35: {  	s10 =	sld [smem:$0x3FB3];
	_ =	sdelay $0x3  }
0x36: {  	p1 =	seq.s32 s10, $0x1;
	s10 =	sld [smem:$0x3FB4];
	_ =	sdelay $0x3  }
0x37: {  	[smem:$0x3FB4] =	sst s10  }
0x38: {  	s10 =	sld [smem:$0x3FB5]  }
0x39: {  	_ = 	snop;
	(pc) =	sbr.ind lr, $3  }
0x3a: {  	_ = 	snop  }
0x3b: {  	_ = 	snop  }
0x3c: {  	p2 =	seq.s32 s10, $0x1;
	s10 =	sld [smem:$0x3FB4]  }
0x3d: {  	_ =	shalt  }
0x3e: {  	_ =	shalt  }
0x3f: {  	_ =	shalt  }
0x40: {  	_ =	shalt  }
0x41: {  	_ =	shalt  }
0x42: {  	_ =	shalt  }
0x43: {  	_ =	shalt  }
0x44: {  	_ =	shalt  }
0x45: {  	_ =	shalt  }
0x46: {  	_ =	shalt  }
0x47: {  	_ =	shalt  }
0x48: {  	_ =	shalt  }
0x49: {  	_ =	shalt  }
0x4a: {  	_ =	shalt  }
0x4b: {  	_ =	shalt  }
0x4c: {  	_ =	shalt  }
0x4d: {  	_ =	shalt  }
0x4e: {  	_ =	shalt  }
0x4f: {  	_ =	shalt  }
0x50: {  	_ =	shalt  }
0x51: {  	_ =	shalt  }
0x52: {  	_ =	shalt  }
0x53: {  	_ =	shalt  }
0x54: {  	_ =	shalt  }
0x55: {  	_ =	shalt  }
0x56: {  	_ =	shalt  }
0x57: {  	_ =	shalt  }
0x58: {  	_ =	shalt  }
0x59: {  	_ =	shalt  }
0x5a: {  	_ =	shalt  }
0x5b: {  	_ =	shalt  }
0x5c: {  	_ =	shalt  }
0x5d: {  	_ =	shalt  }
0x5e: {  	_ =	shalt  }
0x5f: {  	_ =	shalt  }
0x60: {  	_ =	shalt  }
0x61: {  	_ =	shalt  }
0x62: {  	_ =	shalt  }
0x63: {  	_ =	shalt  }
0x64: {  	_ =	shalt  }
0x65: {  	_ =	shalt  }
0x66: {  	_ =	shalt  }
0x67: {  	_ =	shalt  }
0x68: {  	_ =	shalt  }
0x69: {  	_ =	shalt  }
0x6a: {  	_ =	shalt  }
0x6b: {  	_ =	shalt  }
0x6c: {  	_ =	shalt  }
0x6d: {  	_ =	shalt  }
0x6e: {  	_ =	shalt  }
0x6f: {  	_ =	shalt  }
0x70: {  	_ =	shalt  }
0x71: {  	_ =	shalt  }
0x72: {  	_ =	shalt  }
0x73: {  	_ =	shalt  }
0x74: {  	_ =	shalt  }
0x75: {  	_ =	shalt  }
0x76: {  	_ =	shalt  }
0x77: {  	_ =	shalt  }
0x78: {  	_ =	shalt  }
0x79: {  	_ =	shalt  }
0x7a: {  	_ =	shalt  }
0x7b: {  	_ =	shalt  }
0x7c: {  	_ =	shalt  }
0x7d: {  	_ =	shalt  }
0x7e: {  	_ =	shalt  }
0x7f: {  	_ =	shalt  }
0x80: {  	_ =	shalt  }
0x81: {  	_ =	shalt  }
0x82: {  	_ =	shalt  }
0x83: {  	_ =	shalt  }
0x84: {  	_ =	shalt  }
0x85: {  	_ =	shalt  }
0x86: {  	_ =	shalt  }
0x87: {  	_ =	shalt  }
.Lfunc_end0:
.L_simem_size_0:
called_computation.1_lowered:
.L_overlay_start_0:
0x88: {  	s2 =	sld [smem:$0x3FD9]  }
0x89: {  	s3 =	sld [smem:$0x3FFE];
	_ =	sdelay $0x1  }
0x8a: {  	s1 =	srdreg.scid  }
0x8b: {  	s0 =	sand.u32 $0x1, s1  }
0x8c: {  	s17 =	sshll.u32 s0, $0xA;
	s2 =	sadd.s32 s3, s2  }
0x8d: {  	s2 =	sadd.s32 s2, s17  }
0x8e: {  	[smem:$0x3FC0] =	sst s2  }
0x8f: {  	_ = 	snop  }
0x90: {  	s2 =	sld [smem:$0x3FD0];
	(tm) =	ssettm $0x1  }
0x91: {  	s18 =	sld [smem:$0x3FFB];
	_ =	sdelay $0x3  }
0x92: {  	_ =	strace s18  }
0x93: {  	s3 =	sld [smem:$0x3FFC];
	_ =	sdelay $0x3  }
0x94: {  	_ =	strace s3  }
0x95: {  	s3 =	sld [smem:$0x3FFD];
	_ =	sdelay $0x3  }
0x96: {  	_ =	strace s3  }
0x97: {  	_ =	strace $0x8FFFFFFF  }
0x98: {  	s19 =	sld [smem:$0x3FDB];
	_ =	sdelay $0x1  }
0x99: {  	s4 =	simm.s32 $_scs_section_size  }
0x9a: {  	s5 =	simm.s32 $_size__tile_overlayer_lowered;
	s6 =	simm.s32 $_tile_overlayer_lowered  }
0x9b: {  	s22 =	simm.s32 $0x1BFF;
	s21 =	sshll.u32 s6, $0x1;
	s3 =	sadd.s32 s4, s19  }
0x9c: {  	s7 =	simm.s32 $0x0;
	s20 =	sshll.u32 s5, $0x1;
	s5 =	sadd.s32 s21, s3  }
0x9d: {  	[timem:s7], [sflag:s22] =	dma.local [hbm:s5], s20  }
0x9e: {  	_ =	swait.ge [sflag:s22], s20  }
0x9f: {  	s4 =	ssub.s32 $0x0, s20;
	[sflag:s22] =	ssyncset.done $0x0  }
0xa0: {  	[sflag:s22] =	ssyncadd.s32 s4;
	_ =	sdelay $0x1  }
0xa1: {  	s23 =	simm.s32 $0x1B8B  }
0xa2: {  	_ =	swait.ge [sflag:s23], $0x1  }
0xa3: {  	[sflag:s23] =	ssyncset.done $0x0  }
0xa4: {  	s25 =	simm.s32 $0x1B8E;
	s24 =	sld [smem:$0x3FFE];
	[sflag:s23] =	ssyncadd.s32 $0xFFFFFFFF  }
0xa5: {  	s26 =	simm.s32 $execute0_lowered;
	[smem:$0x3FD2] =	sst s25  }
0xa6: {  	s5 =	sshll.u32 s26, $0x1;
	_ =	strace $0x80000049;
	[dreg:$0x1] =	wrdreg $0xFFFFFFFF  }
0xa7: {  	s28 =	simm.s32 $_size_execute0_lowered;
	s3 =	sadd.s32 s3, s5;
	[dreg:$0x0] =	wrdreg $0x0  }
0xa8: {  	s5 =	sshll.u32 s28, $0x1;
	[dreg:$0x2] =	wrdreg s3  }
0xa9: {  	[dreg:$0x3] =	wrdreg s5  }
0xaa: {  	[dreg:$0x4] =	wrdreg $0xC0  }
0xab: {  	_ =	task [dreg:s7], $0x5FFFF  }
0xac: {  	[dreg:$0x1] =	wrdreg $0xFFFFFFFF  }
0xad: {  	[dreg:$0x0] =	wrdreg $0x60  }
0xae: {  	[dreg:$0x2] =	wrdreg s24  }
0xaf: {  	[dreg:$0x3] =	wrdreg s2  }
0xb0: {  	[dreg:$0x4] =	wrdreg $0xA8000  }
0xb1: {  	[dreg:$0x5] =	wrdreg $0x9  }
0xb2: {  	_ =	task.clear_ibuf [dreg:s7], $0x6FFFF;
	_ =	strace $0x90000049  }
0xb3: {  	s29 =	simm.s32 $0x9;
	_ =	strace $0x8000004B  }
0xb4: {  	_ =	swait.ge [sflag:s29], $0x1  }
0xb5: {  	[sflag:s29] =	ssyncadd.s32 $0xFFFFFFFF  }
0xb6: {  	_ =	strace $0x9000004B  }
0xb7: {  	_ =	sfence  }
0xb8: {  	s30 =	sld [smem:$0x0];
	_ =	sdelay $0x2  }
0xb9: {  	s31 =	sshll.u32 s1, $0xD;
	s1 =	sshrl.u32 s1, $0x2  }
0xba: {  	s3 =	sand.u32 $0x4000, s31;
	s1 =	sadd.s32 s1, s30  }
0xbb: {  	s0 =	sor.u32 s3, s0;
	s1 =	sshll.u32 s1, $0x11  }
0xbc: {  	s0 =	sor.u32 s1, s0  }
0xbd: {  	s0 =	sadd.s32 $0x8F2B, s0  }
0xbe: {  	[sflag:s0] =	ssyncadd.remote.s32 $0x1  }
0xbf: {  	_ =	sfence.sel $0xFFFF  }
0xc0: {  	[dreg:$0x0] =	wrdreg $0xFFFFFFFF;
	(pc) =	sbr.abs _section_cstart, $3  }
0xc1: {  	[dreg:$0x1] =	wrdreg $0xFFFFFFFF  }
0xc2: {  	_ =	task.clear_ibuf [dreg:s7], $0x2FFFF;
	_ =	strace $0x9FFFFFFF  }
0xc3: {  	(tm) =	ssettm $0x7FFFFFFF  }
tec
execute0_lowered:
.L_overlay_start_1:
0x0: {  	(tag) =	ssettag $0x1  }
0x1: {  	s5 =	rddreg [dreg:$0x0]  }
0x2: {  	s8 =	rddreg [dreg:$0x1]  }
0x3: {  	s1 =	rddreg [dreg:$0x2]  }
0x4: {  	s2 =	srdreg.scid;
	s0 =	rddreg [dreg:$0x3];
	s3 =	simm.s32 $0x0  }
0x5: {  	s17 =	simm.s32 $0x2800;
	s18 =	simm.s32 $0x6800;
	s19 =	simm.s32 $0x1  }
0x6: {  	s20 =	simm.s32 $0x2;
	s21 =	simm.s32 $0x1380;
	s6 =	sand.u32 $0x1, s2  }
0x7: {  	s22 =	simm.s32 $0x2700;
	s2 =	stileid.u32;
	s7 =	smul.u32 $0x2800, s6  }
0x8: {  	s23 =	simm.s32 $0x2780;
	[smem:$0x7FF] =	sst s3;
	s9 =	smul.u32 $0x280, s2  }
0x9: {  	s4 =	sadd.s32 $0x6E00, s5;
	s10 =	sadd.s32 $0x1E00, s5;
	s24 =	smul.u32 $0x50000, s2  }
0xa: {  	_ =	strace $0x8000004A;
	s11 =	sshll.u32 s6, $0x4;
	s31 =	smul.u32 $0x2800, s2  }
0xb: {  	s25 =	ssub.s32 $0x2, s6;
	s30 =	sshll.u32 s2, $0x6;
	s16 =	smul.u32 $0x500, s2  }
0xc: {  	s26 =	sor.u32 s2, s11;
	s28 =	sshrl.u32 s25, $0x1;
	s6 =	sor.u32 $0x1C03, s30  }
0xd: {  	s7 =	sadd.s32 s9, s7;
	s9 =	sshrl.u32 s24, $0x2;
	s13 =	smul.u32 $0x500, s26  }
0xe: {  	s14 =	ssub.s32 s25, s28;
	s29 =	smul.u32 $0x2800, s26;
	s11 =	sshrl.u32 s31, $0x3  }
0xf: {  	s24 =	simm.s32 $0x0;
	s7 =	sshll.u32 s7, $0x4;
	s15 =	sadd.s32 s9, s1  }
0x10: {  	s12 =	sadd.s32 s7, s5;
	s5 =	sadd.s32 s4, s7;
	s9 =	sshrl.u32 s29, $0x3  }
0x11: {  	s7 =	sadd.s32 s8, s13;
	s13 =	sshrl.u32 s15, $0x3;
	s15 =	simm.s32 $0x1400  }
0x12: {  	s9 =	sadd.s32 s8, s9;
	s8 =	sadd.s32 s10, s16;
	s10 =	sadd.s32 s10, s11  }
0x13: {  	s11 =	sadd.s32 $0x56E00, s12;
	s12 =	smax.u32 s14, $0x1;
	s14 =	simm.s32 $0x3  }
0x14: {  	s16 =	simm.s32 $0x80;
	s9 =	sadd.s32 $0x280, s9;
	s10 =	sadd.s32 $0x280, s10  }
.LBB2_1:
0x15: {  	[spmem:s13], [sflag:s6] =	dma.local [hbm:s5], $0x2800  }
0x16: {  	_ =	swait.ge [sflag:s14], $0x2800  }
0x17: {  	[sflag:s14] =	ssyncset.done $0x0  }
0x18: {  	[sflag:s14] =	ssyncadd.s32 $0xFFFFD800  }
0x19: {  	[bflag:$0x0] =	sbarrier.arrive $0xFFFF  }
0x1a: {  	[tilespmem:s3], [sflag:$0x3] =	stream.linear.gather [hbm4b:s7+s3], $0x1400, $0x38;
	[tilespmem:$0x1E800] =	vst v63  }
0x1b: {  	_ =	swait.ge [sflag:s14], $0x1400  }
0x1c: {  	[sflag:s14] =	ssyncset.done $0x0  }
0x1d: {  	[sflag:s14] =	ssyncadd.s32 $0xFFFFEC00  }
0x1e: {  	[tilespmem:s15], [sflag:$0x3] =	stream.linear.gather [hbm4b:s8+s3], $0x1400, $0x38;
	[tilespmem:$0x1E800] =	vst v63  }
0x1f: {  	_ =	swait.ge [sflag:s14], $0x1400  }
0x20: {  	[sflag:s14] =	ssyncset.done $0x0  }
0x21: {  	[sflag:s14] =	ssyncadd.s32 $0xFFFFEC00  }
0x22: {  	[tilespmem:s17], [sflag:$0x1] =	stream.indirect.gather [hbm4b:s4+s16], $0x80, s3, s16, $0xb8;
	[tilespmem:$0x1E800] =	vst v63  }
0x23: {  	s25 =	simm.s32 $0x80  }
0x24: {  	[tilespmem:s18], [sflag:$0x2] =	stream.indirect.gather [hbm4b:s4+s16], $0x80, s25, s16, $0xb8;
	[tilespmem:$0x1E800] =	vst v63  }
0x25: {  	_ =	swait.ge [sflag:s19], $0x4000  }
0x26: {  	[sflag:s19] =	ssyncset.done $0x0  }
0x27: {  	s29 =	simm.s32 $0x1400;
	[sflag:s19] =	ssyncadd.s32 $0xFFFFC000  }
0x28: {  	[spmem:s1] =	stream.indirect.scatter.add.f32 [tilespmem:s17], [sflag:$0x3], $0x80, s29, s16, $0xb8;
	[tilespmem:$0x1E800] =	vst v63  }
0x29: {  	_ =	swait.ge [sflag:s14], $0x4000  }
0x2a: {  	[sflag:s14] =	ssyncset.done $0x0  }
0x2b: {  	s30 =	simm.s32 $0x100;
	[sflag:s14] =	ssyncadd.s32 $0xFFFFC000  }
0x2c: {  	[tilespmem:s17], [sflag:$0x1] =	stream.indirect.gather [hbm4b:s4+s16], $0x80, s30, s16, $0xb8;
	[tilespmem:$0x1E800] =	vst v63  }
0x2d: {  	_ =	swait.ge [sflag:s20], $0x4000  }
0x2e: {  	[sflag:s20] =	ssyncset.done $0x0  }
0x2f: {  	s31 =	simm.s32 $0x1480;
	[sflag:s20] =	ssyncadd.s32 $0xFFFFC000  }
0x30: {  	[spmem:s1] =	stream.indirect.scatter.add.f32 [tilespmem:s18], [sflag:$0x3], $0x80, s31, s16, $0xb8;
	[tilespmem:$0x1E800] =	vst v63  }
0x31: {  	_ =	swait.ge [sflag:s14], $0x4000  }
0x32: {  	s26 =	simm.s32 $0x800;
	s25 =	simm.s32 $0x100;
	[sflag:s14] =	ssyncset.done $0x0  }
.LBB2_2:
0x33: {  	s28 =	sadd.s32 $0x80, s25  }
0x34: {  	[sflag:s14] =	ssyncadd.s32 $0xFFFFC000;
	s29 =	smov.u32 s26;
	s30 =	sadd.s32 $0x400, s26  }
0x35: {  	[tilespmem:s18], [sflag:$0x2] =	stream.indirect.gather [hbm4b:s4+s16], $0x80, s28, s16, $0xb8;
	[tilespmem:$0x1E800] =	vst v63  }
0x36: {  	p0 =	sne.s32 s26, $0x4800;
	_ =	swait.ge [sflag:s19], $0x4000  }
0x37: {  	[sflag:s19] =	ssyncset.done $0x0  }
0x38: {  	s26 =	sadd.s32 $0x1400, s25;
	[sflag:s19] =	ssyncadd.s32 $0xFFFFC000  }
0x39: {  	[spmem:s1] =	stream.indirect.scatter.add.f32 [tilespmem:s17], [sflag:$0x3], $0x80, s26, s16, $0xb8;
	[tilespmem:$0x1E800] =	vst v63  }
0x3a: {  	_ =	swait.ge [sflag:s14], $0x4000  }
0x3b: {  	[sflag:s14] =	ssyncset.done $0x0  }
0x3c: {  	s26 =	sadd.s32 $0x100, s25;
	[sflag:s14] =	ssyncadd.s32 $0xFFFFC000  }
0x3d: {  	[tilespmem:s17], [sflag:$0x1] =	stream.indirect.gather [hbm4b:s4+s16], $0x80, s26, s16, $0xb8;
	[tilespmem:$0x1E800] =	vst v63  }
0x3e: {  	_ =	swait.ge [sflag:s20], $0x4000  }
.Ltmp0:
0x3f: {  	[sflag:s20] =	ssyncset.done $0x0;
	(pc) =	sbr.rel @p0 .LBB2_2-.Ltmp0, $4  }
0x40: {  	s25 =	sadd.s32 $0x1480, s25;
	[sflag:s20] =	ssyncadd.s32 $0xFFFFC000  }
0x41: {  	[spmem:s1] =	stream.indirect.scatter.add.f32 [tilespmem:s18], [sflag:$0x3], $0x80, s25, s16, $0xb8;
	[tilespmem:$0x1E800] =	vst v63  }
0x42: {  	_ =	swait.ge [sflag:s14], $0x4000  }
0x43: {  	s26 =	smov.u32 s30;
	s25 =	sshra.s32 s29, $0x2;
	[sflag:s14] =	ssyncset.done $0x0  }
0x44: {  	s26 =	sadd.s32 $0x80, s25;
	[sflag:s14] =	ssyncadd.s32 $0xFFFFC000  }
0x45: {  	[tilespmem:s18], [sflag:$0x2] =	stream.indirect.gather [hbm4b:s4+s16], $0x80, s26, s16, $0xb8;
	[tilespmem:$0x1E800] =	vst v63  }
0x46: {  	_ =	swait.ge [sflag:s19], $0x4000  }
0x47: {  	[sflag:s19] =	ssyncset.done $0x0  }
0x48: {  	s29 =	sadd.s32 $0x1400, s25;
	[sflag:s19] =	ssyncadd.s32 $0xFFFFC000  }
0x49: {  	[spmem:s1] =	stream.indirect.scatter.add.f32 [tilespmem:s17], [sflag:$0x3], $0x80, s29, s16, $0xb8;
	[tilespmem:$0x1E800] =	vst v63  }
0x4a: {  	_ =	swait.ge [sflag:s14], $0x4000  }
0x4b: {  	[sflag:s14] =	ssyncset.done $0x0  }
0x4c: {  	s30 =	sadd.s32 $0x100, s25;
	[sflag:s14] =	ssyncadd.s32 $0xFFFFC000  }
0x4d: {  	[tilespmem:s17], [sflag:$0x1] =	stream.indirect.gather [hbm4b:s4+s16], $0x80, s30, s16, $0xb8;
	[tilespmem:$0x1E800] =	vst v63  }
0x4e: {  	_ =	swait.ge [sflag:s20], $0x4000  }
0x4f: {  	[sflag:s20] =	ssyncset.done $0x0  }
0x50: {  	s31 =	sadd.s32 $0x1480, s25;
	[sflag:s20] =	ssyncadd.s32 $0xFFFFC000  }
0x51: {  	[spmem:s1] =	stream.indirect.scatter.add.f32 [tilespmem:s18], [sflag:$0x3], $0x80, s31, s16, $0xb8;
	[tilespmem:$0x1E800] =	vst v63  }
0x52: {  	_ =	swait.ge [sflag:s14], $0x4000  }
0x53: {  	[sflag:s14] =	ssyncset.done $0x0  }
0x54: {  	[sflag:s14] =	ssyncadd.s32 $0xFFFFC000  }
0x55: {  	[tilespmem:s18], [sflag:$0x2] =	stream.indirect.gather [hbm4b:s4+s16], $0x80, s21, s16, $0xb8;
	[tilespmem:$0x1E800] =	vst v63  }
0x56: {  	_ =	swait.ge [sflag:s19], $0x4000  }
0x57: {  	[sflag:s19] =	ssyncset.done $0x0  }
0x58: {  	[sflag:s19] =	ssyncadd.s32 $0xFFFFC000  }
0x59: {  	[spmem:s1] =	stream.indirect.scatter.add.f32 [tilespmem:s17], [sflag:$0x3], $0x80, s22, s16, $0xb8;
	[tilespmem:$0x1E800] =	vst v63  }
0x5a: {  	_ =	swait.ge [sflag:s14], $0x4000  }
0x5b: {  	[sflag:s14] =	ssyncset.done $0x0  }
0x5c: {  	[sflag:s14] =	ssyncadd.s32 $0xFFFFC000  }
0x5d: {  	_ =	swait.ge [sflag:s20], $0x4000  }
0x5e: {  	[sflag:s20] =	ssyncset.done $0x0  }
0x5f: {  	[sflag:s20] =	ssyncadd.s32 $0xFFFFC000  }
0x60: {  	[spmem:s1] =	stream.indirect.scatter.add.f32 [tilespmem:s18], [sflag:$0x3], $0x80, s23, s16, $0xb8;
	[tilespmem:$0x1E800] =	vst v63  }
0x61: {  	_ =	swait.ge [sflag:s14], $0x4000  }
0x62: {  	[sflag:s14] =	ssyncset.done $0x0  }
0x63: {  	s26 =	simm.s32 $0x0;
	[sflag:s14] =	ssyncadd.s32 $0xFFFFC000  }
0x64: {  	[tilespmem:s26], [sflag:$0x3] =	stream.linear.gather [hbm4b:s9+s26], $0x1400, $0x38;
	[tilespmem:$0x1E800] =	vst v63  }
0x65: {  	_ =	swait.ge [sflag:s14], $0x1400  }
0x66: {  	[sflag:s14] =	ssyncset.done $0x0  }
0x67: {  	[sflag:s14] =	ssyncadd.s32 $0xFFFFEC00  }
0x68: {  	[tilespmem:s15], [sflag:$0x3] =	stream.linear.gather [hbm4b:s10+s26], $0x1400, $0x38;
	[tilespmem:$0x1E800] =	vst v63  }
0x69: {  	_ =	swait.ge [sflag:s14], $0x1400  }
0x6a: {  	[sflag:s14] =	ssyncset.done $0x0  }
0x6b: {  	[sflag:s14] =	ssyncadd.s32 $0xFFFFEC00  }
0x6c: {  	[tilespmem:s17], [sflag:$0x1] =	stream.indirect.gather [hbm4b:s4+s16], $0x80, s26, s16, $0xb8;
	[tilespmem:$0x1E800] =	vst v63  }
0x6d: {  	s28 =	simm.s32 $0x80  }
0x6e: {  	[tilespmem:s18], [sflag:$0x2] =	stream.indirect.gather [hbm4b:s4+s16], $0x80, s28, s16, $0xb8;
	[tilespmem:$0x1E800] =	vst v63  }
0x6f: {  	_ =	swait.ge [sflag:s19], $0x4000  }
0x70: {  	[sflag:s19] =	ssyncset.done $0x0  }
0x71: {  	s29 =	simm.s32 $0x1400;
	[sflag:s19] =	ssyncadd.s32 $0xFFFFC000  }
0x72: {  	[spmem:s1] =	stream.indirect.scatter.add.f32 [tilespmem:s17], [sflag:$0x3], $0x80, s29, s16, $0xb8;
	[tilespmem:$0x1E800] =	vst v63  }
0x73: {  	_ =	swait.ge [sflag:s14], $0x4000  }
0x74: {  	[sflag:s14] =	ssyncset.done $0x0  }
0x75: {  	s30 =	simm.s32 $0x100;
	[sflag:s14] =	ssyncadd.s32 $0xFFFFC000  }
0x76: {  	[tilespmem:s17], [sflag:$0x1] =	stream.indirect.gather [hbm4b:s4+s16], $0x80, s30, s16, $0xb8;
	[tilespmem:$0x1E800] =	vst v63  }
0x77: {  	_ =	swait.ge [sflag:s20], $0x4000  }
0x78: {  	[sflag:s20] =	ssyncset.done $0x0  }
0x79: {  	s31 =	simm.s32 $0x1480;
	[sflag:s20] =	ssyncadd.s32 $0xFFFFC000  }
0x7a: {  	[spmem:s1] =	stream.indirect.scatter.add.f32 [tilespmem:s18], [sflag:$0x3], $0x80, s31, s16, $0xb8;
	[tilespmem:$0x1E800] =	vst v63  }
0x7b: {  	_ =	swait.ge [sflag:s14], $0x4000  }
0x7c: {  	s25 =	simm.s32 $0x100;
	s26 =	simm.s32 $0x800;
	[sflag:s14] =	ssyncset.done $0x0  }
.LBB2_4:
0x7d: {  	s28 =	sadd.s32 $0x80, s25  }
0x7e: {  	[sflag:s14] =	ssyncadd.s32 $0xFFFFC000;
	s29 =	smov.u32 s26;
	s30 =	sadd.s32 $0x400, s26  }
0x7f: {  	[tilespmem:s18], [sflag:$0x2] =	stream.indirect.gather [hbm4b:s4+s16], $0x80, s28, s16, $0xb8;
	[tilespmem:$0x1E800] =	vst v63  }
0x80: {  	p0 =	sne.s32 s26, $0x4800;
	_ =	swait.ge [sflag:s19], $0x4000  }
0x81: {  	[sflag:s19] =	ssyncset.done $0x0  }
0x82: {  	s26 =	sadd.s32 $0x1400, s25;
	[sflag:s19] =	ssyncadd.s32 $0xFFFFC000  }
0x83: {  	[spmem:s1] =	stream.indirect.scatter.add.f32 [tilespmem:s17], [sflag:$0x3], $0x80, s26, s16, $0xb8;
	[tilespmem:$0x1E800] =	vst v63  }
0x84: {  	_ =	swait.ge [sflag:s14], $0x4000  }
0x85: {  	[sflag:s14] =	ssyncset.done $0x0  }
0x86: {  	s26 =	sadd.s32 $0x100, s25;
	[sflag:s14] =	ssyncadd.s32 $0xFFFFC000  }
0x87: {  	[tilespmem:s17], [sflag:$0x1] =	stream.indirect.gather [hbm4b:s4+s16], $0x80, s26, s16, $0xb8;
	[tilespmem:$0x1E800] =	vst v63  }
0x88: {  	_ =	swait.ge [sflag:s20], $0x4000  }
.Ltmp1:
0x89: {  	[sflag:s20] =	ssyncset.done $0x0;
	(pc) =	sbr.rel @p0 .LBB2_4-.Ltmp1, $4  }
0x8a: {  	s25 =	sadd.s32 $0x1480, s25;
	[sflag:s20] =	ssyncadd.s32 $0xFFFFC000  }
0x8b: {  	[spmem:s1] =	stream.indirect.scatter.add.f32 [tilespmem:s18], [sflag:$0x3], $0x80, s25, s16, $0xb8;
	[tilespmem:$0x1E800] =	vst v63  }
0x8c: {  	_ =	swait.ge [sflag:s14], $0x4000  }
0x8d: {  	s26 =	smov.u32 s30;
	s25 =	sshra.s32 s29, $0x2;
	[sflag:s14] =	ssyncset.done $0x0  }
0x8e: {  	s26 =	sadd.s32 $0x80, s25;
	[sflag:s14] =	ssyncadd.s32 $0xFFFFC000  }
0x8f: {  	[tilespmem:s18], [sflag:$0x2] =	stream.indirect.gather [hbm4b:s4+s16], $0x80, s26, s16, $0xb8;
	[tilespmem:$0x1E800] =	vst v63  }
0x90: {  	_ =	swait.ge [sflag:s19], $0x4000  }
0x91: {  	[sflag:s19] =	ssyncset.done $0x0  }
0x92: {  	s29 =	sadd.s32 $0x1400, s25;
	[sflag:s19] =	ssyncadd.s32 $0xFFFFC000  }
0x93: {  	[spmem:s1] =	stream.indirect.scatter.add.f32 [tilespmem:s17], [sflag:$0x3], $0x80, s29, s16, $0xb8;
	[tilespmem:$0x1E800] =	vst v63  }
0x94: {  	_ =	swait.ge [sflag:s14], $0x4000  }
0x95: {  	[sflag:s14] =	ssyncset.done $0x0  }
0x96: {  	s30 =	sadd.s32 $0x100, s25;
	[sflag:s14] =	ssyncadd.s32 $0xFFFFC000  }
0x97: {  	[tilespmem:s17], [sflag:$0x1] =	stream.indirect.gather [hbm4b:s4+s16], $0x80, s30, s16, $0xb8;
	[tilespmem:$0x1E800] =	vst v63  }
0x98: {  	_ =	swait.ge [sflag:s20], $0x4000  }
0x99: {  	[sflag:s20] =	ssyncset.done $0x0  }
0x9a: {  	s31 =	sadd.s32 $0x1480, s25;
	[sflag:s20] =	ssyncadd.s32 $0xFFFFC000  }
0x9b: {  	[spmem:s1] =	stream.indirect.scatter.add.f32 [tilespmem:s18], [sflag:$0x3], $0x80, s31, s16, $0xb8;
	[tilespmem:$0x1E800] =	vst v63  }
0x9c: {  	_ =	swait.ge [sflag:s14], $0x4000  }
0x9d: {  	[sflag:s14] =	ssyncset.done $0x0  }
0x9e: {  	[sflag:s14] =	ssyncadd.s32 $0xFFFFC000  }
0x9f: {  	[tilespmem:s18], [sflag:$0x2] =	stream.indirect.gather [hbm4b:s4+s16], $0x80, s21, s16, $0xb8;
	[tilespmem:$0x1E800] =	vst v63  }
0xa0: {  	_ =	swait.ge [sflag:s19], $0x4000  }
0xa1: {  	[sflag:s19] =	ssyncset.done $0x0  }
0xa2: {  	[sflag:s19] =	ssyncadd.s32 $0xFFFFC000  }
0xa3: {  	[spmem:s1] =	stream.indirect.scatter.add.f32 [tilespmem:s17], [sflag:$0x3], $0x80, s22, s16, $0xb8;
	[tilespmem:$0x1E800] =	vst v63  }
0xa4: {  	_ =	swait.ge [sflag:s14], $0x4000  }
0xa5: {  	[sflag:s14] =	ssyncset.done $0x0  }
0xa6: {  	[sflag:s14] =	ssyncadd.s32 $0xFFFFC000  }
0xa7: {  	_ =	swait.ge [sflag:s20], $0x4000  }
0xa8: {  	[sflag:s20] =	ssyncset.done $0x0  }
0xa9: {  	[sflag:s20] =	ssyncadd.s32 $0xFFFFC000  }
0xaa: {  	[spmem:s1] =	stream.indirect.scatter.add.f32 [tilespmem:s18], [sflag:$0x3], $0x80, s23, s16, $0xb8;
	[tilespmem:$0x1E800] =	vst v63  }
0xab: {  	_ =	swait.ge [sflag:s14], $0x4000  }
0xac: {  	s24 =	sadd.s32 $0x1, s24;
	[sflag:s14] =	ssyncset.done $0x0  }
0xad: {  	p0 =	sne.s32 s24, s12;
	[sflag:s14] =	ssyncadd.s32 $0xFFFFC000  }
.Ltmp2:
0xae: {  	[bflag:$0x0] =	sbarrier.arrive $0xFFFF;
	(pc) =	sbr.rel @p0 .LBB2_1-.Ltmp2, $4  }
0xaf: {  	[hbm:s11], [sflag:s6] =	dma.local [spmem:s13], $0x2800  }
0xb0: {  	_ =	swait.ge [sflag:s14], $0x2800  }
0xb1: {  	[sflag:s14] =	ssyncset.done $0x0  }
0xb2: {  	[sflag:s14] =	ssyncadd.s32 $0xFFFFD800  }
0xb3: {  	_ =	sfence.sel $0x180000  }
0xb4: {  	[bflag:$0x0] =	sbarrier.arrive $0xFFFF  }
0xb5: {  	p0 =	sne.s32 s2, $0x0;
	_ =	strace $0x9000004A  }
0xb6: {  	s0 =	sadd.s32 @!p0 $0x100000, s0;
	[bflag:$0x2] =	sbarrier.arrive $0xFFFF  }
0xb7: {  	[sflag:s0] =	ssyncadd.tile.s32 @!p0 $0x1;
	_ =	shalt  }
.Lfunc_end2:
_tile_overlayer_lowered:
.L_overlay_start_2:
0xb8: {  	(tag) =	ssettag $0x2  }
0xb9: {  	s0 =	rddreg [dreg:$0x0];
	s2 =	stileid.u32  }
0xba: {  	s1 =	rddreg [dreg:$0x1];
	p0 =	sne.s32 s2, $0x0  }
0xbb: {  	s3 =	rddreg [dreg:$0x2];
	[bflag:$0x3] =	sbarrier.arrive $0xFFFF;
	s2 =	simm.s32 @!p0 $0x1C03  }
0xbc: {  	[timem:s3], [sflag:s2] =	dma.local @!p0 [hbm:s0], s1  }
0xbd: {  	s0 =	simm.s32 @!p0 $0x3  }
0xbe: {  	_ =	swait.ge @!p0 [sflag:s0], s1  }
0xbf: {  	s1 =	ssub.s32 @!p0 $0x0, s1;
	[sflag:s0] =	ssyncset.done @!p0 $0x0  }
0xc0: {  	[sflag:s0] =	ssyncadd.s32 @!p0 s1  }
0xc1: {  	[bflag:$0x3] =	sbarrier.arrive $0xFFFF  }
0xc2: {  	_ =	shalt  }

// kernel: kernel.16.cloned.1.call-start
scs
__scs_entry_jumppad:
0x0: {  	(pc) =	sbr.rel $0x88, $3  }
0x1: {  	(tag) =	ssettag $0x0;
	lr =	simm.s32 $0x1  }
0x2: {  	[smem:$0x3F99] =	sst lr;
	_ =	strace $0xD0000000  }
0x3: {  	_ = 	snop  }
0x4: {  	_ = 	snop  }
0x5: {  	_ = 	snop  }
0x6: {  	_ = 	snop  }
0x7: {  	_ = 	snop  }
__scs_overlays_trampoline_lowered:
0x8: {  	[smem:$0x3FA8] =	sst s0  }
0x9: {  	[smem:$0x3FA9] =	sst s1  }
0xa: {  	[smem:$0x3FAA] =	sst s2  }
0xb: {  	[smem:$0x3FAB] =	sst s3  }
0xc: {  	[smem:$0x3FAC] =	sst s4  }
0xd: {  	[smem:$0x3FAD] =	sst s5  }
0xe: {  	[smem:$0x3FAE] =	sst s6  }
0xf: {  	[smem:$0x3FAF] =	sst s7  }
0x10: {  	[smem:$0x3FB0] =	sst s8  }
0x11: {  	[smem:$0x3FB1] =	sst s9;
	s0 =	simm.s32 @!p0 $0x0  }
0x12: {  	s1 =	sld [smem:$0x3F97];
	s0 =	simm.s32 @p0 $0x1  }
0x13: {  	[smem:$0x3FB2] =	sst s0;
	s0 =	simm.s32 @!p1 $0x0  }
0x14: {  	s2 =	sld [smem:$0x3F96];
	s0 =	simm.s32 @p1 $0x1  }
0x15: {  	[smem:$0x3FB3] =	sst s0;
	s0 =	simm.s32 @!p2 $0x0  }
0x16: {  	s3 =	sld [smem:$0x3FDB];
	s0 =	simm.s32 @p2 $0x1  }
0x17: {  	s4 =	simm.s32 $0x1BF5;
	[smem:$0x3FB5] =	sst s0  }
0x18: {  	s0 =	sld [smem:$0x3F98];
	_ =	swait.ge [sflag:s4], $0x0  }
0x19: {  	s7 =	sld [smem:$0x3F99]  }
0x1a: {  	s8 =	sadd.s32 $0xFFFFE003, lr  }
0x1b: {  	s9 =	sadd.s32 $0xFFFFFEF7, lr;
	s5 =	simm.s32 $0xFFFFFFFF;
	p2 =	slt.u32 s8, $0xFFFFF086  }
0x1c: {  	p1 =	slt.u32 s9, $0xF7A;
	s5 =	simm.s32 @!p2 $0x0  }
0x1d: {  	s5 =	simm.s32 @p1 $0x1;
	p0 =	seq.s32 s7, s2  }
0x1e: {  	s7 =	smul.u32 @!p0 $0xF7A, s2;
	p2 =	seq.s32 @!p0 s5, $0x0  }
0x1f: {  	s9 =	smul.u32 $0xF7A, s1;
	s8 =	simm.s32 @!p0 $0x1BF5;
	p2 =	por !p2, p0  }
0x20: {  	[sflag:s8] =	ssyncset.s32 @!p0 $0xFFFFF086;
	s6 =	sadd.s32 @!p0 s3, s7;
	s7 =	simm.s32 @!p0 $0x108  }
0x21: {  	s3 =	sadd.s32 s3, s9;
	s6 =	sadd.s32 @!p0 $0x88, s6;
	s7 =	simm.s32 @p2 $0x1082  }
0x22: {  	[simem:s7], [sflag:s8] =	dma.local @!p0 [hbm:s6], $0xF7A  }
0x23: {  	s9 =	sor.u32 $0xD0000000, s2;
	s6 =	simm.s32 $0x108;
	_ =	swait.ge @!p0 [sflag:s8], $0x0  }
0x24: {  	s3 =	sadd.s32 $0x88, s3;
	s6 =	simm.s32 @!p1 $0x1082;
	[sflag:s4] =	ssyncset.s32 $0xFFFFF086  }
0x25: {  	[simem:s6], [sflag:s4] =	dma.local [hbm:s3], $0xF7A  }
0x26: {  	[smem:$0x3F99] =	sst s1;
	(tag) =	ssettag s2;
	_ =	strace s9  }
0x27: {  	s1 =	sld [smem:$0x3FA9]  }
0x28: {  	s2 =	sld [smem:$0x3FAA]  }
0x29: {  	s4 =	sld [smem:$0x3FAC]  }
0x2a: {  	p0 =	seq.s32 s5, $0x0;
	s5 =	sld [smem:$0x3FAD]  }
0x2b: {  	s6 =	sld [smem:$0x3FAE]  }
0x2c: {  	s7 =	sld [smem:$0x3FAF]  }
0x2d: {  	s3 =	simm.s32 $0x108;
	s8 =	sld [smem:$0x3FB0]  }
0x2e: {  	s3 =	simm.s32 @!p0 $0x1082;
	s9 =	sld [smem:$0x3FB1]  }
0x2f: {  	lr =	sadd.s32 s0, s3;
	s0 =	sld [smem:$0x3FA8]  }
0x30: {  	s3 =	sld [smem:$0x3FAB]  }
0x31: {  	[smem:$0x3FB4] =	sst s10  }
0x32: {  	s10 =	sld [smem:$0x3FB2];
	_ =	sdelay $0x3  }
0x33: {  	p0 =	seq.s32 s10, $0x1;
	s10 =	sld [smem:$0x3FB4];
	_ =	sdelay $0x3  }
0x34: {  	[smem:$0x3FB4] =	sst s10  }
0x35: {  	s10 =	sld [smem:$0x3FB3];
	_ =	sdelay $0x3  }
0x36: {  	p1 =	seq.s32 s10, $0x1;
	s10 =	sld [smem:$0x3FB4];
	_ =	sdelay $0x3  }
0x37: {  	[smem:$0x3FB4] =	sst s10  }
0x38: {  	s10 =	sld [smem:$0x3FB5]  }
0x39: {  	_ = 	snop;
	(pc) =	sbr.ind lr, $3  }
0x3a: {  	_ = 	snop  }
0x3b: {  	_ = 	snop  }
0x3c: {  	p2 =	seq.s32 s10, $0x1;
	s10 =	sld [smem:$0x3FB4]  }
0x3d: {  	_ =	shalt  }
0x3e: {  	_ =	shalt  }
0x3f: {  	_ =	shalt  }
0x40: {  	_ =	shalt  }
0x41: {  	_ =	shalt  }
0x42: {  	_ =	shalt  }
0x43: {  	_ =	shalt  }
0x44: {  	_ =	shalt  }
0x45: {  	_ =	shalt  }
0x46: {  	_ =	shalt  }
0x47: {  	_ =	shalt  }
0x48: {  	_ =	shalt  }
0x49: {  	_ =	shalt  }
0x4a: {  	_ =	shalt  }
0x4b: {  	_ =	shalt  }
0x4c: {  	_ =	shalt  }
0x4d: {  	_ =	shalt  }
0x4e: {  	_ =	shalt  }
0x4f: {  	_ =	shalt  }
0x50: {  	_ =	shalt  }
0x51: {  	_ =	shalt  }
0x52: {  	_ =	shalt  }
0x53: {  	_ =	shalt  }
0x54: {  	_ =	shalt  }
0x55: {  	_ =	shalt  }
0x56: {  	_ =	shalt  }
0x57: {  	_ =	shalt  }
0x58: {  	_ =	shalt  }
0x59: {  	_ =	shalt  }
0x5a: {  	_ =	shalt  }
0x5b: {  	_ =	shalt  }
0x5c: {  	_ =	shalt  }
0x5d: {  	_ =	shalt  }
0x5e: {  	_ =	shalt  }
0x5f: {  	_ =	shalt  }
0x60: {  	_ =	shalt  }
0x61: {  	_ =	shalt  }
0x62: {  	_ =	shalt  }
0x63: {  	_ =	shalt  }
0x64: {  	_ =	shalt  }
0x65: {  	_ =	shalt  }
0x66: {  	_ =	shalt  }
0x67: {  	_ =	shalt  }
0x68: {  	_ =	shalt  }
0x69: {  	_ =	shalt  }
0x6a: {  	_ =	shalt  }
0x6b: {  	_ =	shalt  }
0x6c: {  	_ =	shalt  }
0x6d: {  	_ =	shalt  }
0x6e: {  	_ =	shalt  }
0x6f: {  	_ =	shalt  }
0x70: {  	_ =	shalt  }
0x71: {  	_ =	shalt  }
0x72: {  	_ =	shalt  }
0x73: {  	_ =	shalt  }
0x74: {  	_ =	shalt  }
0x75: {  	_ =	shalt  }
0x76: {  	_ =	shalt  }
0x77: {  	_ =	shalt  }
0x78: {  	_ =	shalt  }
0x79: {  	_ =	shalt  }
0x7a: {  	_ =	shalt  }
0x7b: {  	_ =	shalt  }
0x7c: {  	_ =	shalt  }
0x7d: {  	_ =	shalt  }
0x7e: {  	_ =	shalt  }
0x7f: {  	_ =	shalt  }
0x80: {  	_ =	shalt  }
0x81: {  	_ =	shalt  }
0x82: {  	_ =	shalt  }
0x83: {  	_ =	shalt  }
0x84: {  	_ =	shalt  }
0x85: {  	_ =	shalt  }
0x86: {  	_ =	shalt  }
0x87: {  	_ =	shalt  }
.Lfunc_end0:
.L_simem_size_0:
called_computation.2_lowered:
.L_overlay_start_0:
0x88: {  	s2 =	sld [smem:$0x3FD9]  }
0x89: {  	s3 =	sld [smem:$0x3FFE];
	_ =	sdelay $0x1  }
0x8a: {  	s1 =	srdreg.scid  }
0x8b: {  	s0 =	sand.u32 $0x1, s1  }
0x8c: {  	s17 =	sshll.u32 s0, $0xA;
	s2 =	sadd.s32 s3, s2  }
0x8d: {  	s2 =	sadd.s32 s2, s17  }
0x8e: {  	[smem:$0x3FC0] =	sst s2  }
0x8f: {  	_ = 	snop  }
0x90: {  	s2 =	sld [smem:$0x3FD0];
	(tm) =	ssettm $0x1  }
0x91: {  	s18 =	sld [smem:$0x3FFB];
	_ =	sdelay $0x3  }
0x92: {  	_ =	strace s18  }
0x93: {  	s3 =	sld [smem:$0x3FFC];
	_ =	sdelay $0x3  }
0x94: {  	_ =	strace s3  }
0x95: {  	s3 =	sld [smem:$0x3FFD];
	_ =	sdelay $0x3  }
0x96: {  	_ =	strace s3  }
0x97: {  	_ =	strace $0x8FFFFFFF  }
0x98: {  	s19 =	sld [smem:$0x3FDB];
	_ =	sdelay $0x1  }
0x99: {  	s4 =	simm.s32 $_scs_section_size  }
0x9a: {  	s5 =	simm.s32 $_size__tile_overlayer_lowered;
	s6 =	simm.s32 $_tile_overlayer_lowered  }
0x9b: {  	s22 =	simm.s32 $0x1BFF;
	s21 =	sshll.u32 s6, $0x1;
	s3 =	sadd.s32 s4, s19  }
0x9c: {  	s7 =	simm.s32 $0x0;
	s20 =	sshll.u32 s5, $0x1;
	s5 =	sadd.s32 s21, s3  }
0x9d: {  	[timem:s7], [sflag:s22] =	dma.local [hbm:s5], s20  }
0x9e: {  	_ =	swait.ge [sflag:s22], s20  }
0x9f: {  	s4 =	ssub.s32 $0x0, s20;
	[sflag:s22] =	ssyncset.done $0x0  }
0xa0: {  	[sflag:s22] =	ssyncadd.s32 s4;
	_ =	sdelay $0x1  }
0xa1: {  	s23 =	simm.s32 $0x1B8B  }
0xa2: {  	_ =	swait.ge [sflag:s23], $0x1  }
0xa3: {  	[sflag:s23] =	ssyncset.done $0x0  }
0xa4: {  	s25 =	simm.s32 $0x1B8E;
	s24 =	sld [smem:$0x3FFE];
	[sflag:s23] =	ssyncadd.s32 $0xFFFFFFFF  }
0xa5: {  	s26 =	simm.s32 $execute0_lowered;
	[smem:$0x3FD2] =	sst s25  }
0xa6: {  	s5 =	sshll.u32 s26, $0x1;
	_ =	strace $0x8000004C;
	[dreg:$0x1] =	wrdreg $0xFFFFFFFF  }
0xa7: {  	s28 =	simm.s32 $_size_execute0_lowered;
	s3 =	sadd.s32 s3, s5;
	[dreg:$0x0] =	wrdreg $0x0  }
0xa8: {  	s5 =	sshll.u32 s28, $0x1;
	[dreg:$0x2] =	wrdreg s3  }
0xa9: {  	[dreg:$0x3] =	wrdreg s5  }
0xaa: {  	[dreg:$0x4] =	wrdreg $0xC0  }
0xab: {  	_ =	task [dreg:s7], $0x5FFFF  }
0xac: {  	[dreg:$0x1] =	wrdreg $0xFFFFFFFF  }
0xad: {  	[dreg:$0x0] =	wrdreg $0x60  }
0xae: {  	[dreg:$0x2] =	wrdreg s24  }
0xaf: {  	[dreg:$0x3] =	wrdreg s2  }
0xb0: {  	[dreg:$0x4] =	wrdreg $0xA8000  }
0xb1: {  	[dreg:$0x5] =	wrdreg $0x9  }
0xb2: {  	_ =	task.clear_ibuf [dreg:s7], $0x6FFFF;
	_ =	strace $0x9000004C  }
0xb3: {  	s29 =	simm.s32 $0x9;
	_ =	strace $0x8000004E  }
0xb4: {  	_ =	swait.ge [sflag:s29], $0x1  }
0xb5: {  	[sflag:s29] =	ssyncadd.s32 $0xFFFFFFFF  }
0xb6: {  	_ =	strace $0x9000004E  }
0xb7: {  	_ =	sfence  }
0xb8: {  	s30 =	sld [smem:$0x0];
	_ =	sdelay $0x2  }
0xb9: {  	s31 =	sshll.u32 s1, $0xD;
	s1 =	sshrl.u32 s1, $0x2  }
0xba: {  	s3 =	sand.u32 $0x4000, s31;
	s1 =	sadd.s32 s1, s30  }
0xbb: {  	s0 =	sor.u32 s3, s0;
	s1 =	sshll.u32 s1, $0x11  }
0xbc: {  	s0 =	sor.u32 s1, s0  }
0xbd: {  	s0 =	sadd.s32 $0x8F2B, s0  }
0xbe: {  	[sflag:s0] =	ssyncadd.remote.s32 $0x1  }
0xbf: {  	_ =	sfence.sel $0xFFFF  }
0xc0: {  	[dreg:$0x0] =	wrdreg $0xFFFFFFFF;
	(pc) =	sbr.abs _section_cstart, $3  }
0xc1: {  	[dreg:$0x1] =	wrdreg $0xFFFFFFFF  }
0xc2: {  	_ =	task.clear_ibuf [dreg:s7], $0x2FFFF;
	_ =	strace $0x9FFFFFFF  }
0xc3: {  	(tm) =	ssettm $0x7FFFFFFF  }
tec
execute0_lowered:
.L_overlay_start_1:
0x0: {  	(tag) =	ssettag $0x1  }
0x1: {  	s5 =	rddreg [dreg:$0x0]  }
0x2: {  	s8 =	rddreg [dreg:$0x1]  }
0x3: {  	s1 =	rddreg [dreg:$0x2]  }
0x4: {  	s2 =	srdreg.scid;
	s0 =	rddreg [dreg:$0x3];
	s3 =	simm.s32 $0x0  }
0x5: {  	s17 =	simm.s32 $0x2800;
	s18 =	simm.s32 $0x6800;
	s19 =	simm.s32 $0x1  }
0x6: {  	s20 =	simm.s32 $0x2;
	s21 =	simm.s32 $0x1380;
	s6 =	sand.u32 $0x1, s2  }
0x7: {  	s22 =	simm.s32 $0x2700;
	s2 =	stileid.u32;
	s7 =	smul.u32 $0x2800, s6  }
0x8: {  	s23 =	simm.s32 $0x2780;
	[smem:$0x7FF] =	sst s3;
	s9 =	smul.u32 $0x280, s2  }
0x9: {  	s4 =	sadd.s32 $0x6E00, s5;
	s10 =	sadd.s32 $0x1E00, s5;
	s24 =	smul.u32 $0x50000, s2  }
0xa: {  	_ =	strace $0x8000004D;
	s11 =	sshll.u32 s6, $0x4;
	s31 =	smul.u32 $0x2800, s2  }
0xb: {  	s25 =	ssub.s32 $0x2, s6;
	s30 =	sshll.u32 s2, $0x6;
	s16 =	smul.u32 $0x500, s2  }
0xc: {  	s26 =	sor.u32 s2, s11;
	s28 =	sshrl.u32 s25, $0x1;
	s6 =	sor.u32 $0x1C03, s30  }
0xd: {  	s7 =	sadd.s32 s9, s7;
	s9 =	sshrl.u32 s24, $0x2;
	s13 =	smul.u32 $0x500, s26  }
0xe: {  	s14 =	ssub.s32 s25, s28;
	s29 =	smul.u32 $0x2800, s26;
	s11 =	sshrl.u32 s31, $0x3  }
0xf: {  	s24 =	simm.s32 $0x0;
	s7 =	sshll.u32 s7, $0x4;
	s15 =	sadd.s32 s9, s1  }
0x10: {  	s12 =	sadd.s32 s7, s5;
	s5 =	sadd.s32 s4, s7;
	s9 =	sshrl.u32 s29, $0x3  }
0x11: {  	s7 =	sadd.s32 s8, s13;
	s13 =	sshrl.u32 s15, $0x3;
	s15 =	simm.s32 $0x1400  }
0x12: {  	s9 =	sadd.s32 s8, s9;
	s8 =	sadd.s32 s10, s16;
	s10 =	sadd.s32 s10, s11  }
0x13: {  	s11 =	sadd.s32 $0x56E00, s12;
	s12 =	smax.u32 s14, $0x1;
	s14 =	simm.s32 $0x3  }
0x14: {  	s16 =	simm.s32 $0x80;
	s9 =	sadd.s32 $0x280, s9;
	s10 =	sadd.s32 $0x280, s10  }
.LBB2_1:
0x15: {  	[spmem:s13], [sflag:s6] =	dma.local [hbm:s5], $0x2800  }
0x16: {  	_ =	swait.ge [sflag:s14], $0x2800  }
0x17: {  	[sflag:s14] =	ssyncset.done $0x0  }
0x18: {  	[sflag:s14] =	ssyncadd.s32 $0xFFFFD800  }
0x19: {  	[bflag:$0x0] =	sbarrier.arrive $0xFFFF  }
0x1a: {  	[tilespmem:s3], [sflag:$0x3] =	stream.linear.gather [hbm4b:s7+s3], $0x1400, $0x38;
	[tilespmem:$0x1E800] =	vst v63  }
0x1b: {  	_ =	swait.ge [sflag:s14], $0x1400  }
0x1c: {  	[sflag:s14] =	ssyncset.done $0x0  }
0x1d: {  	[sflag:s14] =	ssyncadd.s32 $0xFFFFEC00  }
0x1e: {  	[tilespmem:s15], [sflag:$0x3] =	stream.linear.gather [hbm4b:s8+s3], $0x1400, $0x38;
	[tilespmem:$0x1E800] =	vst v63  }
0x1f: {  	_ =	swait.ge [sflag:s14], $0x1400  }
0x20: {  	[sflag:s14] =	ssyncset.done $0x0  }
0x21: {  	[sflag:s14] =	ssyncadd.s32 $0xFFFFEC00  }
0x22: {  	[tilespmem:s17], [sflag:$0x1] =	stream.indirect.gather [hbm4b:s4+s16], $0x80, s3, s16, $0xb8;
	[tilespmem:$0x1E800] =	vst v63  }
0x23: {  	s25 =	simm.s32 $0x80  }
0x24: {  	[tilespmem:s18], [sflag:$0x2] =	stream.indirect.gather [hbm4b:s4+s16], $0x80, s25, s16, $0xb8;
	[tilespmem:$0x1E800] =	vst v63  }
0x25: {  	_ =	swait.ge [sflag:s19], $0x4000  }
0x26: {  	[sflag:s19] =	ssyncset.done $0x0  }
0x27: {  	s29 =	simm.s32 $0x1400;
	[sflag:s19] =	ssyncadd.s32 $0xFFFFC000  }
0x28: {  	[spmem:s1] =	stream.indirect.scatter.add.f32 [tilespmem:s17], [sflag:$0x3], $0x80, s29, s16, $0xb8;
	[tilespmem:$0x1E800] =	vst v63  }
0x29: {  	_ =	swait.ge [sflag:s14], $0x4000  }
0x2a: {  	[sflag:s14] =	ssyncset.done $0x0  }
0x2b: {  	s30 =	simm.s32 $0x100;
	[sflag:s14] =	ssyncadd.s32 $0xFFFFC000  }
0x2c: {  	[tilespmem:s17], [sflag:$0x1] =	stream.indirect.gather [hbm4b:s4+s16], $0x80, s30, s16, $0xb8;
	[tilespmem:$0x1E800] =	vst v63  }
0x2d: {  	_ =	swait.ge [sflag:s20], $0x4000  }
0x2e: {  	[sflag:s20] =	ssyncset.done $0x0  }
0x2f: {  	s31 =	simm.s32 $0x1480;
	[sflag:s20] =	ssyncadd.s32 $0xFFFFC000  }
0x30: {  	[spmem:s1] =	stream.indirect.scatter.add.f32 [tilespmem:s18], [sflag:$0x3], $0x80, s31, s16, $0xb8;
	[tilespmem:$0x1E800] =	vst v63  }
0x31: {  	_ =	swait.ge [sflag:s14], $0x4000  }
0x32: {  	s26 =	simm.s32 $0x800;
	s25 =	simm.s32 $0x100;
	[sflag:s14] =	ssyncset.done $0x0  }
.LBB2_2:
0x33: {  	s28 =	sadd.s32 $0x80, s25  }
0x34: {  	[sflag:s14] =	ssyncadd.s32 $0xFFFFC000;
	s29 =	smov.u32 s26;
	s30 =	sadd.s32 $0x400, s26  }
0x35: {  	[tilespmem:s18], [sflag:$0x2] =	stream.indirect.gather [hbm4b:s4+s16], $0x80, s28, s16, $0xb8;
	[tilespmem:$0x1E800] =	vst v63  }
0x36: {  	p0 =	sne.s32 s26, $0x4800;
	_ =	swait.ge [sflag:s19], $0x4000  }
0x37: {  	[sflag:s19] =	ssyncset.done $0x0  }
0x38: {  	s26 =	sadd.s32 $0x1400, s25;
	[sflag:s19] =	ssyncadd.s32 $0xFFFFC000  }
0x39: {  	[spmem:s1] =	stream.indirect.scatter.add.f32 [tilespmem:s17], [sflag:$0x3], $0x80, s26, s16, $0xb8;
	[tilespmem:$0x1E800] =	vst v63  }
0x3a: {  	_ =	swait.ge [sflag:s14], $0x4000  }
0x3b: {  	[sflag:s14] =	ssyncset.done $0x0  }
0x3c: {  	s26 =	sadd.s32 $0x100, s25;
	[sflag:s14] =	ssyncadd.s32 $0xFFFFC000  }
0x3d: {  	[tilespmem:s17], [sflag:$0x1] =	stream.indirect.gather [hbm4b:s4+s16], $0x80, s26, s16, $0xb8;
	[tilespmem:$0x1E800] =	vst v63  }
0x3e: {  	_ =	swait.ge [sflag:s20], $0x4000  }
.Ltmp0:
0x3f: {  	[sflag:s20] =	ssyncset.done $0x0;
	(pc) =	sbr.rel @p0 .LBB2_2-.Ltmp0, $4  }
0x40: {  	s25 =	sadd.s32 $0x1480, s25;
	[sflag:s20] =	ssyncadd.s32 $0xFFFFC000  }
0x41: {  	[spmem:s1] =	stream.indirect.scatter.add.f32 [tilespmem:s18], [sflag:$0x3], $0x80, s25, s16, $0xb8;
	[tilespmem:$0x1E800] =	vst v63  }
0x42: {  	_ =	swait.ge [sflag:s14], $0x4000  }
0x43: {  	s26 =	smov.u32 s30;
	s25 =	sshra.s32 s29, $0x2;
	[sflag:s14] =	ssyncset.done $0x0  }
0x44: {  	s26 =	sadd.s32 $0x80, s25;
	[sflag:s14] =	ssyncadd.s32 $0xFFFFC000  }
0x45: {  	[tilespmem:s18], [sflag:$0x2] =	stream.indirect.gather [hbm4b:s4+s16], $0x80, s26, s16, $0xb8;
	[tilespmem:$0x1E800] =	vst v63  }
0x46: {  	_ =	swait.ge [sflag:s19], $0x4000  }
0x47: {  	[sflag:s19] =	ssyncset.done $0x0  }
0x48: {  	s29 =	sadd.s32 $0x1400, s25;
	[sflag:s19] =	ssyncadd.s32 $0xFFFFC000  }
0x49: {  	[spmem:s1] =	stream.indirect.scatter.add.f32 [tilespmem:s17], [sflag:$0x3], $0x80, s29, s16, $0xb8;
	[tilespmem:$0x1E800] =	vst v63  }
0x4a: {  	_ =	swait.ge [sflag:s14], $0x4000  }
0x4b: {  	[sflag:s14] =	ssyncset.done $0x0  }
0x4c: {  	s30 =	sadd.s32 $0x100, s25;
	[sflag:s14] =	ssyncadd.s32 $0xFFFFC000  }
0x4d: {  	[tilespmem:s17], [sflag:$0x1] =	stream.indirect.gather [hbm4b:s4+s16], $0x80, s30, s16, $0xb8;
	[tilespmem:$0x1E800] =	vst v63  }
0x4e: {  	_ =	swait.ge [sflag:s20], $0x4000  }
0x4f: {  	[sflag:s20] =	ssyncset.done $0x0  }
0x50: {  	s31 =	sadd.s32 $0x1480, s25;
	[sflag:s20] =	ssyncadd.s32 $0xFFFFC000  }
0x51: {  	[spmem:s1] =	stream.indirect.scatter.add.f32 [tilespmem:s18], [sflag:$0x3], $0x80, s31, s16, $0xb8;
	[tilespmem:$0x1E800] =	vst v63  }
0x52: {  	_ =	swait.ge [sflag:s14], $0x4000  }
0x53: {  	[sflag:s14] =	ssyncset.done $0x0  }
0x54: {  	[sflag:s14] =	ssyncadd.s32 $0xFFFFC000  }
0x55: {  	[tilespmem:s18], [sflag:$0x2] =	stream.indirect.gather [hbm4b:s4+s16], $0x80, s21, s16, $0xb8;
	[tilespmem:$0x1E800] =	vst v63  }
0x56: {  	_ =	swait.ge [sflag:s19], $0x4000  }
0x57: {  	[sflag:s19] =	ssyncset.done $0x0  }
0x58: {  	[sflag:s19] =	ssyncadd.s32 $0xFFFFC000  }
0x59: {  	[spmem:s1] =	stream.indirect.scatter.add.f32 [tilespmem:s17], [sflag:$0x3], $0x80, s22, s16, $0xb8;
	[tilespmem:$0x1E800] =	vst v63  }
0x5a: {  	_ =	swait.ge [sflag:s14], $0x4000  }
0x5b: {  	[sflag:s14] =	ssyncset.done $0x0  }
0x5c: {  	[sflag:s14] =	ssyncadd.s32 $0xFFFFC000  }
0x5d: {  	_ =	swait.ge [sflag:s20], $0x4000  }
0x5e: {  	[sflag:s20] =	ssyncset.done $0x0  }
0x5f: {  	[sflag:s20] =	ssyncadd.s32 $0xFFFFC000  }
0x60: {  	[spmem:s1] =	stream.indirect.scatter.add.f32 [tilespmem:s18], [sflag:$0x3], $0x80, s23, s16, $0xb8;
	[tilespmem:$0x1E800] =	vst v63  }
0x61: {  	_ =	swait.ge [sflag:s14], $0x4000  }
0x62: {  	[sflag:s14] =	ssyncset.done $0x0  }
0x63: {  	s26 =	simm.s32 $0x0;
	[sflag:s14] =	ssyncadd.s32 $0xFFFFC000  }
0x64: {  	[tilespmem:s26], [sflag:$0x3] =	stream.linear.gather [hbm4b:s9+s26], $0x1400, $0x38;
	[tilespmem:$0x1E800] =	vst v63  }
0x65: {  	_ =	swait.ge [sflag:s14], $0x1400  }
0x66: {  	[sflag:s14] =	ssyncset.done $0x0  }
0x67: {  	[sflag:s14] =	ssyncadd.s32 $0xFFFFEC00  }
0x68: {  	[tilespmem:s15], [sflag:$0x3] =	stream.linear.gather [hbm4b:s10+s26], $0x1400, $0x38;
	[tilespmem:$0x1E800] =	vst v63  }
0x69: {  	_ =	swait.ge [sflag:s14], $0x1400  }
0x6a: {  	[sflag:s14] =	ssyncset.done $0x0  }
0x6b: {  	[sflag:s14] =	ssyncadd.s32 $0xFFFFEC00  }
0x6c: {  	[tilespmem:s17], [sflag:$0x1] =	stream.indirect.gather [hbm4b:s4+s16], $0x80, s26, s16, $0xb8;
	[tilespmem:$0x1E800] =	vst v63  }
0x6d: {  	s28 =	simm.s32 $0x80  }
0x6e: {  	[tilespmem:s18], [sflag:$0x2] =	stream.indirect.gather [hbm4b:s4+s16], $0x80, s28, s16, $0xb8;
	[tilespmem:$0x1E800] =	vst v63  }
0x6f: {  	_ =	swait.ge [sflag:s19], $0x4000  }
0x70: {  	[sflag:s19] =	ssyncset.done $0x0  }
0x71: {  	s29 =	simm.s32 $0x1400;
	[sflag:s19] =	ssyncadd.s32 $0xFFFFC000  }
0x72: {  	[spmem:s1] =	stream.indirect.scatter.add.f32 [tilespmem:s17], [sflag:$0x3], $0x80, s29, s16, $0xb8;
	[tilespmem:$0x1E800] =	vst v63  }
0x73: {  	_ =	swait.ge [sflag:s14], $0x4000  }
0x74: {  	[sflag:s14] =	ssyncset.done $0x0  }
0x75: {  	s30 =	simm.s32 $0x100;
	[sflag:s14] =	ssyncadd.s32 $0xFFFFC000  }
0x76: {  	[tilespmem:s17], [sflag:$0x1] =	stream.indirect.gather [hbm4b:s4+s16], $0x80, s30, s16, $0xb8;
	[tilespmem:$0x1E800] =	vst v63  }
0x77: {  	_ =	swait.ge [sflag:s20], $0x4000  }
0x78: {  	[sflag:s20] =	ssyncset.done $0x0  }
0x79: {  	s31 =	simm.s32 $0x1480;
	[sflag:s20] =	ssyncadd.s32 $0xFFFFC000  }
0x7a: {  	[spmem:s1] =	stream.indirect.scatter.add.f32 [tilespmem:s18], [sflag:$0x3], $0x80, s31, s16, $0xb8;
	[tilespmem:$0x1E800] =	vst v63  }
0x7b: {  	_ =	swait.ge [sflag:s14], $0x4000  }
0x7c: {  	s25 =	simm.s32 $0x100;
	s26 =	simm.s32 $0x800;
	[sflag:s14] =	ssyncset.done $0x0  }
.LBB2_4:
0x7d: {  	s28 =	sadd.s32 $0x80, s25  }
0x7e: {  	[sflag:s14] =	ssyncadd.s32 $0xFFFFC000;
	s29 =	smov.u32 s26;
	s30 =	sadd.s32 $0x400, s26  }
0x7f: {  	[tilespmem:s18], [sflag:$0x2] =	stream.indirect.gather [hbm4b:s4+s16], $0x80, s28, s16, $0xb8;
	[tilespmem:$0x1E800] =	vst v63  }
0x80: {  	p0 =	sne.s32 s26, $0x4800;
	_ =	swait.ge [sflag:s19], $0x4000  }
0x81: {  	[sflag:s19] =	ssyncset.done $0x0  }
0x82: {  	s26 =	sadd.s32 $0x1400, s25;
	[sflag:s19] =	ssyncadd.s32 $0xFFFFC000  }
0x83: {  	[spmem:s1] =	stream.indirect.scatter.add.f32 [tilespmem:s17], [sflag:$0x3], $0x80, s26, s16, $0xb8;
	[tilespmem:$0x1E800] =	vst v63  }
0x84: {  	_ =	swait.ge [sflag:s14], $0x4000  }
0x85: {  	[sflag:s14] =	ssyncset.done $0x0  }
0x86: {  	s26 =	sadd.s32 $0x100, s25;
	[sflag:s14] =	ssyncadd.s32 $0xFFFFC000  }
0x87: {  	[tilespmem:s17], [sflag:$0x1] =	stream.indirect.gather [hbm4b:s4+s16], $0x80, s26, s16, $0xb8;
	[tilespmem:$0x1E800] =	vst v63  }
0x88: {  	_ =	swait.ge [sflag:s20], $0x4000  }
.Ltmp1:
0x89: {  	[sflag:s20] =	ssyncset.done $0x0;
	(pc) =	sbr.rel @p0 .LBB2_4-.Ltmp1, $4  }
0x8a: {  	s25 =	sadd.s32 $0x1480, s25;
	[sflag:s20] =	ssyncadd.s32 $0xFFFFC000  }
0x8b: {  	[spmem:s1] =	stream.indirect.scatter.add.f32 [tilespmem:s18], [sflag:$0x3], $0x80, s25, s16, $0xb8;
	[tilespmem:$0x1E800] =	vst v63  }
0x8c: {  	_ =	swait.ge [sflag:s14], $0x4000  }
0x8d: {  	s26 =	smov.u32 s30;
	s25 =	sshra.s32 s29, $0x2;
	[sflag:s14] =	ssyncset.done $0x0  }
0x8e: {  	s26 =	sadd.s32 $0x80, s25;
	[sflag:s14] =	ssyncadd.s32 $0xFFFFC000  }
0x8f: {  	[tilespmem:s18], [sflag:$0x2] =	stream.indirect.gather [hbm4b:s4+s16], $0x80, s26, s16, $0xb8;
	[tilespmem:$0x1E800] =	vst v63  }
0x90: {  	_ =	swait.ge [sflag:s19], $0x4000  }
0x91: {  	[sflag:s19] =	ssyncset.done $0x0  }
0x92: {  	s29 =	sadd.s32 $0x1400, s25;
	[sflag:s19] =	ssyncadd.s32 $0xFFFFC000  }
0x93: {  	[spmem:s1] =	stream.indirect.scatter.add.f32 [tilespmem:s17], [sflag:$0x3], $0x80, s29, s16, $0xb8;
	[tilespmem:$0x1E800] =	vst v63  }
0x94: {  	_ =	swait.ge [sflag:s14], $0x4000  }
0x95: {  	[sflag:s14] =	ssyncset.done $0x0  }
0x96: {  	s30 =	sadd.s32 $0x100, s25;
	[sflag:s14] =	ssyncadd.s32 $0xFFFFC000  }
0x97: {  	[tilespmem:s17], [sflag:$0x1] =	stream.indirect.gather [hbm4b:s4+s16], $0x80, s30, s16, $0xb8;
	[tilespmem:$0x1E800] =	vst v63  }
0x98: {  	_ =	swait.ge [sflag:s20], $0x4000  }
0x99: {  	[sflag:s20] =	ssyncset.done $0x0  }
0x9a: {  	s31 =	sadd.s32 $0x1480, s25;
	[sflag:s20] =	ssyncadd.s32 $0xFFFFC000  }
0x9b: {  	[spmem:s1] =	stream.indirect.scatter.add.f32 [tilespmem:s18], [sflag:$0x3], $0x80, s31, s16, $0xb8;
	[tilespmem:$0x1E800] =	vst v63  }
0x9c: {  	_ =	swait.ge [sflag:s14], $0x4000  }
0x9d: {  	[sflag:s14] =	ssyncset.done $0x0  }
0x9e: {  	[sflag:s14] =	ssyncadd.s32 $0xFFFFC000  }
0x9f: {  	[tilespmem:s18], [sflag:$0x2] =	stream.indirect.gather [hbm4b:s4+s16], $0x80, s21, s16, $0xb8;
	[tilespmem:$0x1E800] =	vst v63  }
0xa0: {  	_ =	swait.ge [sflag:s19], $0x4000  }
0xa1: {  	[sflag:s19] =	ssyncset.done $0x0  }
0xa2: {  	[sflag:s19] =	ssyncadd.s32 $0xFFFFC000  }
0xa3: {  	[spmem:s1] =	stream.indirect.scatter.add.f32 [tilespmem:s17], [sflag:$0x3], $0x80, s22, s16, $0xb8;
	[tilespmem:$0x1E800] =	vst v63  }
0xa4: {  	_ =	swait.ge [sflag:s14], $0x4000  }
0xa5: {  	[sflag:s14] =	ssyncset.done $0x0  }
0xa6: {  	[sflag:s14] =	ssyncadd.s32 $0xFFFFC000  }
0xa7: {  	_ =	swait.ge [sflag:s20], $0x4000  }
0xa8: {  	[sflag:s20] =	ssyncset.done $0x0  }
0xa9: {  	[sflag:s20] =	ssyncadd.s32 $0xFFFFC000  }
0xaa: {  	[spmem:s1] =	stream.indirect.scatter.add.f32 [tilespmem:s18], [sflag:$0x3], $0x80, s23, s16, $0xb8;
	[tilespmem:$0x1E800] =	vst v63  }
0xab: {  	_ =	swait.ge [sflag:s14], $0x4000  }
0xac: {  	s24 =	sadd.s32 $0x1, s24;
	[sflag:s14] =	ssyncset.done $0x0  }
0xad: {  	p0 =	sne.s32 s24, s12;
	[sflag:s14] =	ssyncadd.s32 $0xFFFFC000  }
.Ltmp2:
0xae: {  	[bflag:$0x0] =	sbarrier.arrive $0xFFFF;
	(pc) =	sbr.rel @p0 .LBB2_1-.Ltmp2, $4  }
0xaf: {  	[hbm:s11], [sflag:s6] =	dma.local [spmem:s13], $0x2800  }
0xb0: {  	_ =	swait.ge [sflag:s14], $0x2800  }
0xb1: {  	[sflag:s14] =	ssyncset.done $0x0  }
0xb2: {  	[sflag:s14] =	ssyncadd.s32 $0xFFFFD800  }
0xb3: {  	_ =	sfence.sel $0x180000  }
0xb4: {  	[bflag:$0x0] =	sbarrier.arrive $0xFFFF  }
0xb5: {  	p0 =	sne.s32 s2, $0x0;
	_ =	strace $0x9000004D  }
0xb6: {  	s0 =	sadd.s32 @!p0 $0x100000, s0;
	[bflag:$0x2] =	sbarrier.arrive $0xFFFF  }
0xb7: {  	[sflag:s0] =	ssyncadd.tile.s32 @!p0 $0x1;
	_ =	shalt  }
.Lfunc_end2:
_tile_overlayer_lowered:
.L_overlay_start_2:
0xb8: {  	(tag) =	ssettag $0x2  }
0xb9: {  	s0 =	rddreg [dreg:$0x0];
	s2 =	stileid.u32  }
0xba: {  	s1 =	rddreg [dreg:$0x1];
	p0 =	sne.s32 s2, $0x0  }
0xbb: {  	s3 =	rddreg [dreg:$0x2];
	[bflag:$0x3] =	sbarrier.arrive $0xFFFF;
	s2 =	simm.s32 @!p0 $0x1C03  }
0xbc: {  	[timem:s3], [sflag:s2] =	dma.local @!p0 [hbm:s0], s1  }
0xbd: {  	s0 =	simm.s32 @!p0 $0x3  }
0xbe: {  	_ =	swait.ge @!p0 [sflag:s0], s1  }
0xbf: {  	s1 =	ssub.s32 @!p0 $0x0, s1;
	[sflag:s0] =	ssyncset.done @!p0 $0x0  }
0xc0: {  	[sflag:s0] =	ssyncadd.s32 @!p0 s1  }
0xc1: {  	[bflag:$0x3] =	sbarrier.arrive $0xFFFF  }
0xc2: {  	_ =	shalt  }

// kernel: kernel.19.cloned.1.call-start
scs
__scs_entry_jumppad:
0x0: {  	(pc) =	sbr.rel $0x88, $3  }
0x1: {  	(tag) =	ssettag $0x0;
	lr =	simm.s32 $0x1  }
0x2: {  	[smem:$0x3F99] =	sst lr;
	_ =	strace $0xD0000000  }
0x3: {  	_ = 	snop  }
0x4: {  	_ = 	snop  }
0x5: {  	_ = 	snop  }
0x6: {  	_ = 	snop  }
0x7: {  	_ = 	snop  }
__scs_overlays_trampoline_lowered:
0x8: {  	[smem:$0x3FA8] =	sst s0  }
0x9: {  	[smem:$0x3FA9] =	sst s1  }
0xa: {  	[smem:$0x3FAA] =	sst s2  }
0xb: {  	[smem:$0x3FAB] =	sst s3  }
0xc: {  	[smem:$0x3FAC] =	sst s4  }
0xd: {  	[smem:$0x3FAD] =	sst s5  }
0xe: {  	[smem:$0x3FAE] =	sst s6  }
0xf: {  	[smem:$0x3FAF] =	sst s7  }
0x10: {  	[smem:$0x3FB0] =	sst s8  }
0x11: {  	[smem:$0x3FB1] =	sst s9;
	s0 =	simm.s32 @!p0 $0x0  }
0x12: {  	s1 =	sld [smem:$0x3F97];
	s0 =	simm.s32 @p0 $0x1  }
0x13: {  	[smem:$0x3FB2] =	sst s0;
	s0 =	simm.s32 @!p1 $0x0  }
0x14: {  	s2 =	sld [smem:$0x3F96];
	s0 =	simm.s32 @p1 $0x1  }
0x15: {  	[smem:$0x3FB3] =	sst s0;
	s0 =	simm.s32 @!p2 $0x0  }
0x16: {  	s3 =	sld [smem:$0x3FDB];
	s0 =	simm.s32 @p2 $0x1  }
0x17: {  	s4 =	simm.s32 $0x1BF5;
	[smem:$0x3FB5] =	sst s0  }
0x18: {  	s0 =	sld [smem:$0x3F98];
	_ =	swait.ge [sflag:s4], $0x0  }
0x19: {  	s7 =	sld [smem:$0x3F99]  }
0x1a: {  	s8 =	sadd.s32 $0xFFFFE003, lr  }
0x1b: {  	s9 =	sadd.s32 $0xFFFFFEF7, lr;
	s5 =	simm.s32 $0xFFFFFFFF;
	p2 =	slt.u32 s8, $0xFFFFF086  }
0x1c: {  	p1 =	slt.u32 s9, $0xF7A;
	s5 =	simm.s32 @!p2 $0x0  }
0x1d: {  	s5 =	simm.s32 @p1 $0x1;
	p0 =	seq.s32 s7, s2  }
0x1e: {  	s7 =	smul.u32 @!p0 $0xF7A, s2;
	p2 =	seq.s32 @!p0 s5, $0x0  }
0x1f: {  	s9 =	smul.u32 $0xF7A, s1;
	s8 =	simm.s32 @!p0 $0x1BF5;
	p2 =	por !p2, p0  }
0x20: {  	[sflag:s8] =	ssyncset.s32 @!p0 $0xFFFFF086;
	s6 =	sadd.s32 @!p0 s3, s7;
	s7 =	simm.s32 @!p0 $0x108  }
0x21: {  	s3 =	sadd.s32 s3, s9;
	s6 =	sadd.s32 @!p0 $0x88, s6;
	s7 =	simm.s32 @p2 $0x1082  }
0x22: {  	[simem:s7], [sflag:s8] =	dma.local @!p0 [hbm:s6], $0xF7A  }
0x23: {  	s9 =	sor.u32 $0xD0000000, s2;
	s6 =	simm.s32 $0x108;
	_ =	swait.ge @!p0 [sflag:s8], $0x0  }
0x24: {  	s3 =	sadd.s32 $0x88, s3;
	s6 =	simm.s32 @!p1 $0x1082;
	[sflag:s4] =	ssyncset.s32 $0xFFFFF086  }
0x25: {  	[simem:s6], [sflag:s4] =	dma.local [hbm:s3], $0xF7A  }
0x26: {  	[smem:$0x3F99] =	sst s1;
	(tag) =	ssettag s2;
	_ =	strace s9  }
0x27: {  	s1 =	sld [smem:$0x3FA9]  }
0x28: {  	s2 =	sld [smem:$0x3FAA]  }
0x29: {  	s4 =	sld [smem:$0x3FAC]  }
0x2a: {  	p0 =	seq.s32 s5, $0x0;
	s5 =	sld [smem:$0x3FAD]  }
0x2b: {  	s6 =	sld [smem:$0x3FAE]  }
0x2c: {  	s7 =	sld [smem:$0x3FAF]  }
0x2d: {  	s3 =	simm.s32 $0x108;
	s8 =	sld [smem:$0x3FB0]  }
0x2e: {  	s3 =	simm.s32 @!p0 $0x1082;
	s9 =	sld [smem:$0x3FB1]  }
0x2f: {  	lr =	sadd.s32 s0, s3;
	s0 =	sld [smem:$0x3FA8]  }
0x30: {  	s3 =	sld [smem:$0x3FAB]  }
0x31: {  	[smem:$0x3FB4] =	sst s10  }
0x32: {  	s10 =	sld [smem:$0x3FB2];
	_ =	sdelay $0x3  }
0x33: {  	p0 =	seq.s32 s10, $0x1;
	s10 =	sld [smem:$0x3FB4];
	_ =	sdelay $0x3  }
0x34: {  	[smem:$0x3FB4] =	sst s10  }
0x35: {  	s10 =	sld [smem:$0x3FB3];
	_ =	sdelay $0x3  }
0x36: {  	p1 =	seq.s32 s10, $0x1;
	s10 =	sld [smem:$0x3FB4];
	_ =	sdelay $0x3  }
0x37: {  	[smem:$0x3FB4] =	sst s10  }
0x38: {  	s10 =	sld [smem:$0x3FB5]  }
0x39: {  	_ = 	snop;
	(pc) =	sbr.ind lr, $3  }
0x3a: {  	_ = 	snop  }
0x3b: {  	_ = 	snop  }
0x3c: {  	p2 =	seq.s32 s10, $0x1;
	s10 =	sld [smem:$0x3FB4]  }
0x3d: {  	_ =	shalt  }
0x3e: {  	_ =	shalt  }
0x3f: {  	_ =	shalt  }
0x40: {  	_ =	shalt  }
0x41: {  	_ =	shalt  }
0x42: {  	_ =	shalt  }
0x43: {  	_ =	shalt  }
0x44: {  	_ =	shalt  }
0x45: {  	_ =	shalt  }
0x46: {  	_ =	shalt  }
0x47: {  	_ =	shalt  }
0x48: {  	_ =	shalt  }
0x49: {  	_ =	shalt  }
0x4a: {  	_ =	shalt  }
0x4b: {  	_ =	shalt  }
0x4c: {  	_ =	shalt  }
0x4d: {  	_ =	shalt  }
0x4e: {  	_ =	shalt  }
0x4f: {  	_ =	shalt  }
0x50: {  	_ =	shalt  }
0x51: {  	_ =	shalt  }
0x52: {  	_ =	shalt  }
0x53: {  	_ =	shalt  }
0x54: {  	_ =	shalt  }
0x55: {  	_ =	shalt  }
0x56: {  	_ =	shalt  }
0x57: {  	_ =	shalt  }
0x58: {  	_ =	shalt  }
0x59: {  	_ =	shalt  }
0x5a: {  	_ =	shalt  }
0x5b: {  	_ =	shalt  }
0x5c: {  	_ =	shalt  }
0x5d: {  	_ =	shalt  }
0x5e: {  	_ =	shalt  }
0x5f: {  	_ =	shalt  }
0x60: {  	_ =	shalt  }
0x61: {  	_ =	shalt  }
0x62: {  	_ =	shalt  }
0x63: {  	_ =	shalt  }
0x64: {  	_ =	shalt  }
0x65: {  	_ =	shalt  }
0x66: {  	_ =	shalt  }
0x67: {  	_ =	shalt  }
0x68: {  	_ =	shalt  }
0x69: {  	_ =	shalt  }
0x6a: {  	_ =	shalt  }
0x6b: {  	_ =	shalt  }
0x6c: {  	_ =	shalt  }
0x6d: {  	_ =	shalt  }
0x6e: {  	_ =	shalt  }
0x6f: {  	_ =	shalt  }
0x70: {  	_ =	shalt  }
0x71: {  	_ =	shalt  }
0x72: {  	_ =	shalt  }
0x73: {  	_ =	shalt  }
0x74: {  	_ =	shalt  }
0x75: {  	_ =	shalt  }
0x76: {  	_ =	shalt  }
0x77: {  	_ =	shalt  }
0x78: {  	_ =	shalt  }
0x79: {  	_ =	shalt  }
0x7a: {  	_ =	shalt  }
0x7b: {  	_ =	shalt  }
0x7c: {  	_ =	shalt  }
0x7d: {  	_ =	shalt  }
0x7e: {  	_ =	shalt  }
0x7f: {  	_ =	shalt  }
0x80: {  	_ =	shalt  }
0x81: {  	_ =	shalt  }
0x82: {  	_ =	shalt  }
0x83: {  	_ =	shalt  }
0x84: {  	_ =	shalt  }
0x85: {  	_ =	shalt  }
0x86: {  	_ =	shalt  }
0x87: {  	_ =	shalt  }
.Lfunc_end0:
.L_simem_size_0:
called_computation.3_lowered:
.L_overlay_start_0:
0x88: {  	s2 =	sld [smem:$0x3FD9]  }
0x89: {  	s3 =	sld [smem:$0x3FFE];
	_ =	sdelay $0x1  }
0x8a: {  	s1 =	srdreg.scid  }
0x8b: {  	s0 =	sand.u32 $0x1, s1  }
0x8c: {  	s17 =	sshll.u32 s0, $0xA;
	s2 =	sadd.s32 s3, s2  }
0x8d: {  	s2 =	sadd.s32 s2, s17  }
0x8e: {  	[smem:$0x3FC0] =	sst s2  }
0x8f: {  	_ = 	snop  }
0x90: {  	s2 =	sld [smem:$0x3FD0];
	(tm) =	ssettm $0x1  }
0x91: {  	s18 =	sld [smem:$0x3FFB];
	_ =	sdelay $0x3  }
0x92: {  	_ =	strace s18  }
0x93: {  	s3 =	sld [smem:$0x3FFC];
	_ =	sdelay $0x3  }
0x94: {  	_ =	strace s3  }
0x95: {  	s3 =	sld [smem:$0x3FFD];
	_ =	sdelay $0x3  }
0x96: {  	_ =	strace s3  }
0x97: {  	_ =	strace $0x8FFFFFFF  }
0x98: {  	s19 =	sld [smem:$0x3FDB];
	_ =	sdelay $0x1  }
0x99: {  	s4 =	simm.s32 $_scs_section_size  }
0x9a: {  	s5 =	simm.s32 $_size__tile_overlayer_lowered;
	s6 =	simm.s32 $_tile_overlayer_lowered  }
0x9b: {  	s22 =	simm.s32 $0x1BFF;
	s21 =	sshll.u32 s6, $0x1;
	s3 =	sadd.s32 s4, s19  }
0x9c: {  	s7 =	simm.s32 $0x0;
	s20 =	sshll.u32 s5, $0x1;
	s5 =	sadd.s32 s21, s3  }
0x9d: {  	[timem:s7], [sflag:s22] =	dma.local [hbm:s5], s20  }
0x9e: {  	_ =	swait.ge [sflag:s22], s20  }
0x9f: {  	s4 =	ssub.s32 $0x0, s20;
	[sflag:s22] =	ssyncset.done $0x0  }
0xa0: {  	[sflag:s22] =	ssyncadd.s32 s4;
	_ =	sdelay $0x1  }
0xa1: {  	s23 =	simm.s32 $0x1B8B  }
0xa2: {  	_ =	swait.ge [sflag:s23], $0x1  }
0xa3: {  	[sflag:s23] =	ssyncset.done $0x0  }
0xa4: {  	s25 =	simm.s32 $0x1B8E;
	s24 =	sld [smem:$0x3FFE];
	[sflag:s23] =	ssyncadd.s32 $0xFFFFFFFF  }
0xa5: {  	s26 =	simm.s32 $execute0_lowered;
	[smem:$0x3FD2] =	sst s25  }
0xa6: {  	s5 =	sshll.u32 s26, $0x1;
	_ =	strace $0x8000004F;
	[dreg:$0x1] =	wrdreg $0xFFFFFFFF  }
0xa7: {  	s28 =	simm.s32 $_size_execute0_lowered;
	s3 =	sadd.s32 s3, s5;
	[dreg:$0x0] =	wrdreg $0x0  }
0xa8: {  	s5 =	sshll.u32 s28, $0x1;
	[dreg:$0x2] =	wrdreg s3  }
0xa9: {  	[dreg:$0x3] =	wrdreg s5  }
0xaa: {  	[dreg:$0x4] =	wrdreg $0xC0  }
0xab: {  	_ =	task [dreg:s7], $0x5FFFF  }
0xac: {  	[dreg:$0x1] =	wrdreg $0xFFFFFFFF  }
0xad: {  	[dreg:$0x0] =	wrdreg $0x60  }
0xae: {  	[dreg:$0x2] =	wrdreg s24  }
0xaf: {  	[dreg:$0x3] =	wrdreg s2  }
0xb0: {  	[dreg:$0x4] =	wrdreg $0xA8000  }
0xb1: {  	[dreg:$0x5] =	wrdreg $0x9  }
0xb2: {  	_ =	task.clear_ibuf [dreg:s7], $0x6FFFF;
	_ =	strace $0x9000004F  }
0xb3: {  	s29 =	simm.s32 $0x9;
	_ =	strace $0x80000051  }
0xb4: {  	_ =	swait.ge [sflag:s29], $0x1  }
0xb5: {  	[sflag:s29] =	ssyncadd.s32 $0xFFFFFFFF  }
0xb6: {  	_ =	strace $0x90000051  }
0xb7: {  	_ =	sfence  }
0xb8: {  	s30 =	sld [smem:$0x0];
	_ =	sdelay $0x2  }
0xb9: {  	s31 =	sshll.u32 s1, $0xD;
	s1 =	sshrl.u32 s1, $0x2  }
0xba: {  	s3 =	sand.u32 $0x4000, s31;
	s1 =	sadd.s32 s1, s30  }
0xbb: {  	s0 =	sor.u32 s3, s0;
	s1 =	sshll.u32 s1, $0x11  }
0xbc: {  	s0 =	sor.u32 s1, s0  }
0xbd: {  	s0 =	sadd.s32 $0x8F2B, s0  }
0xbe: {  	[sflag:s0] =	ssyncadd.remote.s32 $0x1  }
0xbf: {  	_ =	sfence.sel $0xFFFF  }
0xc0: {  	[dreg:$0x0] =	wrdreg $0xFFFFFFFF;
	(pc) =	sbr.abs _section_cstart, $3  }
0xc1: {  	[dreg:$0x1] =	wrdreg $0xFFFFFFFF  }
0xc2: {  	_ =	task.clear_ibuf [dreg:s7], $0x2FFFF;
	_ =	strace $0x9FFFFFFF  }
0xc3: {  	(tm) =	ssettm $0x7FFFFFFF  }
tec
execute0_lowered:
.L_overlay_start_1:
0x0: {  	(tag) =	ssettag $0x1  }
0x1: {  	s5 =	rddreg [dreg:$0x0]  }
0x2: {  	s8 =	rddreg [dreg:$0x1]  }
0x3: {  	s1 =	rddreg [dreg:$0x2]  }
0x4: {  	s2 =	srdreg.scid;
	s0 =	rddreg [dreg:$0x3];
	s3 =	simm.s32 $0x0  }
0x5: {  	s17 =	simm.s32 $0x2800;
	s18 =	simm.s32 $0x6800;
	s19 =	simm.s32 $0x1  }
0x6: {  	s20 =	simm.s32 $0x2;
	s21 =	simm.s32 $0x1380;
	s6 =	sand.u32 $0x1, s2  }
0x7: {  	s22 =	simm.s32 $0x2700;
	s2 =	stileid.u32;
	s7 =	smul.u32 $0x2800, s6  }
0x8: {  	s23 =	simm.s32 $0x2780;
	[smem:$0x7FF] =	sst s3;
	s9 =	smul.u32 $0x280, s2  }
0x9: {  	s4 =	sadd.s32 $0x6E00, s5;
	s10 =	sadd.s32 $0x1E00, s5;
	s24 =	smul.u32 $0x50000, s2  }
0xa: {  	_ =	strace $0x80000050;
	s11 =	sshll.u32 s6, $0x4;
	s31 =	smul.u32 $0x2800, s2  }
0xb: {  	s25 =	ssub.s32 $0x2, s6;
	s30 =	sshll.u32 s2, $0x6;
	s16 =	smul.u32 $0x500, s2  }
0xc: {  	s26 =	sor.u32 s2, s11;
	s28 =	sshrl.u32 s25, $0x1;
	s6 =	sor.u32 $0x1C03, s30  }
0xd: {  	s7 =	sadd.s32 s9, s7;
	s9 =	sshrl.u32 s24, $0x2;
	s13 =	smul.u32 $0x500, s26  }
0xe: {  	s14 =	ssub.s32 s25, s28;
	s29 =	smul.u32 $0x2800, s26;
	s11 =	sshrl.u32 s31, $0x3  }
0xf: {  	s24 =	simm.s32 $0x0;
	s7 =	sshll.u32 s7, $0x4;
	s15 =	sadd.s32 s9, s1  }
0x10: {  	s12 =	sadd.s32 s7, s5;
	s5 =	sadd.s32 s4, s7;
	s9 =	sshrl.u32 s29, $0x3  }
0x11: {  	s7 =	sadd.s32 s8, s13;
	s13 =	sshrl.u32 s15, $0x3;
	s15 =	simm.s32 $0x1400  }
0x12: {  	s9 =	sadd.s32 s8, s9;
	s8 =	sadd.s32 s10, s16;
	s10 =	sadd.s32 s10, s11  }
0x13: {  	s11 =	sadd.s32 $0x56E00, s12;
	s12 =	smax.u32 s14, $0x1;
	s14 =	simm.s32 $0x3  }
0x14: {  	s16 =	simm.s32 $0x80;
	s9 =	sadd.s32 $0x280, s9;
	s10 =	sadd.s32 $0x280, s10  }
.LBB2_1:
0x15: {  	[spmem:s13], [sflag:s6] =	dma.local [hbm:s5], $0x2800  }
0x16: {  	_ =	swait.ge [sflag:s14], $0x2800  }
0x17: {  	[sflag:s14] =	ssyncset.done $0x0  }
0x18: {  	[sflag:s14] =	ssyncadd.s32 $0xFFFFD800  }
0x19: {  	[bflag:$0x0] =	sbarrier.arrive $0xFFFF  }
0x1a: {  	[tilespmem:s3], [sflag:$0x3] =	stream.linear.gather [hbm4b:s7+s3], $0x1400, $0x38;
	[tilespmem:$0x1E800] =	vst v63  }
0x1b: {  	_ =	swait.ge [sflag:s14], $0x1400  }
0x1c: {  	[sflag:s14] =	ssyncset.done $0x0  }
0x1d: {  	[sflag:s14] =	ssyncadd.s32 $0xFFFFEC00  }
0x1e: {  	[tilespmem:s15], [sflag:$0x3] =	stream.linear.gather [hbm4b:s8+s3], $0x1400, $0x38;
	[tilespmem:$0x1E800] =	vst v63  }
0x1f: {  	_ =	swait.ge [sflag:s14], $0x1400  }
0x20: {  	[sflag:s14] =	ssyncset.done $0x0  }
0x21: {  	[sflag:s14] =	ssyncadd.s32 $0xFFFFEC00  }
0x22: {  	[tilespmem:s17], [sflag:$0x1] =	stream.indirect.gather [hbm4b:s4+s16], $0x80, s3, s16, $0xb8;
	[tilespmem:$0x1E800] =	vst v63  }
0x23: {  	s25 =	simm.s32 $0x80  }
0x24: {  	[tilespmem:s18], [sflag:$0x2] =	stream.indirect.gather [hbm4b:s4+s16], $0x80, s25, s16, $0xb8;
	[tilespmem:$0x1E800] =	vst v63  }
0x25: {  	_ =	swait.ge [sflag:s19], $0x4000  }
0x26: {  	[sflag:s19] =	ssyncset.done $0x0  }
0x27: {  	s29 =	simm.s32 $0x1400;
	[sflag:s19] =	ssyncadd.s32 $0xFFFFC000  }
0x28: {  	[spmem:s1] =	stream.indirect.scatter.add.f32 [tilespmem:s17], [sflag:$0x3], $0x80, s29, s16, $0xb8;
	[tilespmem:$0x1E800] =	vst v63  }
0x29: {  	_ =	swait.ge [sflag:s14], $0x4000  }
0x2a: {  	[sflag:s14] =	ssyncset.done $0x0  }
0x2b: {  	s30 =	simm.s32 $0x100;
	[sflag:s14] =	ssyncadd.s32 $0xFFFFC000  }
0x2c: {  	[tilespmem:s17], [sflag:$0x1] =	stream.indirect.gather [hbm4b:s4+s16], $0x80, s30, s16, $0xb8;
	[tilespmem:$0x1E800] =	vst v63  }
0x2d: {  	_ =	swait.ge [sflag:s20], $0x4000  }
0x2e: {  	[sflag:s20] =	ssyncset.done $0x0  }
0x2f: {  	s31 =	simm.s32 $0x1480;
	[sflag:s20] =	ssyncadd.s32 $0xFFFFC000  }
0x30: {  	[spmem:s1] =	stream.indirect.scatter.add.f32 [tilespmem:s18], [sflag:$0x3], $0x80, s31, s16, $0xb8;
	[tilespmem:$0x1E800] =	vst v63  }
0x31: {  	_ =	swait.ge [sflag:s14], $0x4000  }
0x32: {  	s26 =	simm.s32 $0x800;
	s25 =	simm.s32 $0x100;
	[sflag:s14] =	ssyncset.done $0x0  }
.LBB2_2:
0x33: {  	s28 =	sadd.s32 $0x80, s25  }
0x34: {  	[sflag:s14] =	ssyncadd.s32 $0xFFFFC000;
	s29 =	smov.u32 s26;
	s30 =	sadd.s32 $0x400, s26  }
0x35: {  	[tilespmem:s18], [sflag:$0x2] =	stream.indirect.gather [hbm4b:s4+s16], $0x80, s28, s16, $0xb8;
	[tilespmem:$0x1E800] =	vst v63  }
0x36: {  	p0 =	sne.s32 s26, $0x4800;
	_ =	swait.ge [sflag:s19], $0x4000  }
0x37: {  	[sflag:s19] =	ssyncset.done $0x0  }
0x38: {  	s26 =	sadd.s32 $0x1400, s25;
	[sflag:s19] =	ssyncadd.s32 $0xFFFFC000  }
0x39: {  	[spmem:s1] =	stream.indirect.scatter.add.f32 [tilespmem:s17], [sflag:$0x3], $0x80, s26, s16, $0xb8;
	[tilespmem:$0x1E800] =	vst v63  }
0x3a: {  	_ =	swait.ge [sflag:s14], $0x4000  }
0x3b: {  	[sflag:s14] =	ssyncset.done $0x0  }
0x3c: {  	s26 =	sadd.s32 $0x100, s25;
	[sflag:s14] =	ssyncadd.s32 $0xFFFFC000  }
0x3d: {  	[tilespmem:s17], [sflag:$0x1] =	stream.indirect.gather [hbm4b:s4+s16], $0x80, s26, s16, $0xb8;
	[tilespmem:$0x1E800] =	vst v63  }
0x3e: {  	_ =	swait.ge [sflag:s20], $0x4000  }
.Ltmp0:
0x3f: {  	[sflag:s20] =	ssyncset.done $0x0;
	(pc) =	sbr.rel @p0 .LBB2_2-.Ltmp0, $4  }
0x40: {  	s25 =	sadd.s32 $0x1480, s25;
	[sflag:s20] =	ssyncadd.s32 $0xFFFFC000  }
0x41: {  	[spmem:s1] =	stream.indirect.scatter.add.f32 [tilespmem:s18], [sflag:$0x3], $0x80, s25, s16, $0xb8;
	[tilespmem:$0x1E800] =	vst v63  }
0x42: {  	_ =	swait.ge [sflag:s14], $0x4000  }
0x43: {  	s26 =	smov.u32 s30;
	s25 =	sshra.s32 s29, $0x2;
	[sflag:s14] =	ssyncset.done $0x0  }
0x44: {  	s26 =	sadd.s32 $0x80, s25;
	[sflag:s14] =	ssyncadd.s32 $0xFFFFC000  }
0x45: {  	[tilespmem:s18], [sflag:$0x2] =	stream.indirect.gather [hbm4b:s4+s16], $0x80, s26, s16, $0xb8;
	[tilespmem:$0x1E800] =	vst v63  }
0x46: {  	_ =	swait.ge [sflag:s19], $0x4000  }
0x47: {  	[sflag:s19] =	ssyncset.done $0x0  }
0x48: {  	s29 =	sadd.s32 $0x1400, s25;
	[sflag:s19] =	ssyncadd.s32 $0xFFFFC000  }
0x49: {  	[spmem:s1] =	stream.indirect.scatter.add.f32 [tilespmem:s17], [sflag:$0x3], $0x80, s29, s16, $0xb8;
	[tilespmem:$0x1E800] =	vst v63  }
0x4a: {  	_ =	swait.ge [sflag:s14], $0x4000  }
0x4b: {  	[sflag:s14] =	ssyncset.done $0x0  }
0x4c: {  	s30 =	sadd.s32 $0x100, s25;
	[sflag:s14] =	ssyncadd.s32 $0xFFFFC000  }
0x4d: {  	[tilespmem:s17], [sflag:$0x1] =	stream.indirect.gather [hbm4b:s4+s16], $0x80, s30, s16, $0xb8;
	[tilespmem:$0x1E800] =	vst v63  }
0x4e: {  	_ =	swait.ge [sflag:s20], $0x4000  }
0x4f: {  	[sflag:s20] =	ssyncset.done $0x0  }
0x50: {  	s31 =	sadd.s32 $0x1480, s25;
	[sflag:s20] =	ssyncadd.s32 $0xFFFFC000  }
0x51: {  	[spmem:s1] =	stream.indirect.scatter.add.f32 [tilespmem:s18], [sflag:$0x3], $0x80, s31, s16, $0xb8;
	[tilespmem:$0x1E800] =	vst v63  }
0x52: {  	_ =	swait.ge [sflag:s14], $0x4000  }
0x53: {  	[sflag:s14] =	ssyncset.done $0x0  }
0x54: {  	[sflag:s14] =	ssyncadd.s32 $0xFFFFC000  }
0x55: {  	[tilespmem:s18], [sflag:$0x2] =	stream.indirect.gather [hbm4b:s4+s16], $0x80, s21, s16, $0xb8;
	[tilespmem:$0x1E800] =	vst v63  }
0x56: {  	_ =	swait.ge [sflag:s19], $0x4000  }
0x57: {  	[sflag:s19] =	ssyncset.done $0x0  }
0x58: {  	[sflag:s19] =	ssyncadd.s32 $0xFFFFC000  }
0x59: {  	[spmem:s1] =	stream.indirect.scatter.add.f32 [tilespmem:s17], [sflag:$0x3], $0x80, s22, s16, $0xb8;
	[tilespmem:$0x1E800] =	vst v63  }
0x5a: {  	_ =	swait.ge [sflag:s14], $0x4000  }
0x5b: {  	[sflag:s14] =	ssyncset.done $0x0  }
0x5c: {  	[sflag:s14] =	ssyncadd.s32 $0xFFFFC000  }
0x5d: {  	_ =	swait.ge [sflag:s20], $0x4000  }
0x5e: {  	[sflag:s20] =	ssyncset.done $0x0  }
0x5f: {  	[sflag:s20] =	ssyncadd.s32 $0xFFFFC000  }
0x60: {  	[spmem:s1] =	stream.indirect.scatter.add.f32 [tilespmem:s18], [sflag:$0x3], $0x80, s23, s16, $0xb8;
	[tilespmem:$0x1E800] =	vst v63  }
0x61: {  	_ =	swait.ge [sflag:s14], $0x4000  }
0x62: {  	[sflag:s14] =	ssyncset.done $0x0  }
0x63: {  	s26 =	simm.s32 $0x0;
	[sflag:s14] =	ssyncadd.s32 $0xFFFFC000  }
0x64: {  	[tilespmem:s26], [sflag:$0x3] =	stream.linear.gather [hbm4b:s9+s26], $0x1400, $0x38;
	[tilespmem:$0x1E800] =	vst v63  }
0x65: {  	_ =	swait.ge [sflag:s14], $0x1400  }
0x66: {  	[sflag:s14] =	ssyncset.done $0x0  }
0x67: {  	[sflag:s14] =	ssyncadd.s32 $0xFFFFEC00  }
0x68: {  	[tilespmem:s15], [sflag:$0x3] =	stream.linear.gather [hbm4b:s10+s26], $0x1400, $0x38;
	[tilespmem:$0x1E800] =	vst v63  }
0x69: {  	_ =	swait.ge [sflag:s14], $0x1400  }
0x6a: {  	[sflag:s14] =	ssyncset.done $0x0  }
0x6b: {  	[sflag:s14] =	ssyncadd.s32 $0xFFFFEC00  }
0x6c: {  	[tilespmem:s17], [sflag:$0x1] =	stream.indirect.gather [hbm4b:s4+s16], $0x80, s26, s16, $0xb8;
	[tilespmem:$0x1E800] =	vst v63  }
0x6d: {  	s28 =	simm.s32 $0x80  }
0x6e: {  	[tilespmem:s18], [sflag:$0x2] =	stream.indirect.gather [hbm4b:s4+s16], $0x80, s28, s16, $0xb8;
	[tilespmem:$0x1E800] =	vst v63  }
0x6f: {  	_ =	swait.ge [sflag:s19], $0x4000  }
0x70: {  	[sflag:s19] =	ssyncset.done $0x0  }
0x71: {  	s29 =	simm.s32 $0x1400;
	[sflag:s19] =	ssyncadd.s32 $0xFFFFC000  }
0x72: {  	[spmem:s1] =	stream.indirect.scatter.add.f32 [tilespmem:s17], [sflag:$0x3], $0x80, s29, s16, $0xb8;
	[tilespmem:$0x1E800] =	vst v63  }
0x73: {  	_ =	swait.ge [sflag:s14], $0x4000  }
0x74: {  	[sflag:s14] =	ssyncset.done $0x0  }
0x75: {  	s30 =	simm.s32 $0x100;
	[sflag:s14] =	ssyncadd.s32 $0xFFFFC000  }
0x76: {  	[tilespmem:s17], [sflag:$0x1] =	stream.indirect.gather [hbm4b:s4+s16], $0x80, s30, s16, $0xb8;
	[tilespmem:$0x1E800] =	vst v63  }
0x77: {  	_ =	swait.ge [sflag:s20], $0x4000  }
0x78: {  	[sflag:s20] =	ssyncset.done $0x0  }
0x79: {  	s31 =	simm.s32 $0x1480;
	[sflag:s20] =	ssyncadd.s32 $0xFFFFC000  }
0x7a: {  	[spmem:s1] =	stream.indirect.scatter.add.f32 [tilespmem:s18], [sflag:$0x3], $0x80, s31, s16, $0xb8;
	[tilespmem:$0x1E800] =	vst v63  }
0x7b: {  	_ =	swait.ge [sflag:s14], $0x4000  }
0x7c: {  	s25 =	simm.s32 $0x100;
	s26 =	simm.s32 $0x800;
	[sflag:s14] =	ssyncset.done $0x0  }
.LBB2_4:
0x7d: {  	s28 =	sadd.s32 $0x80, s25  }
0x7e: {  	[sflag:s14] =	ssyncadd.s32 $0xFFFFC000;
	s29 =	smov.u32 s26;
	s30 =	sadd.s32 $0x400, s26  }
0x7f: {  	[tilespmem:s18], [sflag:$0x2] =	stream.indirect.gather [hbm4b:s4+s16], $0x80, s28, s16, $0xb8;
	[tilespmem:$0x1E800] =	vst v63  }
0x80: {  	p0 =	sne.s32 s26, $0x4800;
	_ =	swait.ge [sflag:s19], $0x4000  }
0x81: {  	[sflag:s19] =	ssyncset.done $0x0  }
0x82: {  	s26 =	sadd.s32 $0x1400, s25;
	[sflag:s19] =	ssyncadd.s32 $0xFFFFC000  }
0x83: {  	[spmem:s1] =	stream.indirect.scatter.add.f32 [tilespmem:s17], [sflag:$0x3], $0x80, s26, s16, $0xb8;
	[tilespmem:$0x1E800] =	vst v63  }
0x84: {  	_ =	swait.ge [sflag:s14], $0x4000  }
0x85: {  	[sflag:s14] =	ssyncset.done $0x0  }
0x86: {  	s26 =	sadd.s32 $0x100, s25;
	[sflag:s14] =	ssyncadd.s32 $0xFFFFC000  }
0x87: {  	[tilespmem:s17], [sflag:$0x1] =	stream.indirect.gather [hbm4b:s4+s16], $0x80, s26, s16, $0xb8;
	[tilespmem:$0x1E800] =	vst v63  }
0x88: {  	_ =	swait.ge [sflag:s20], $0x4000  }
.Ltmp1:
0x89: {  	[sflag:s20] =	ssyncset.done $0x0;
	(pc) =	sbr.rel @p0 .LBB2_4-.Ltmp1, $4  }
0x8a: {  	s25 =	sadd.s32 $0x1480, s25;
	[sflag:s20] =	ssyncadd.s32 $0xFFFFC000  }
0x8b: {  	[spmem:s1] =	stream.indirect.scatter.add.f32 [tilespmem:s18], [sflag:$0x3], $0x80, s25, s16, $0xb8;
	[tilespmem:$0x1E800] =	vst v63  }
0x8c: {  	_ =	swait.ge [sflag:s14], $0x4000  }
0x8d: {  	s26 =	smov.u32 s30;
	s25 =	sshra.s32 s29, $0x2;
	[sflag:s14] =	ssyncset.done $0x0  }
0x8e: {  	s26 =	sadd.s32 $0x80, s25;
	[sflag:s14] =	ssyncadd.s32 $0xFFFFC000  }
0x8f: {  	[tilespmem:s18], [sflag:$0x2] =	stream.indirect.gather [hbm4b:s4+s16], $0x80, s26, s16, $0xb8;
	[tilespmem:$0x1E800] =	vst v63  }
0x90: {  	_ =	swait.ge [sflag:s19], $0x4000  }
0x91: {  	[sflag:s19] =	ssyncset.done $0x0  }
0x92: {  	s29 =	sadd.s32 $0x1400, s25;
	[sflag:s19] =	ssyncadd.s32 $0xFFFFC000  }
0x93: {  	[spmem:s1] =	stream.indirect.scatter.add.f32 [tilespmem:s17], [sflag:$0x3], $0x80, s29, s16, $0xb8;
	[tilespmem:$0x1E800] =	vst v63  }
0x94: {  	_ =	swait.ge [sflag:s14], $0x4000  }
0x95: {  	[sflag:s14] =	ssyncset.done $0x0  }
0x96: {  	s30 =	sadd.s32 $0x100, s25;
	[sflag:s14] =	ssyncadd.s32 $0xFFFFC000  }
0x97: {  	[tilespmem:s17], [sflag:$0x1] =	stream.indirect.gather [hbm4b:s4+s16], $0x80, s30, s16, $0xb8;
	[tilespmem:$0x1E800] =	vst v63  }
0x98: {  	_ =	swait.ge [sflag:s20], $0x4000  }
0x99: {  	[sflag:s20] =	ssyncset.done $0x0  }
0x9a: {  	s31 =	sadd.s32 $0x1480, s25;
	[sflag:s20] =	ssyncadd.s32 $0xFFFFC000  }
0x9b: {  	[spmem:s1] =	stream.indirect.scatter.add.f32 [tilespmem:s18], [sflag:$0x3], $0x80, s31, s16, $0xb8;
	[tilespmem:$0x1E800] =	vst v63  }
0x9c: {  	_ =	swait.ge [sflag:s14], $0x4000  }
0x9d: {  	[sflag:s14] =	ssyncset.done $0x0  }
0x9e: {  	[sflag:s14] =	ssyncadd.s32 $0xFFFFC000  }
0x9f: {  	[tilespmem:s18], [sflag:$0x2] =	stream.indirect.gather [hbm4b:s4+s16], $0x80, s21, s16, $0xb8;
	[tilespmem:$0x1E800] =	vst v63  }
0xa0: {  	_ =	swait.ge [sflag:s19], $0x4000  }
0xa1: {  	[sflag:s19] =	ssyncset.done $0x0  }
0xa2: {  	[sflag:s19] =	ssyncadd.s32 $0xFFFFC000  }
0xa3: {  	[spmem:s1] =	stream.indirect.scatter.add.f32 [tilespmem:s17], [sflag:$0x3], $0x80, s22, s16, $0xb8;
	[tilespmem:$0x1E800] =	vst v63  }
0xa4: {  	_ =	swait.ge [sflag:s14], $0x4000  }
0xa5: {  	[sflag:s14] =	ssyncset.done $0x0  }
0xa6: {  	[sflag:s14] =	ssyncadd.s32 $0xFFFFC000  }
0xa7: {  	_ =	swait.ge [sflag:s20], $0x4000  }
0xa8: {  	[sflag:s20] =	ssyncset.done $0x0  }
0xa9: {  	[sflag:s20] =	ssyncadd.s32 $0xFFFFC000  }
0xaa: {  	[spmem:s1] =	stream.indirect.scatter.add.f32 [tilespmem:s18], [sflag:$0x3], $0x80, s23, s16, $0xb8;
	[tilespmem:$0x1E800] =	vst v63  }
0xab: {  	_ =	swait.ge [sflag:s14], $0x4000  }
0xac: {  	s24 =	sadd.s32 $0x1, s24;
	[sflag:s14] =	ssyncset.done $0x0  }
0xad: {  	p0 =	sne.s32 s24, s12;
	[sflag:s14] =	ssyncadd.s32 $0xFFFFC000  }
.Ltmp2:
0xae: {  	[bflag:$0x0] =	sbarrier.arrive $0xFFFF;
	(pc) =	sbr.rel @p0 .LBB2_1-.Ltmp2, $4  }
0xaf: {  	[hbm:s11], [sflag:s6] =	dma.local [spmem:s13], $0x2800  }
0xb0: {  	_ =	swait.ge [sflag:s14], $0x2800  }
0xb1: {  	[sflag:s14] =	ssyncset.done $0x0  }
0xb2: {  	[sflag:s14] =	ssyncadd.s32 $0xFFFFD800  }
0xb3: {  	_ =	sfence.sel $0x180000  }
0xb4: {  	[bflag:$0x0] =	sbarrier.arrive $0xFFFF  }
0xb5: {  	p0 =	sne.s32 s2, $0x0;
	_ =	strace $0x90000050  }
0xb6: {  	s0 =	sadd.s32 @!p0 $0x100000, s0;
	[bflag:$0x2] =	sbarrier.arrive $0xFFFF  }
0xb7: {  	[sflag:s0] =	ssyncadd.tile.s32 @!p0 $0x1;
	_ =	shalt  }
.Lfunc_end2:
_tile_overlayer_lowered:
.L_overlay_start_2:
0xb8: {  	(tag) =	ssettag $0x2  }
0xb9: {  	s0 =	rddreg [dreg:$0x0];
	s2 =	stileid.u32  }
0xba: {  	s1 =	rddreg [dreg:$0x1];
	p0 =	sne.s32 s2, $0x0  }
0xbb: {  	s3 =	rddreg [dreg:$0x2];
	[bflag:$0x3] =	sbarrier.arrive $0xFFFF;
	s2 =	simm.s32 @!p0 $0x1C03  }
0xbc: {  	[timem:s3], [sflag:s2] =	dma.local @!p0 [hbm:s0], s1  }
0xbd: {  	s0 =	simm.s32 @!p0 $0x3  }
0xbe: {  	_ =	swait.ge @!p0 [sflag:s0], s1  }
0xbf: {  	s1 =	ssub.s32 @!p0 $0x0, s1;
	[sflag:s0] =	ssyncset.done @!p0 $0x0  }
0xc0: {  	[sflag:s0] =	ssyncadd.s32 @!p0 s1  }
0xc1: {  	[bflag:$0x3] =	sbarrier.arrive $0xFFFF  }
0xc2: {  	_ =	shalt  }

</sc_bundles>
